<compile_context>
chip_gen: v7x
topology: tpu7x:2x2x1
jax: 0.10.2.dev20260603
libtpu: 0.0.44.dev20260713+nightly
codegen_flags: <defaults>
</compile_context>

<pallas_src>
import functools

import jax
import jax.numpy as jnp
from jax import lax
from jax.experimental import pallas as pl
from jax.experimental.pallas import tpu as pltpu
from jax.experimental.pallas import tpu_sc as plsc

NC = 2
NS = 16
NW = NC * NS
CH = 128
WDEG = 16
NBUF = 8
HID = 32


def _deg_body(chunks, rpt, ei_hbm, zeros_hbm, out_hbm, idx_v, ones_v, deg_sh):
    c = lax.axis_index("c")
    s = lax.axis_index("s")
    w = c * NS + s
    pltpu.sync_copy(ei_hbm.at[1, w], idx_v)
    ones16 = jnp.ones((WDEG,), jnp.float32)

    @pl.loop(0, CH)
    def _init_ones(i):
        ones_v[i, :] = ones16

    pltpu.sync_copy(zeros_hbm.at[pl.ds(s * rpt, rpt)], deg_sh.at[pl.ds(s * rpt, rpt)])
    plsc.subcore_barrier()

    @pl.loop(0, chunks)
    def _scatter(j):
        pltpu.sync_copy(ones_v, deg_sh.at[idx_v.at[j]], add=True)

    plsc.subcore_barrier()
    pltpu.sync_copy(deg_sh.at[pl.ds(s * rpt, rpt)], out_hbm.at[c, pl.ds(s * rpt, rpt)])


def _scat_body(chunks, rpt, ei_hbm, y_hbm, zeros_hbm, out_hbm,
               sidx, didx, bufs, acc_sh, gsems, ssems):
    c = lax.axis_index("c")
    s = lax.axis_index("s")
    w = c * NS + s
    pltpu.sync_copy(ei_hbm.at[0, w], sidx)
    pltpu.sync_copy(ei_hbm.at[1, w], didx)
    pltpu.sync_copy(zeros_hbm.at[pl.ds(s * rpt, rpt)], acc_sh.at[pl.ds(s * rpt, rpt)])
    plsc.subcore_barrier()

    def gather(j, b):
        pltpu.async_copy(y_hbm.at[sidx.at[j]], bufs.at[b], gsems.at[b])

    def gather_wait(j, b):
        pltpu.make_async_copy(y_hbm.at[sidx.at[j]], bufs.at[b], gsems.at[b]).wait()

    def scat(j, b):
        pltpu.async_copy(bufs.at[b], acc_sh.at[didx.at[j]], ssems.at[b], add=True)

    def scat_wait(j, b):
        pltpu.make_async_copy(bufs.at[b], acc_sh.at[didx.at[j]], ssems.at[b]).wait()

    for b in range(NBUF):
        gather(b, b)

    @pl.loop(0, chunks - NBUF, step=NBUF)
    def _group(j0):
        for b in range(NBUF):
            gather_wait(j0 + b, b)
            scat(j0 + b, b)
        for b in range(NBUF):
            scat_wait(j0 + b, b)
            gather(j0 + NBUF + b, b)

    j0 = chunks - NBUF
    for b in range(NBUF):
        gather_wait(j0 + b, b)
        scat(j0 + b, b)
    for b in range(NBUF):
        scat_wait(j0 + b, b)

    plsc.subcore_barrier()
    pltpu.sync_copy(acc_sh.at[pl.ds(s * rpt, rpt)], out_hbm.at[c, pl.ds(s * rpt, rpt)])


def _mm_body(x_ref, w_ref, xw_ref):
    xw_ref[...] = jnp.dot(x_ref[...], w_ref[...],
                          preferred_element_type=jnp.float32)


def _prescale_body(n, xw_ref, degs_ref, y_ref, dinv_ref):
    d = degs_ref[0] + degs_ref[1] + 1.0
    dinv = lax.rsqrt(d)
    y_ref[...] = xw_ref[...] * dinv
    dinv_ref[...] = dinv


def _head_body(n, p_ref, y_ref, dinv_ref, bgcn_ref, wih_ref, bih_ref, bhh_ref,
               wr_ref, br_ref, wc_ref, bc_ref, out_ref):
    dinv = dinv_ref[...]
    ssum = p_ref[0] + p_ref[1] + y_ref[...]
    g = ssum * dinv + bgcn_ref[...]
    h = jnp.maximum(g, 0.0)
    gi = lax.dot_general(h, wih_ref[...], (((1,), (1,)), ((), ())),
                         preferred_element_type=jnp.float32) + bih_ref[...]
    bhh = bhh_ref[...]
    r = jax.nn.sigmoid(gi[:, 0:HID] + bhh[:, 0:HID])
    z = jax.nn.sigmoid(gi[:, HID:2 * HID] + bhh[:, HID:2 * HID])
    nn = jnp.tanh(gi[:, 2 * HID:] + r * bhh[:, 2 * HID:])
    h2 = (1.0 - z) * nn
    out_ref[0, :, :] = jax.nn.sigmoid(
        jnp.sum(h2 * wr_ref[...], axis=1, keepdims=True) + br_ref[...])
    out_ref[1, :, :] = jax.nn.sigmoid(
        jnp.sum(h2 * wc_ref[...], axis=1, keepdims=True) + bc_ref[...])


def kernel(x, edge_index, W_gcn, b_gcn, W_ih, W_hh, b_ih, b_hh,
           W_risk, b_risk, W_conf, b_conf):
    n, in_ch = x.shape
    e = edge_index.shape[1]
    del W_hh

    chunks = -(-e // (NW * CH))
    chunks += (-chunks) % NBUF
    epad = NW * CH * chunks
    npad = -(-(n + 1) // (NS * 8)) * (NS * 8)
    rpt = npad // NS

    pad = epad - e
    ar = jnp.arange(pad, dtype=jnp.int32)
    junk = jnp.stack([ar % n, n + ar % (npad - n)])
    eip = jnp.concatenate([edge_index, junk], axis=1).reshape(2, NW, chunks, CH)

    zeros_deg = jnp.zeros((npad, WDEG), jnp.float32)
    zeros_acc = jnp.zeros((npad, HID), jnp.float32)

    mesh = plsc.VectorSubcoreMesh(core_axis_name="c", subcore_axis_name="s",
                                  num_cores=NC, num_subcores=NS)
    sc_params = pltpu.CompilerParams(use_tc_tiling_on_sc=False)

    deg_k = pl.kernel(
        functools.partial(_deg_body, chunks, rpt),
        out_type=jax.ShapeDtypeStruct((NC, npad, WDEG), jnp.float32),
        mesh=mesh,
        scratch_types=[
            pltpu.VMEM((chunks, CH), jnp.int32),
            pltpu.VMEM((CH, WDEG), jnp.float32),
            pltpu.VMEM_SHARED((npad, WDEG), jnp.float32),
        ],
        compiler_params=sc_params,
    )
    degs = deg_k(eip, zeros_deg)

    xw = pl.pallas_call(
        _mm_body,
        out_shape=jax.ShapeDtypeStruct((n, HID), jnp.float32),
    )(x, W_gcn)

    y, dinv = pl.pallas_call(
        functools.partial(_prescale_body, n),
        out_shape=(jax.ShapeDtypeStruct((n, HID), jnp.float32),
                   jax.ShapeDtypeStruct((n, 1), jnp.float32)),
    )(xw, degs[:, :n, 0:1])

    scat_k = pl.kernel(
        functools.partial(_scat_body, chunks, rpt),
        out_type=jax.ShapeDtypeStruct((NC, npad, HID), jnp.float32),
        mesh=mesh,
        scratch_types=[
            pltpu.VMEM((chunks, CH), jnp.int32),
            pltpu.VMEM((chunks, CH), jnp.int32),
            pltpu.VMEM((NBUF, CH, HID), jnp.float32),
            pltpu.VMEM_SHARED((npad, HID), jnp.float32),
            pltpu.SemaphoreType.DMA((NBUF,)),
            pltpu.SemaphoreType.DMA((NBUF,)),
        ],
        compiler_params=sc_params,
    )
    parts = scat_k(eip, y, zeros_acc)

    out = pl.pallas_call(
        functools.partial(_head_body, n),
        out_shape=jax.ShapeDtypeStruct((2, n, 1), jnp.float32),
    )(parts[:, :n, :], y, dinv, b_gcn.reshape(1, HID), W_ih, b_ih.reshape(1, 3 * HID),
      b_hh.reshape(1, 3 * HID), W_risk, b_risk.reshape(1, 1),
      W_conf, b_conf.reshape(1, 1))
    return (out[0], out[1])

# --- scband reference (transcript-rebuilt; emitter-appended) ---
"""Pipeline reference for scband-temporal-gnn-89258010346054 (READ-ONLY COPY).

The authoritative reference and input builder live on the scoring server;
editing this copy changes nothing except your own understanding.
"""

import jax, jax.numpy as jnp
import numpy as np

N = 10000
E = 320000
IN_CH = 128
HID = 32


def setup_inputs(seed: int = 0) -> dict:
    key = jax.random.key(seed)
    ks = jax.random.split(key, 12)
    x = jax.random.normal(ks[0], (N, IN_CH), dtype=jnp.float32)
    edge_index = jax.random.randint(ks[1], (2, E), 0, N, dtype=jnp.int32)
    s = 0.1
    W_gcn = jax.random.normal(ks[2], (IN_CH, HID), dtype=jnp.float32) * s
    b_gcn = jnp.zeros((HID,), dtype=jnp.float32)
    W_ih = jax.random.normal(ks[3], (3 * HID, HID), dtype=jnp.float32) * s
    W_hh = jax.random.normal(ks[4], (3 * HID, HID), dtype=jnp.float32) * s
    b_ih = jax.random.normal(ks[5], (3 * HID,), dtype=jnp.float32) * s
    b_hh = jax.random.normal(ks[6], (3 * HID,), dtype=jnp.float32) * s
    W_risk = jax.random.normal(ks[7], (1, HID), dtype=jnp.float32) * s
    b_risk = jnp.zeros((1,), dtype=jnp.float32)
    W_conf = jax.random.normal(ks[8], (1, HID), dtype=jnp.float32) * s
    b_conf = jnp.zeros((1,), dtype=jnp.float32)
    return {"x": x, "edge_index": edge_index, "W_gcn": W_gcn, "b_gcn": b_gcn,
            "W_ih": W_ih, "W_hh": W_hh, "b_ih": b_ih, "b_hh": b_hh,
            "W_risk": W_risk, "b_risk": b_risk, "W_conf": W_conf, "b_conf": b_conf}


def _gcn_conv(x, edge_index, W, b):
    src = edge_index[0]
    dst = edge_index[1]
    loop = jnp.arange(N, dtype=src.dtype)
    src = jnp.concatenate([src, loop])
    dst = jnp.concatenate([dst, loop])
    deg = jnp.zeros((N,), dtype=jnp.float32).at[dst].add(1.0)
    dinv = jnp.where(deg > 0, 1.0 / jnp.sqrt(deg), 0.0)
    norm = dinv[src] * dinv[dst]
    xw = x @ W
    msg = jnp.take(xw, src, axis=0) * norm[:, None]
    out = jax.ops.segment_sum(msg, dst, num_segments=N)
    return out + b


def _gru_step(h_in, W_ih, W_hh, b_ih, b_hh):
    # single timestep GRU with h0 = 0
    gi = h_in @ W_ih.T + b_ih
    i_r, i_z, i_n = gi[:, :HID], gi[:, HID:2 * HID], gi[:, 2 * HID:]
    h_r, h_z, h_n = b_hh[:HID], b_hh[HID:2 * HID], b_hh[2 * HID:]
    r = jax.nn.sigmoid(i_r + h_r)
    z = jax.nn.sigmoid(i_z + h_z)
    n = jnp.tanh(i_n + r * h_n)
    h = (1.0 - z) * n  # + z * h0, h0 = 0
    return h


def reference(x, edge_index, W_gcn, b_gcn, W_ih, W_hh, b_ih, b_hh, W_risk, b_risk, W_conf, b_conf):
    h = _gcn_conv(x, edge_index, W_gcn, b_gcn)
    h = jax.nn.relu(h)
    h = _gru_step(h, W_ih, W_hh, b_ih, b_hh)
    risk = jax.nn.sigmoid(h @ W_risk.T + b_risk)
    conf = jax.nn.sigmoid(h @ W_conf.T + b_conf)
    return (risk, conf)

if __name__ == "__main__":
    import jax
    _d = setup_inputs()
    print(jax.jit(kernel)(*tuple(_d.values())))

</pallas_src>

<mosaic_0001>
#map = affine_map<(d0, d1) -> (0, 0, 0, 0)>
#map1 = affine_map<(d0, d1) -> (0, 0)>
#map2 = affine_map<(d0, d1) -> (0, 0, 0)>
module attributes {stable_mosaic.version = 14 : i64} {
  func.func @_deg_body(%arg0: i32, %arg1: i32, %arg2: memref<2x32x80x128xi32, #tpu.memory_space<hbm>>, %arg3: memref<10112x16xf32, #tpu.memory_space<hbm>>, %arg4: memref<2x10112x16xf32, #tpu.memory_space<hbm>>, %arg5: memref<80x128xi32, #tpu.memory_space<vmem>>, %arg6: memref<128x16xf32, #tpu.memory_space<vmem>>, %arg7: memref<10112x16xf32, #tpu.memory_space<vmem_shared>>) attributes {dimension_semantics = [#tpu.dimension_semantics<core_parallel>, #tpu.dimension_semantics<subcore_parallel>], iteration_bounds = array<i64: 2, 16>, scalar_prefetch = 0 : i64, scratch_operands = 3 : i64, tpu.core_type = #tpu.core_type<sc_vector_subcore>, window_params = [{transform_indices = #map}, {transform_indices = #map1}, {transform_indices = #map2}]} {
    %mul3A = arith.constant 16 : i32
    %mul3A_0 = arith.muli %arg0, %mul3A : i32
    %add3A = arith.addi %mul3A_0, %arg1 : i32
    %run_scoped3A = arith.constant 1 : i32
    "tpu.region"() ({
      %run_scoped3A_20 = tpu.sem_alloc : memref<!tpu.dma_semaphore, #tpu.memory_space<semaphore_mem>>
      %dma_start3A = arith.constant 0 : i32
      %dma_start3A_21 = arith.constant 0 : i32
      %dma_start3A_22 = tpu.memref_slice %arg2[%run_scoped3A, %add3A, %dma_start3A, %dma_start3A_21] : memref<2x32x80x128xi32, #tpu.memory_space<hbm>> -> memref<1x1x80x128xi32, #tpu.memory_space<hbm>>
      %dma_start3A_23 = tpu.memref_squeeze %dma_start3A_22 : memref<1x1x80x128xi32, #tpu.memory_space<hbm>> -> memref<80x128xi32, #tpu.memory_space<hbm>>
      %dma_start3A_24 = arith.constant 0 : i32
      %dma_start3A_25 = arith.constant 0 : i32
      %dma_start3A_26 = tpu.memref_slice %arg2[%run_scoped3A, %add3A, %dma_start3A_24, %dma_start3A_25] : memref<2x32x80x128xi32, #tpu.memory_space<hbm>> -> memref<1x1x80x128xi32, #tpu.memory_space<hbm>>
      %dma_start3A_27 = tpu.memref_squeeze %dma_start3A_26 : memref<1x1x80x128xi32, #tpu.memory_space<hbm>> -> memref<80x128xi32, #tpu.memory_space<hbm>>
      tpu.enqueue_dma source(%dma_start3A_27 : memref<80x128xi32, #tpu.memory_space<hbm>>) target(%arg5 : memref<80x128xi32, #tpu.memory_space<vmem>>) target_semaphore(%run_scoped3A_20 : memref<!tpu.dma_semaphore, #tpu.memory_space<semaphore_mem>>)
      %dma_wait3A = arith.constant 0 : i32
      %dma_wait3A_28 = arith.constant 0 : i32
      %dma_wait3A_29 = tpu.memref_slice %arg2[%run_scoped3A, %add3A, %dma_wait3A, %dma_wait3A_28] : memref<2x32x80x128xi32, #tpu.memory_space<hbm>> -> memref<1x1x80x128xi32, #tpu.memory_space<hbm>>
      %dma_wait3A_30 = tpu.memref_squeeze %dma_wait3A_29 : memref<1x1x80x128xi32, #tpu.memory_space<hbm>> -> memref<80x128xi32, #tpu.memory_space<hbm>>
      %dma_wait3A_31 = arith.constant 0 : i32
      %dma_wait3A_32 = arith.constant 0 : i32
      %dma_wait3A_33 = tpu.memref_slice %arg2[%run_scoped3A, %add3A, %dma_wait3A_31, %dma_wait3A_32] : memref<2x32x80x128xi32, #tpu.memory_space<hbm>> -> memref<1x1x80x128xi32, #tpu.memory_space<hbm>>
      %dma_wait3A_34 = tpu.memref_squeeze %dma_wait3A_33 : memref<1x1x80x128xi32, #tpu.memory_space<hbm>> -> memref<80x128xi32, #tpu.memory_space<hbm>>
      tpu.wait_dma2 semaphore(%run_scoped3A_20 : memref<!tpu.dma_semaphore, #tpu.memory_space<semaphore_mem>>) src(%dma_wait3A_34 : memref<80x128xi32, #tpu.memory_space<hbm>>) dst(%arg5 : memref<80x128xi32, #tpu.memory_space<vmem>>)
      tpu.yield
    }) : () -> ()
    %broadcast_in_dim3A = arith.constant 1.000000e+00 : f32
    %broadcast_in_dim3A_1 = vector.broadcast %broadcast_in_dim3A : f32 to vector<16xf32>
    %scan3A = arith.constant 0 : i32
    %scan3A_2 = arith.constant 128 : i32
    %scan3A_3 = arith.addi %scan3A, %scan3A_2 : i32
    %scan3A_4 = arith.constant 1 : i32
    scf.for %scan3A_20 = %scan3A to %scan3A_3 step %scan3A_4  : i32 {
      %mul3A_21 = arith.constant 1 : i32
      %mul3A_22 = arith.muli %scan3A_20, %mul3A_21 : i32
      %add3A_23 = arith.constant 0 : i32
      %add3A_24 = arith.addi %add3A_23, %mul3A_22 : i32
      %swap3A = arith.index_cast %add3A_24 : i32 to index
      %swap3A_25 = arith.constant 0 : index
      %swap3A_26 = tpu.vector_load %arg6[%swap3A, %swap3A_25] {strides = array<i32>} : memref<128x16xf32, #tpu.memory_space<vmem>>, vector<1x16xf32>,
      %swap3A_27 = vector.shape_cast %swap3A_26 : vector<1x16xf32> to vector<16xf32>
      %swap3A_28 = vector.shape_cast %broadcast_in_dim3A_1 : vector<16xf32> to vector<1x16xf32>
      tpu.vector_store %arg6[%swap3A, %swap3A_25], %swap3A_28 {strides = array<i32>} : memref<128x16xf32, #tpu.memory_space<vmem>>, vector<1x16xf32>,
    }
    %scan3A_5 = arith.constant 128 : i32
    %mul3A_6 = arith.constant 632 : i32
    %mul3A_7 = arith.muli %arg1, %mul3A_6 : i32
    %mul3A_8 = arith.constant 632 : i32
    %mul3A_9 = arith.muli %arg1, %mul3A_8 : i32
    "tpu.region"() ({
      %run_scoped3A_20 = tpu.sem_alloc : memref<!tpu.dma_semaphore, #tpu.memory_space<semaphore_mem>>
      %dma_start3A = arith.constant 0 : i32
      %dma_start3A_21 = tpu.memref_slice %arg7[%mul3A_9, %dma_start3A] : memref<10112x16xf32, #tpu.memory_space<vmem_shared>> -> memref<632x16xf32, #tpu.memory_space<vmem_shared>>
      %dma_start3A_22 = arith.constant 0 : i32
      %dma_start3A_23 = tpu.memref_slice %arg3[%mul3A_7, %dma_start3A_22] : memref<10112x16xf32, #tpu.memory_space<hbm>> -> memref<632x16xf32, #tpu.memory_space<hbm>>
      tpu.enqueue_dma source(%dma_start3A_23 : memref<632x16xf32, #tpu.memory_space<hbm>>) target(%dma_start3A_21 : memref<632x16xf32, #tpu.memory_space<vmem_shared>>) target_semaphore(%run_scoped3A_20 : memref<!tpu.dma_semaphore, #tpu.memory_space<semaphore_mem>>)
      %dma_wait3A = arith.constant 0 : i32
      %dma_wait3A_24 = tpu.memref_slice %arg7[%mul3A_9, %dma_wait3A] : memref<10112x16xf32, #tpu.memory_space<vmem_shared>> -> memref<632x16xf32, #tpu.memory_space<vmem_shared>>
      %dma_wait3A_25 = arith.constant 0 : i32
      %dma_wait3A_26 = tpu.memref_slice %arg3[%mul3A_7, %dma_wait3A_25] : memref<10112x16xf32, #tpu.memory_space<hbm>> -> memref<632x16xf32, #tpu.memory_space<hbm>>
      tpu.wait_dma2 semaphore(%run_scoped3A_20 : memref<!tpu.dma_semaphore, #tpu.memory_space<semaphore_mem>>) src(%dma_wait3A_26 : memref<632x16xf32, #tpu.memory_space<hbm>>) dst(%dma_wait3A_24 : memref<632x16xf32, #tpu.memory_space<vmem_shared>>)
      tpu.yield
    }) : () -> ()
    %barrier3A = arith.constant 0 : index
    tpu.barrier barrier_id(%barrier3A)
    %scan3A_10 = arith.constant 0 : i32
    %scan3A_11 = arith.constant 80 : i32
    %scan3A_12 = arith.addi %scan3A_10, %scan3A_11 : i32
    %scan3A_13 = arith.constant 1 : i32
    scf.for %scan3A_20 = %scan3A_10 to %scan3A_12 step %scan3A_13  : i32 {
      %mul3A_21 = arith.constant 1 : i32
      %mul3A_22 = arith.muli %scan3A_20, %mul3A_21 : i32
      %add3A_23 = arith.constant 0 : i32
      %add3A_24 = arith.addi %add3A_23, %mul3A_22 : i32
      "tpu.region"() ({
        %run_scoped3A_25 = tpu.sem_alloc : memref<!tpu.dma_semaphore, #tpu.memory_space<semaphore_mem>>
        %dma_start3A = arith.constant 0 : i32
        %dma_start3A_26 = tpu.memref_slice %arg5[%add3A_24, %dma_start3A] : memref<80x128xi32, #tpu.memory_space<vmem>> -> memref<1x128xi32, #tpu.memory_space<vmem>>
        %dma_start3A_27 = tpu.memref_squeeze %dma_start3A_26 : memref<1x128xi32, #tpu.memory_space<vmem>> -> memref<128xi32, #tpu.memory_space<vmem>>
        %dma_start3A_28 = arith.constant 0 : i32
        %dma_start3A_29 = arith.constant 0 : i32
        %dma_start3A_30 = tpu.memref_slice %arg7[%dma_start3A_28, %dma_start3A_29] : memref<10112x16xf32, #tpu.memory_space<vmem_shared>> -> memref<10112x16xf32, #tpu.memory_space<vmem_shared>>
        tpu.enqueue_indirect_dma source(%arg6 : memref<128x16xf32, #tpu.memory_space<vmem>>) target(%dma_start3A_30 : memref<10112x16xf32, #tpu.memory_space<vmem_shared>>) offsets(%dma_start3A_27 : memref<128xi32, #tpu.memory_space<vmem>>) semaphore(%run_scoped3A_25 : memref<!tpu.dma_semaphore, #tpu.memory_space<semaphore_mem>>) {add = true}
        %dma_wait3A = arith.constant 0 : i32
        %dma_wait3A_31 = tpu.memref_slice %arg5[%add3A_24, %dma_wait3A] : memref<80x128xi32, #tpu.memory_space<vmem>> -> memref<1x128xi32, #tpu.memory_space<vmem>>
        %dma_wait3A_32 = tpu.memref_squeeze %dma_wait3A_31 : memref<1x128xi32, #tpu.memory_space<vmem>> -> memref<128xi32, #tpu.memory_space<vmem>>
        %dma_wait3A_33 = arith.constant 0 : i32
        %dma_wait3A_34 = arith.constant 0 : i32
        %dma_wait3A_35 = tpu.memref_slice %arg7[%dma_wait3A_33, %dma_wait3A_34] : memref<10112x16xf32, #tpu.memory_space<vmem_shared>> -> memref<10112x16xf32, #tpu.memory_space<vmem_shared>>
        tpu.wait_indirect_dma semaphore(%run_scoped3A_25 : memref<!tpu.dma_semaphore, #tpu.memory_space<semaphore_mem>>) src(%arg6 : memref<128x16xf32, #tpu.memory_space<vmem>>) dst(%dma_wait3A_35 : memref<10112x16xf32, #tpu.memory_space<vmem_shared>>)
        tpu.yield
      }) : () -> ()
    }
    %scan3A_14 = arith.constant 80 : i32
    %barrier3A_15 = arith.constant 0 : index
    tpu.barrier barrier_id(%barrier3A_15)
    %mul3A_16 = arith.constant 632 : i32
    %mul3A_17 = arith.muli %arg1, %mul3A_16 : i32
    %mul3A_18 = arith.constant 632 : i32
    %mul3A_19 = arith.muli %arg1, %mul3A_18 : i32
    "tpu.region"() ({
      %run_scoped3A_20 = tpu.sem_alloc : memref<!tpu.dma_semaphore, #tpu.memory_space<semaphore_mem>>
      %dma_start3A = arith.constant 0 : i32
      %dma_start3A_21 = tpu.memref_slice %arg4[%arg0, %mul3A_19, %dma_start3A] : memref<2x10112x16xf32, #tpu.memory_space<hbm>> -> memref<1x632x16xf32, #tpu.memory_space<hbm>>
      %dma_start3A_22 = tpu.memref_squeeze %dma_start3A_21 : memref<1x632x16xf32, #tpu.memory_space<hbm>> -> memref<632x16xf32, #tpu.memory_space<hbm>>
      %dma_start3A_23 = arith.constant 0 : i32
      %dma_start3A_24 = tpu.memref_slice %arg7[%mul3A_17, %dma_start3A_23] : memref<10112x16xf32, #tpu.memory_space<vmem_shared>> -> memref<632x16xf32, #tpu.memory_space<vmem_shared>>
      tpu.enqueue_dma source(%dma_start3A_24 : memref<632x16xf32, #tpu.memory_space<vmem_shared>>) target(%dma_start3A_22 : memref<632x16xf32, #tpu.memory_space<hbm>>) target_semaphore(%run_scoped3A_20 : memref<!tpu.dma_semaphore, #tpu.memory_space<semaphore_mem>>)
      %dma_wait3A = arith.constant 0 : i32
      %dma_wait3A_25 = tpu.memref_slice %arg4[%arg0, %mul3A_19, %dma_wait3A] : memref<2x10112x16xf32, #tpu.memory_space<hbm>> -> memref<1x632x16xf32, #tpu.memory_space<hbm>>
      %dma_wait3A_26 = tpu.memref_squeeze %dma_wait3A_25 : memref<1x632x16xf32, #tpu.memory_space<hbm>> -> memref<632x16xf32, #tpu.memory_space<hbm>>
      %dma_wait3A_27 = arith.constant 0 : i32
      %dma_wait3A_28 = tpu.memref_slice %arg7[%mul3A_17, %dma_wait3A_27] : memref<10112x16xf32, #tpu.memory_space<vmem_shared>> -> memref<632x16xf32, #tpu.memory_space<vmem_shared>>
      tpu.wait_dma2 semaphore(%run_scoped3A_20 : memref<!tpu.dma_semaphore, #tpu.memory_space<semaphore_mem>>) src(%dma_wait3A_28 : memref<632x16xf32, #tpu.memory_space<vmem_shared>>) dst(%dma_wait3A_26 : memref<632x16xf32, #tpu.memory_space<hbm>>)
      tpu.yield
    }) : () -> ()
    return
  }
}

#map = affine_map<(d0, d1) -> (0, 0, 0, 0)>
#map1 = affine_map<(d0, d1) -> (0, 0)>
#map2 = affine_map<(d0, d1) -> (0, 0, 0)>
module attributes {stable_mosaic.version = 14 : i64} {
  func.func @_scat_body(%arg0: i32, %arg1: i32, %arg2: memref<2x32x80x128xi32, #tpu.memory_space<hbm>>, %arg3: memref<10000x32xf32, #tpu.memory_space<hbm>>, %arg4: memref<10112x32xf32, #tpu.memory_space<hbm>>, %arg5: memref<2x10112x32xf32, #tpu.memory_space<hbm>>, %arg6: memref<80x128xi32, #tpu.memory_space<vmem>>, %arg7: memref<80x128xi32, #tpu.memory_space<vmem>>, %arg8: memref<8x128x32xf32, #tpu.memory_space<vmem>>, %arg9: memref<10112x32xf32, #tpu.memory_space<vmem_shared>>, %arg10: memref<8x!tpu.dma_semaphore, #tpu.memory_space<semaphore_mem>>, %arg11: memref<8x!tpu.dma_semaphore, #tpu.memory_space<semaphore_mem>>) attributes {dimension_semantics = [#tpu.dimension_semantics<core_parallel>, #tpu.dimension_semantics<subcore_parallel>], iteration_bounds = array<i64: 2, 16>, scalar_prefetch = 0 : i64, scratch_operands = 6 : i64, tpu.core_type = #tpu.core_type<sc_vector_subcore>, window_params = [{transform_indices = #map}, {transform_indices = #map1}, {transform_indices = #map1}, {transform_indices = #map2}]} {
    %mul3A = arith.constant 16 : i32
    %mul3A_0 = arith.muli %arg0, %mul3A : i32
    %add3A = arith.addi %mul3A_0, %arg1 : i32
    %run_scoped3A = arith.constant 0 : i32
    "tpu.region"() ({
      %run_scoped3A_493 = tpu.sem_alloc : memref<!tpu.dma_semaphore, #tpu.memory_space<semaphore_mem>>
      %dma_start3A_494 = arith.constant 0 : i32
      %dma_start3A_495 = arith.constant 0 : i32
      %dma_start3A_496 = tpu.memref_slice %arg2[%run_scoped3A, %add3A, %dma_start3A_494, %dma_start3A_495] : memref<2x32x80x128xi32, #tpu.memory_space<hbm>> -> memref<1x1x80x128xi32, #tpu.memory_space<hbm>>
      %dma_start3A_497 = tpu.memref_squeeze %dma_start3A_496 : memref<1x1x80x128xi32, #tpu.memory_space<hbm>> -> memref<80x128xi32, #tpu.memory_space<hbm>>
      %dma_start3A_498 = arith.constant 0 : i32
      %dma_start3A_499 = arith.constant 0 : i32
      %dma_start3A_500 = tpu.memref_slice %arg2[%run_scoped3A, %add3A, %dma_start3A_498, %dma_start3A_499] : memref<2x32x80x128xi32, #tpu.memory_space<hbm>> -> memref<1x1x80x128xi32, #tpu.memory_space<hbm>>
      %dma_start3A_501 = tpu.memref_squeeze %dma_start3A_500 : memref<1x1x80x128xi32, #tpu.memory_space<hbm>> -> memref<80x128xi32, #tpu.memory_space<hbm>>
      tpu.enqueue_dma source(%dma_start3A_501 : memref<80x128xi32, #tpu.memory_space<hbm>>) target(%arg6 : memref<80x128xi32, #tpu.memory_space<vmem>>) target_semaphore(%run_scoped3A_493 : memref<!tpu.dma_semaphore, #tpu.memory_space<semaphore_mem>>)
      %dma_wait3A_502 = arith.constant 0 : i32
      %dma_wait3A_503 = arith.constant 0 : i32
      %dma_wait3A_504 = tpu.memref_slice %arg2[%run_scoped3A, %add3A, %dma_wait3A_502, %dma_wait3A_503] : memref<2x32x80x128xi32, #tpu.memory_space<hbm>> -> memref<1x1x80x128xi32, #tpu.memory_space<hbm>>
      %dma_wait3A_505 = tpu.memref_squeeze %dma_wait3A_504 : memref<1x1x80x128xi32, #tpu.memory_space<hbm>> -> memref<80x128xi32, #tpu.memory_space<hbm>>
      %dma_wait3A_506 = arith.constant 0 : i32
      %dma_wait3A_507 = arith.constant 0 : i32
      %dma_wait3A_508 = tpu.memref_slice %arg2[%run_scoped3A, %add3A, %dma_wait3A_506, %dma_wait3A_507] : memref<2x32x80x128xi32, #tpu.memory_space<hbm>> -> memref<1x1x80x128xi32, #tpu.memory_space<hbm>>
      %dma_wait3A_509 = tpu.memref_squeeze %dma_wait3A_508 : memref<1x1x80x128xi32, #tpu.memory_space<hbm>> -> memref<80x128xi32, #tpu.memory_space<hbm>>
      tpu.wait_dma2 semaphore(%run_scoped3A_493 : memref<!tpu.dma_semaphore, #tpu.memory_space<semaphore_mem>>) src(%dma_wait3A_509 : memref<80x128xi32, #tpu.memory_space<hbm>>) dst(%arg6 : memref<80x128xi32, #tpu.memory_space<vmem>>)
      tpu.yield
    }) : () -> ()
    %run_scoped3A_1 = arith.constant 1 : i32
    "tpu.region"() ({
      %run_scoped3A_493 = tpu.sem_alloc : memref<!tpu.dma_semaphore, #tpu.memory_space<semaphore_mem>>
      %dma_start3A_494 = arith.constant 0 : i32
      %dma_start3A_495 = arith.constant 0 : i32
      %dma_start3A_496 = tpu.memref_slice %arg2[%run_scoped3A_1, %add3A, %dma_start3A_494, %dma_start3A_495] : memref<2x32x80x128xi32, #tpu.memory_space<hbm>> -> memref<1x1x80x128xi32, #tpu.memory_space<hbm>>
      %dma_start3A_497 = tpu.memref_squeeze %dma_start3A_496 : memref<1x1x80x128xi32, #tpu.memory_space<hbm>> -> memref<80x128xi32, #tpu.memory_space<hbm>>
      %dma_start3A_498 = arith.constant 0 : i32
      %dma_start3A_499 = arith.constant 0 : i32
      %dma_start3A_500 = tpu.memref_slice %arg2[%run_scoped3A_1, %add3A, %dma_start3A_498, %dma_start3A_499] : memref<2x32x80x128xi32, #tpu.memory_space<hbm>> -> memref<1x1x80x128xi32, #tpu.memory_space<hbm>>
      %dma_start3A_501 = tpu.memref_squeeze %dma_start3A_500 : memref<1x1x80x128xi32, #tpu.memory_space<hbm>> -> memref<80x128xi32, #tpu.memory_space<hbm>>
      tpu.enqueue_dma source(%dma_start3A_501 : memref<80x128xi32, #tpu.memory_space<hbm>>) target(%arg7 : memref<80x128xi32, #tpu.memory_space<vmem>>) target_semaphore(%run_scoped3A_493 : memref<!tpu.dma_semaphore, #tpu.memory_space<semaphore_mem>>)
      %dma_wait3A_502 = arith.constant 0 : i32
      %dma_wait3A_503 = arith.constant 0 : i32
      %dma_wait3A_504 = tpu.memref_slice %arg2[%run_scoped3A_1, %add3A, %dma_wait3A_502, %dma_wait3A_503] : memref<2x32x80x128xi32, #tpu.memory_space<hbm>> -> memref<1x1x80x128xi32, #tpu.memory_space<hbm>>
      %dma_wait3A_505 = tpu.memref_squeeze %dma_wait3A_504 : memref<1x1x80x128xi32, #tpu.memory_space<hbm>> -> memref<80x128xi32, #tpu.memory_space<hbm>>
      %dma_wait3A_506 = arith.constant 0 : i32
      %dma_wait3A_507 = arith.constant 0 : i32
      %dma_wait3A_508 = tpu.memref_slice %arg2[%run_scoped3A_1, %add3A, %dma_wait3A_506, %dma_wait3A_507] : memref<2x32x80x128xi32, #tpu.memory_space<hbm>> -> memref<1x1x80x128xi32, #tpu.memory_space<hbm>>
      %dma_wait3A_509 = tpu.memref_squeeze %dma_wait3A_508 : memref<1x1x80x128xi32, #tpu.memory_space<hbm>> -> memref<80x128xi32, #tpu.memory_space<hbm>>
      tpu.wait_dma2 semaphore(%run_scoped3A_493 : memref<!tpu.dma_semaphore, #tpu.memory_space<semaphore_mem>>) src(%dma_wait3A_509 : memref<80x128xi32, #tpu.memory_space<hbm>>) dst(%arg7 : memref<80x128xi32, #tpu.memory_space<vmem>>)
      tpu.yield
    }) : () -> ()
    %mul3A_2 = arith.constant 632 : i32
    %mul3A_3 = arith.muli %arg1, %mul3A_2 : i32
    %mul3A_4 = arith.constant 632 : i32
    %mul3A_5 = arith.muli %arg1, %mul3A_4 : i32
    "tpu.region"() ({
      %run_scoped3A_493 = tpu.sem_alloc : memref<!tpu.dma_semaphore, #tpu.memory_space<semaphore_mem>>
      %dma_start3A_494 = arith.constant 0 : i32
      %dma_start3A_495 = tpu.memref_slice %arg9[%mul3A_5, %dma_start3A_494] : memref<10112x32xf32, #tpu.memory_space<vmem_shared>> -> memref<632x32xf32, #tpu.memory_space<vmem_shared>>
      %dma_start3A_496 = arith.constant 0 : i32
      %dma_start3A_497 = tpu.memref_slice %arg4[%mul3A_3, %dma_start3A_496] : memref<10112x32xf32, #tpu.memory_space<hbm>> -> memref<632x32xf32, #tpu.memory_space<hbm>>
      tpu.enqueue_dma source(%dma_start3A_497 : memref<632x32xf32, #tpu.memory_space<hbm>>) target(%dma_start3A_495 : memref<632x32xf32, #tpu.memory_space<vmem_shared>>) target_semaphore(%run_scoped3A_493 : memref<!tpu.dma_semaphore, #tpu.memory_space<semaphore_mem>>)
      %dma_wait3A_498 = arith.constant 0 : i32
      %dma_wait3A_499 = tpu.memref_slice %arg9[%mul3A_5, %dma_wait3A_498] : memref<10112x32xf32, #tpu.memory_space<vmem_shared>> -> memref<632x32xf32, #tpu.memory_space<vmem_shared>>
      %dma_wait3A_500 = arith.constant 0 : i32
      %dma_wait3A_501 = tpu.memref_slice %arg4[%mul3A_3, %dma_wait3A_500] : memref<10112x32xf32, #tpu.memory_space<hbm>> -> memref<632x32xf32, #tpu.memory_space<hbm>>
      tpu.wait_dma2 semaphore(%run_scoped3A_493 : memref<!tpu.dma_semaphore, #tpu.memory_space<semaphore_mem>>) src(%dma_wait3A_501 : memref<632x32xf32, #tpu.memory_space<hbm>>) dst(%dma_wait3A_499 : memref<632x32xf32, #tpu.memory_space<vmem_shared>>)
      tpu.yield
    }) : () -> ()
    %barrier3A = arith.constant 0 : index
    tpu.barrier barrier_id(%barrier3A)
    %dma_start3A = arith.constant 0 : i32
    %dma_start3A_6 = arith.constant 0 : i32
    %dma_start3A_7 = arith.constant 0 : i32
    %dma_start3A_8 = arith.constant 0 : i32
    %dma_start3A_9 = arith.constant 0 : i32
    %dma_start3A_10 = tpu.memref_slice %arg8[%dma_start3A_6, %dma_start3A_8, %dma_start3A_9] : memref<8x128x32xf32, #tpu.memory_space<vmem>> -> memref<1x128x32xf32, #tpu.memory_space<vmem>>
    %dma_start3A_11 = tpu.memref_squeeze %dma_start3A_10 : memref<1x128x32xf32, #tpu.memory_space<vmem>> -> memref<128x32xf32, #tpu.memory_space<vmem>>
    %dma_start3A_12 = arith.constant 0 : i32
    %dma_start3A_13 = tpu.memref_slice %arg6[%dma_start3A, %dma_start3A_12] : memref<80x128xi32, #tpu.memory_space<vmem>> -> memref<1x128xi32, #tpu.memory_space<vmem>>
    %dma_start3A_14 = tpu.memref_squeeze %dma_start3A_13 : memref<1x128xi32, #tpu.memory_space<vmem>> -> memref<128xi32, #tpu.memory_space<vmem>>
    %dma_start3A_15 = arith.constant 0 : i32
    %dma_start3A_16 = arith.constant 0 : i32
    %dma_start3A_17 = tpu.memref_slice %arg3[%dma_start3A_15, %dma_start3A_16] : memref<10000x32xf32, #tpu.memory_space<hbm>> -> memref<10000x32xf32, #tpu.memory_space<hbm>>
    %dma_start3A_18 = tpu.memref_slice %arg10[%dma_start3A_7] : memref<8x!tpu.dma_semaphore, #tpu.memory_space<semaphore_mem>> -> memref<1x!tpu.dma_semaphore, #tpu.memory_space<semaphore_mem>>
    %dma_start3A_19 = tpu.memref_squeeze %dma_start3A_18 : memref<1x!tpu.dma_semaphore, #tpu.memory_space<semaphore_mem>> -> memref<!tpu.dma_semaphore, #tpu.memory_space<semaphore_mem>>
    tpu.enqueue_indirect_dma source(%dma_start3A_17 : memref<10000x32xf32, #tpu.memory_space<hbm>>) target(%dma_start3A_11 : memref<128x32xf32, #tpu.memory_space<vmem>>) offsets(%dma_start3A_14 : memref<128xi32, #tpu.memory_space<vmem>>) semaphore(%dma_start3A_19 : memref<!tpu.dma_semaphore, #tpu.memory_space<semaphore_mem>>)
    %dma_start3A_20 = arith.constant 1 : i32
    %dma_start3A_21 = arith.constant 1 : i32
    %dma_start3A_22 = arith.constant 1 : i32
    %dma_start3A_23 = arith.constant 0 : i32
    %dma_start3A_24 = arith.constant 0 : i32
    %dma_start3A_25 = tpu.memref_slice %arg8[%dma_start3A_21, %dma_start3A_23, %dma_start3A_24] : memref<8x128x32xf32, #tpu.memory_space<vmem>> -> memref<1x128x32xf32, #tpu.memory_space<vmem>>
    %dma_start3A_26 = tpu.memref_squeeze %dma_start3A_25 : memref<1x128x32xf32, #tpu.memory_space<vmem>> -> memref<128x32xf32, #tpu.memory_space<vmem>>
    %dma_start3A_27 = arith.constant 0 : i32
    %dma_start3A_28 = tpu.memref_slice %arg6[%dma_start3A_20, %dma_start3A_27] : memref<80x128xi32, #tpu.memory_space<vmem>> -> memref<1x128xi32, #tpu.memory_space<vmem>>
    %dma_start3A_29 = tpu.memref_squeeze %dma_start3A_28 : memref<1x128xi32, #tpu.memory_space<vmem>> -> memref<128xi32, #tpu.memory_space<vmem>>
    %dma_start3A_30 = arith.constant 0 : i32
    %dma_start3A_31 = arith.constant 0 : i32
    %dma_start3A_32 = tpu.memref_slice %arg3[%dma_start3A_30, %dma_start3A_31] : memref<10000x32xf32, #tpu.memory_space<hbm>> -> memref<10000x32xf32, #tpu.memory_space<hbm>>
    %dma_start3A_33 = tpu.memref_slice %arg10[%dma_start3A_22] : memref<8x!tpu.dma_semaphore, #tpu.memory_space<semaphore_mem>> -> memref<1x!tpu.dma_semaphore, #tpu.memory_space<semaphore_mem>>
    %dma_start3A_34 = tpu.memref_squeeze %dma_start3A_33 : memref<1x!tpu.dma_semaphore, #tpu.memory_space<semaphore_mem>> -> memref<!tpu.dma_semaphore, #tpu.memory_space<semaphore_mem>>
    tpu.enqueue_indirect_dma source(%dma_start3A_32 : memref<10000x32xf32, #tpu.memory_space<hbm>>) target(%dma_start3A_26 : memref<128x32xf32, #tpu.memory_space<vmem>>) offsets(%dma_start3A_29 : memref<128xi32, #tpu.memory_space<vmem>>) semaphore(%dma_start3A_34 : memref<!tpu.dma_semaphore, #tpu.memory_space<semaphore_mem>>)
    %dma_start3A_35 = arith.constant 2 : i32
    %dma_start3A_36 = arith.constant 2 : i32
    %dma_start3A_37 = arith.constant 2 : i32
    %dma_start3A_38 = arith.constant 0 : i32
    %dma_start3A_39 = arith.constant 0 : i32
    %dma_start3A_40 = tpu.memref_slice %arg8[%dma_start3A_36, %dma_start3A_38, %dma_start3A_39] : memref<8x128x32xf32, #tpu.memory_space<vmem>> -> memref<1x128x32xf32, #tpu.memory_space<vmem>>
    %dma_start3A_41 = tpu.memref_squeeze %dma_start3A_40 : memref<1x128x32xf32, #tpu.memory_space<vmem>> -> memref<128x32xf32, #tpu.memory_space<vmem>>
    %dma_start3A_42 = arith.constant 0 : i32
    %dma_start3A_43 = tpu.memref_slice %arg6[%dma_start3A_35, %dma_start3A_42] : memref<80x128xi32, #tpu.memory_space<vmem>> -> memref<1x128xi32, #tpu.memory_space<vmem>>
    %dma_start3A_44 = tpu.memref_squeeze %dma_start3A_43 : memref<1x128xi32, #tpu.memory_space<vmem>> -> memref<128xi32, #tpu.memory_space<vmem>>
    %dma_start3A_45 = arith.constant 0 : i32
    %dma_start3A_46 = arith.constant 0 : i32
    %dma_start3A_47 = tpu.memref_slice %arg3[%dma_start3A_45, %dma_start3A_46] : memref<10000x32xf32, #tpu.memory_space<hbm>> -> memref<10000x32xf32, #tpu.memory_space<hbm>>
    %dma_start3A_48 = tpu.memref_slice %arg10[%dma_start3A_37] : memref<8x!tpu.dma_semaphore, #tpu.memory_space<semaphore_mem>> -> memref<1x!tpu.dma_semaphore, #tpu.memory_space<semaphore_mem>>
    %dma_start3A_49 = tpu.memref_squeeze %dma_start3A_48 : memref<1x!tpu.dma_semaphore, #tpu.memory_space<semaphore_mem>> -> memref<!tpu.dma_semaphore, #tpu.memory_space<semaphore_mem>>
    tpu.enqueue_indirect_dma source(%dma_start3A_47 : memref<10000x32xf32, #tpu.memory_space<hbm>>) target(%dma_start3A_41 : memref<128x32xf32, #tpu.memory_space<vmem>>) offsets(%dma_start3A_44 : memref<128xi32, #tpu.memory_space<vmem>>) semaphore(%dma_start3A_49 : memref<!tpu.dma_semaphore, #tpu.memory_space<semaphore_mem>>)
    %dma_start3A_50 = arith.constant 3 : i32
    %dma_start3A_51 = arith.constant 3 : i32
    %dma_start3A_52 = arith.constant 3 : i32
    %dma_start3A_53 = arith.constant 0 : i32
    %dma_start3A_54 = arith.constant 0 : i32
    %dma_start3A_55 = tpu.memref_slice %arg8[%dma_start3A_51, %dma_start3A_53, %dma_start3A_54] : memref<8x128x32xf32, #tpu.memory_space<vmem>> -> memref<1x128x32xf32, #tpu.memory_space<vmem>>
    %dma_start3A_56 = tpu.memref_squeeze %dma_start3A_55 : memref<1x128x32xf32, #tpu.memory_space<vmem>> -> memref<128x32xf32, #tpu.memory_space<vmem>>
    %dma_start3A_57 = arith.constant 0 : i32
    %dma_start3A_58 = tpu.memref_slice %arg6[%dma_start3A_50, %dma_start3A_57] : memref<80x128xi32, #tpu.memory_space<vmem>> -> memref<1x128xi32, #tpu.memory_space<vmem>>
    %dma_start3A_59 = tpu.memref_squeeze %dma_start3A_58 : memref<1x128xi32, #tpu.memory_space<vmem>> -> memref<128xi32, #tpu.memory_space<vmem>>
    %dma_start3A_60 = arith.constant 0 : i32
    %dma_start3A_61 = arith.constant 0 : i32
    %dma_start3A_62 = tpu.memref_slice %arg3[%dma_start3A_60, %dma_start3A_61] : memref<10000x32xf32, #tpu.memory_space<hbm>> -> memref<10000x32xf32, #tpu.memory_space<hbm>>
    %dma_start3A_63 = tpu.memref_slice %arg10[%dma_start3A_52] : memref<8x!tpu.dma_semaphore, #tpu.memory_space<semaphore_mem>> -> memref<1x!tpu.dma_semaphore, #tpu.memory_space<semaphore_mem>>
    %dma_start3A_64 = tpu.memref_squeeze %dma_start3A_63 : memref<1x!tpu.dma_semaphore, #tpu.memory_space<semaphore_mem>> -> memref<!tpu.dma_semaphore, #tpu.memory_space<semaphore_mem>>
    tpu.enqueue_indirect_dma source(%dma_start3A_62 : memref<10000x32xf32, #tpu.memory_space<hbm>>) target(%dma_start3A_56 : memref<128x32xf32, #tpu.memory_space<vmem>>) offsets(%dma_start3A_59 : memref<128xi32, #tpu.memory_space<vmem>>) semaphore(%dma_start3A_64 : memref<!tpu.dma_semaphore, #tpu.memory_space<semaphore_mem>>)
    %dma_start3A_65 = arith.constant 4 : i32
    %dma_start3A_66 = arith.constant 4 : i32
    %dma_start3A_67 = arith.constant 4 : i32
    %dma_start3A_68 = arith.constant 0 : i32
    %dma_start3A_69 = arith.constant 0 : i32
    %dma_start3A_70 = tpu.memref_slice %arg8[%dma_start3A_66, %dma_start3A_68, %dma_start3A_69] : memref<8x128x32xf32, #tpu.memory_space<vmem>> -> memref<1x128x32xf32, #tpu.memory_space<vmem>>
    %dma_start3A_71 = tpu.memref_squeeze %dma_start3A_70 : memref<1x128x32xf32, #tpu.memory_space<vmem>> -> memref<128x32xf32, #tpu.memory_space<vmem>>
    %dma_start3A_72 = arith.constant 0 : i32
    %dma_start3A_73 = tpu.memref_slice %arg6[%dma_start3A_65, %dma_start3A_72] : memref<80x128xi32, #tpu.memory_space<vmem>> -> memref<1x128xi32, #tpu.memory_space<vmem>>
    %dma_start3A_74 = tpu.memref_squeeze %dma_start3A_73 : memref<1x128xi32, #tpu.memory_space<vmem>> -> memref<128xi32, #tpu.memory_space<vmem>>
    %dma_start3A_75 = arith.constant 0 : i32
    %dma_start3A_76 = arith.constant 0 : i32
    %dma_start3A_77 = tpu.memref_slice %arg3[%dma_start3A_75, %dma_start3A_76] : memref<10000x32xf32, #tpu.memory_space<hbm>> -> memref<10000x32xf32, #tpu.memory_space<hbm>>
    %dma_start3A_78 = tpu.memref_slice %arg10[%dma_start3A_67] : memref<8x!tpu.dma_semaphore, #tpu.memory_space<semaphore_mem>> -> memref<1x!tpu.dma_semaphore, #tpu.memory_space<semaphore_mem>>
    %dma_start3A_79 = tpu.memref_squeeze %dma_start3A_78 : memref<1x!tpu.dma_semaphore, #tpu.memory_space<semaphore_mem>> -> memref<!tpu.dma_semaphore, #tpu.memory_space<semaphore_mem>>
    tpu.enqueue_indirect_dma source(%dma_start3A_77 : memref<10000x32xf32, #tpu.memory_space<hbm>>) target(%dma_start3A_71 : memref<128x32xf32, #tpu.memory_space<vmem>>) offsets(%dma_start3A_74 : memref<128xi32, #tpu.memory_space<vmem>>) semaphore(%dma_start3A_79 : memref<!tpu.dma_semaphore, #tpu.memory_space<semaphore_mem>>)
    %dma_start3A_80 = arith.constant 5 : i32
    %dma_start3A_81 = arith.constant 5 : i32
    %dma_start3A_82 = arith.constant 5 : i32
    %dma_start3A_83 = arith.constant 0 : i32
    %dma_start3A_84 = arith.constant 0 : i32
    %dma_start3A_85 = tpu.memref_slice %arg8[%dma_start3A_81, %dma_start3A_83, %dma_start3A_84] : memref<8x128x32xf32, #tpu.memory_space<vmem>> -> memref<1x128x32xf32, #tpu.memory_space<vmem>>
    %dma_start3A_86 = tpu.memref_squeeze %dma_start3A_85 : memref<1x128x32xf32, #tpu.memory_space<vmem>> -> memref<128x32xf32, #tpu.memory_space<vmem>>
    %dma_start3A_87 = arith.constant 0 : i32
    %dma_start3A_88 = tpu.memref_slice %arg6[%dma_start3A_80, %dma_start3A_87] : memref<80x128xi32, #tpu.memory_space<vmem>> -> memref<1x128xi32, #tpu.memory_space<vmem>>
    %dma_start3A_89 = tpu.memref_squeeze %dma_start3A_88 : memref<1x128xi32, #tpu.memory_space<vmem>> -> memref<128xi32, #tpu.memory_space<vmem>>
    %dma_start3A_90 = arith.constant 0 : i32
    %dma_start3A_91 = arith.constant 0 : i32
    %dma_start3A_92 = tpu.memref_slice %arg3[%dma_start3A_90, %dma_start3A_91] : memref<10000x32xf32, #tpu.memory_space<hbm>> -> memref<10000x32xf32, #tpu.memory_space<hbm>>
    %dma_start3A_93 = tpu.memref_slice %arg10[%dma_start3A_82] : memref<8x!tpu.dma_semaphore, #tpu.memory_space<semaphore_mem>> -> memref<1x!tpu.dma_semaphore, #tpu.memory_space<semaphore_mem>>
    %dma_start3A_94 = tpu.memref_squeeze %dma_start3A_93 : memref<1x!tpu.dma_semaphore, #tpu.memory_space<semaphore_mem>> -> memref<!tpu.dma_semaphore, #tpu.memory_space<semaphore_mem>>
    tpu.enqueue_indirect_dma source(%dma_start3A_92 : memref<10000x32xf32, #tpu.memory_space<hbm>>) target(%dma_start3A_86 : memref<128x32xf32, #tpu.memory_space<vmem>>) offsets(%dma_start3A_89 : memref<128xi32, #tpu.memory_space<vmem>>) semaphore(%dma_start3A_94 : memref<!tpu.dma_semaphore, #tpu.memory_space<semaphore_mem>>)
    %dma_start3A_95 = arith.constant 6 : i32
    %dma_start3A_96 = arith.constant 6 : i32
    %dma_start3A_97 = arith.constant 6 : i32
    %dma_start3A_98 = arith.constant 0 : i32
    %dma_start3A_99 = arith.constant 0 : i32
    %dma_start3A_100 = tpu.memref_slice %arg8[%dma_start3A_96, %dma_start3A_98, %dma_start3A_99] : memref<8x128x32xf32, #tpu.memory_space<vmem>> -> memref<1x128x32xf32, #tpu.memory_space<vmem>>
    %dma_start3A_101 = tpu.memref_squeeze %dma_start3A_100 : memref<1x128x32xf32, #tpu.memory_space<vmem>> -> memref<128x32xf32, #tpu.memory_space<vmem>>
    %dma_start3A_102 = arith.constant 0 : i32
    %dma_start3A_103 = tpu.memref_slice %arg6[%dma_start3A_95, %dma_start3A_102] : memref<80x128xi32, #tpu.memory_space<vmem>> -> memref<1x128xi32, #tpu.memory_space<vmem>>
    %dma_start3A_104 = tpu.memref_squeeze %dma_start3A_103 : memref<1x128xi32, #tpu.memory_space<vmem>> -> memref<128xi32, #tpu.memory_space<vmem>>
    %dma_start3A_105 = arith.constant 0 : i32
    %dma_start3A_106 = arith.constant 0 : i32
    %dma_start3A_107 = tpu.memref_slice %arg3[%dma_start3A_105, %dma_start3A_106] : memref<10000x32xf32, #tpu.memory_space<hbm>> -> memref<10000x32xf32, #tpu.memory_space<hbm>>
    %dma_start3A_108 = tpu.memref_slice %arg10[%dma_start3A_97] : memref<8x!tpu.dma_semaphore, #tpu.memory_space<semaphore_mem>> -> memref<1x!tpu.dma_semaphore, #tpu.memory_space<semaphore_mem>>
    %dma_start3A_109 = tpu.memref_squeeze %dma_start3A_108 : memref<1x!tpu.dma_semaphore, #tpu.memory_space<semaphore_mem>> -> memref<!tpu.dma_semaphore, #tpu.memory_space<semaphore_mem>>
    tpu.enqueue_indirect_dma source(%dma_start3A_107 : memref<10000x32xf32, #tpu.memory_space<hbm>>) target(%dma_start3A_101 : memref<128x32xf32, #tpu.memory_space<vmem>>) offsets(%dma_start3A_104 : memref<128xi32, #tpu.memory_space<vmem>>) semaphore(%dma_start3A_109 : memref<!tpu.dma_semaphore, #tpu.memory_space<semaphore_mem>>)
    %dma_start3A_110 = arith.constant 7 : i32
    %dma_start3A_111 = arith.constant 7 : i32
    %dma_start3A_112 = arith.constant 7 : i32
    %dma_start3A_113 = arith.constant 0 : i32
    %dma_start3A_114 = arith.constant 0 : i32
    %dma_start3A_115 = tpu.memref_slice %arg8[%dma_start3A_111, %dma_start3A_113, %dma_start3A_114] : memref<8x128x32xf32, #tpu.memory_space<vmem>> -> memref<1x128x32xf32, #tpu.memory_space<vmem>>
    %dma_start3A_116 = tpu.memref_squeeze %dma_start3A_115 : memref<1x128x32xf32, #tpu.memory_space<vmem>> -> memref<128x32xf32, #tpu.memory_space<vmem>>
    %dma_start3A_117 = arith.constant 0 : i32
    %dma_start3A_118 = tpu.memref_slice %arg6[%dma_start3A_110, %dma_start3A_117] : memref<80x128xi32, #tpu.memory_space<vmem>> -> memref<1x128xi32, #tpu.memory_space<vmem>>
    %dma_start3A_119 = tpu.memref_squeeze %dma_start3A_118 : memref<1x128xi32, #tpu.memory_space<vmem>> -> memref<128xi32, #tpu.memory_space<vmem>>
    %dma_start3A_120 = arith.constant 0 : i32
    %dma_start3A_121 = arith.constant 0 : i32
    %dma_start3A_122 = tpu.memref_slice %arg3[%dma_start3A_120, %dma_start3A_121] : memref<10000x32xf32, #tpu.memory_space<hbm>> -> memref<10000x32xf32, #tpu.memory_space<hbm>>
    %dma_start3A_123 = tpu.memref_slice %arg10[%dma_start3A_112] : memref<8x!tpu.dma_semaphore, #tpu.memory_space<semaphore_mem>> -> memref<1x!tpu.dma_semaphore, #tpu.memory_space<semaphore_mem>>
    %dma_start3A_124 = tpu.memref_squeeze %dma_start3A_123 : memref<1x!tpu.dma_semaphore, #tpu.memory_space<semaphore_mem>> -> memref<!tpu.dma_semaphore, #tpu.memory_space<semaphore_mem>>
    tpu.enqueue_indirect_dma source(%dma_start3A_122 : memref<10000x32xf32, #tpu.memory_space<hbm>>) target(%dma_start3A_116 : memref<128x32xf32, #tpu.memory_space<vmem>>) offsets(%dma_start3A_119 : memref<128xi32, #tpu.memory_space<vmem>>) semaphore(%dma_start3A_124 : memref<!tpu.dma_semaphore, #tpu.memory_space<semaphore_mem>>)
    %scan3A = arith.constant 0 : i32
    %scan3A_125 = arith.constant 9 : i32
    %scan3A_126 = arith.addi %scan3A, %scan3A_125 : i32
    %scan3A_127 = arith.constant 1 : i32
    scf.for %scan3A_493 = %scan3A to %scan3A_126 step %scan3A_127  : i32 {
      %mul3A_494 = arith.constant 8 : i32
      %mul3A_495 = arith.muli %scan3A_493, %mul3A_494 : i32
      %add3A_496 = arith.constant 0 : i32
      %add3A_497 = arith.addi %add3A_496, %mul3A_495 : i32
      %add3A_498 = arith.constant 0 : i32
      %add3A_499 = arith.addi %add3A_497, %add3A_498 : i32
      %dma_wait3A_500 = arith.constant 0 : i32
      %dma_wait3A_501 = arith.constant 0 : i32
      %dma_wait3A_502 = arith.constant 0 : i32
      %dma_wait3A_503 = arith.constant 0 : i32
      %dma_wait3A_504 = tpu.memref_slice %arg8[%dma_wait3A_500, %dma_wait3A_502, %dma_wait3A_503] : memref<8x128x32xf32, #tpu.memory_space<vmem>> -> memref<1x128x32xf32, #tpu.memory_space<vmem>>
      %dma_wait3A_505 = tpu.memref_squeeze %dma_wait3A_504 : memref<1x128x32xf32, #tpu.memory_space<vmem>> -> memref<128x32xf32, #tpu.memory_space<vmem>>
      %dma_wait3A_506 = arith.constant 0 : i32
      %dma_wait3A_507 = tpu.memref_slice %arg6[%add3A_499, %dma_wait3A_506] : memref<80x128xi32, #tpu.memory_space<vmem>> -> memref<1x128xi32, #tpu.memory_space<vmem>>
      %dma_wait3A_508 = tpu.memref_squeeze %dma_wait3A_507 : memref<1x128xi32, #tpu.memory_space<vmem>> -> memref<128xi32, #tpu.memory_space<vmem>>
      %dma_wait3A_509 = arith.constant 0 : i32
      %dma_wait3A_510 = arith.constant 0 : i32
      %dma_wait3A_511 = tpu.memref_slice %arg3[%dma_wait3A_509, %dma_wait3A_510] : memref<10000x32xf32, #tpu.memory_space<hbm>> -> memref<10000x32xf32, #tpu.memory_space<hbm>>
      %dma_wait3A_512 = tpu.memref_slice %arg10[%dma_wait3A_501] : memref<8x!tpu.dma_semaphore, #tpu.memory_space<semaphore_mem>> -> memref<1x!tpu.dma_semaphore, #tpu.memory_space<semaphore_mem>>
      %dma_wait3A_513 = tpu.memref_squeeze %dma_wait3A_512 : memref<1x!tpu.dma_semaphore, #tpu.memory_space<semaphore_mem>> -> memref<!tpu.dma_semaphore, #tpu.memory_space<semaphore_mem>>
      tpu.wait_indirect_dma semaphore(%dma_wait3A_513 : memref<!tpu.dma_semaphore, #tpu.memory_space<semaphore_mem>>) src(%dma_wait3A_511 : memref<10000x32xf32, #tpu.memory_space<hbm>>) dst(%dma_wait3A_505 : memref<128x32xf32, #tpu.memory_space<vmem>>)
      %add3A_514 = arith.constant 0 : i32
      %add3A_515 = arith.addi %add3A_497, %add3A_514 : i32
      %dma_start3A_516 = arith.constant 0 : i32
      %dma_start3A_517 = arith.constant 0 : i32
      %dma_start3A_518 = arith.constant 0 : i32
      %dma_start3A_519 = arith.constant 0 : i32
      %dma_start3A_520 = tpu.memref_slice %arg8[%dma_start3A_516, %dma_start3A_518, %dma_start3A_519] : memref<8x128x32xf32, #tpu.memory_space<vmem>> -> memref<1x128x32xf32, #tpu.memory_space<vmem>>
      %dma_start3A_521 = tpu.memref_squeeze %dma_start3A_520 : memref<1x128x32xf32, #tpu.memory_space<vmem>> -> memref<128x32xf32, #tpu.memory_space<vmem>>
      %dma_start3A_522 = arith.constant 0 : i32
      %dma_start3A_523 = tpu.memref_slice %arg7[%add3A_515, %dma_start3A_522] : memref<80x128xi32, #tpu.memory_space<vmem>> -> memref<1x128xi32, #tpu.memory_space<vmem>>
      %dma_start3A_524 = tpu.memref_squeeze %dma_start3A_523 : memref<1x128xi32, #tpu.memory_space<vmem>> -> memref<128xi32, #tpu.memory_space<vmem>>
      %dma_start3A_525 = arith.constant 0 : i32
      %dma_start3A_526 = arith.constant 0 : i32
      %dma_start3A_527 = tpu.memref_slice %arg9[%dma_start3A_525, %dma_start3A_526] : memref<10112x32xf32, #tpu.memory_space<vmem_shared>> -> memref<10112x32xf32, #tpu.memory_space<vmem_shared>>
      %dma_start3A_528 = tpu.memref_slice %arg11[%dma_start3A_517] : memref<8x!tpu.dma_semaphore, #tpu.memory_space<semaphore_mem>> -> memref<1x!tpu.dma_semaphore, #tpu.memory_space<semaphore_mem>>
      %dma_start3A_529 = tpu.memref_squeeze %dma_start3A_528 : memref<1x!tpu.dma_semaphore, #tpu.memory_space<semaphore_mem>> -> memref<!tpu.dma_semaphore, #tpu.memory_space<semaphore_mem>>
      tpu.enqueue_indirect_dma source(%dma_start3A_521 : memref<128x32xf32, #tpu.memory_space<vmem>>) target(%dma_start3A_527 : memref<10112x32xf32, #tpu.memory_space<vmem_shared>>) offsets(%dma_start3A_524 : memref<128xi32, #tpu.memory_space<vmem>>) semaphore(%dma_start3A_529 : memref<!tpu.dma_semaphore, #tpu.memory_space<semaphore_mem>>) {add = true}
      %add3A_530 = arith.constant 1 : i32
      %add3A_531 = arith.addi %add3A_497, %add3A_530 : i32
      %dma_wait3A_532 = arith.constant 1 : i32
      %dma_wait3A_533 = arith.constant 1 : i32
      %dma_wait3A_534 = arith.constant 0 : i32
      %dma_wait3A_535 = arith.constant 0 : i32
      %dma_wait3A_536 = tpu.memref_slice %arg8[%dma_wait3A_532, %dma_wait3A_534, %dma_wait3A_535] : memref<8x128x32xf32, #tpu.memory_space<vmem>> -> memref<1x128x32xf32, #tpu.memory_space<vmem>>
      %dma_wait3A_537 = tpu.memref_squeeze %dma_wait3A_536 : memref<1x128x32xf32, #tpu.memory_space<vmem>> -> memref<128x32xf32, #tpu.memory_space<vmem>>
      %dma_wait3A_538 = arith.constant 0 : i32
      %dma_wait3A_539 = tpu.memref_slice %arg6[%add3A_531, %dma_wait3A_538] : memref<80x128xi32, #tpu.memory_space<vmem>> -> memref<1x128xi32, #tpu.memory_space<vmem>>
      %dma_wait3A_540 = tpu.memref_squeeze %dma_wait3A_539 : memref<1x128xi32, #tpu.memory_space<vmem>> -> memref<128xi32, #tpu.memory_space<vmem>>
      %dma_wait3A_541 = arith.constant 0 : i32
      %dma_wait3A_542 = arith.constant 0 : i32
      %dma_wait3A_543 = tpu.memref_slice %arg3[%dma_wait3A_541, %dma_wait3A_542] : memref<10000x32xf32, #tpu.memory_space<hbm>> -> memref<10000x32xf32, #tpu.memory_space<hbm>>
      %dma_wait3A_544 = tpu.memref_slice %arg10[%dma_wait3A_533] : memref<8x!tpu.dma_semaphore, #tpu.memory_space<semaphore_mem>> -> memref<1x!tpu.dma_semaphore, #tpu.memory_space<semaphore_mem>>
      %dma_wait3A_545 = tpu.memref_squeeze %dma_wait3A_544 : memref<1x!tpu.dma_semaphore, #tpu.memory_space<semaphore_mem>> -> memref<!tpu.dma_semaphore, #tpu.memory_space<semaphore_mem>>
      tpu.wait_indirect_dma semaphore(%dma_wait3A_545 : memref<!tpu.dma_semaphore, #tpu.memory_space<semaphore_mem>>) src(%dma_wait3A_543 : memref<10000x32xf32, #tpu.memory_space<hbm>>) dst(%dma_wait3A_537 : memref<128x32xf32, #tpu.memory_space<vmem>>)
      %add3A_546 = arith.constant 1 : i32
      %add3A_547 = arith.addi %add3A_497, %add3A_546 : i32
      %dma_start3A_548 = arith.constant 1 : i32
      %dma_start3A_549 = arith.constant 1 : i32
      %dma_start3A_550 = arith.constant 0 : i32
      %dma_start3A_551 = arith.constant 0 : i32
      %dma_start3A_552 = tpu.memref_slice %arg8[%dma_start3A_548, %dma_start3A_550, %dma_start3A_551] : memref<8x128x32xf32, #tpu.memory_space<vmem>> -> memref<1x128x32xf32, #tpu.memory_space<vmem>>
      %dma_start3A_553 = tpu.memref_squeeze %dma_start3A_552 : memref<1x128x32xf32, #tpu.memory_space<vmem>> -> memref<128x32xf32, #tpu.memory_space<vmem>>
      %dma_start3A_554 = arith.constant 0 : i32
      %dma_start3A_555 = tpu.memref_slice %arg7[%add3A_547, %dma_start3A_554] : memref<80x128xi32, #tpu.memory_space<vmem>> -> memref<1x128xi32, #tpu.memory_space<vmem>>
      %dma_start3A_556 = tpu.memref_squeeze %dma_start3A_555 : memref<1x128xi32, #tpu.memory_space<vmem>> -> memref<128xi32, #tpu.memory_space<vmem>>
      %dma_start3A_557 = arith.constant 0 : i32
      %dma_start3A_558 = arith.constant 0 : i32
      %dma_start3A_559 = tpu.memref_slice %arg9[%dma_start3A_557, %dma_start3A_558] : memref<10112x32xf32, #tpu.memory_space<vmem_shared>> -> memref<10112x32xf32, #tpu.memory_space<vmem_shared>>
      %dma_start3A_560 = tpu.memref_slice %arg11[%dma_start3A_549] : memref<8x!tpu.dma_semaphore, #tpu.memory_space<semaphore_mem>> -> memref<1x!tpu.dma_semaphore, #tpu.memory_space<semaphore_mem>>
      %dma_start3A_561 = tpu.memref_squeeze %dma_start3A_560 : memref<1x!tpu.dma_semaphore, #tpu.memory_space<semaphore_mem>> -> memref<!tpu.dma_semaphore, #tpu.memory_space<semaphore_mem>>
      tpu.enqueue_indirect_dma source(%dma_start3A_553 : memref<128x32xf32, #tpu.memory_space<vmem>>) target(%dma_start3A_559 : memref<10112x32xf32, #tpu.memory_space<vmem_shared>>) offsets(%dma_start3A_556 : memref<128xi32, #tpu.memory_space<vmem>>) semaphore(%dma_start3A_561 : memref<!tpu.dma_semaphore, #tpu.memory_space<semaphore_mem>>) {add = true}
      %add3A_562 = arith.constant 2 : i32
      %add3A_563 = arith.addi %add3A_497, %add3A_562 : i32
      %dma_wait3A_564 = arith.constant 2 : i32
      %dma_wait3A_565 = arith.constant 2 : i32
      %dma_wait3A_566 = arith.constant 0 : i32
      %dma_wait3A_567 = arith.constant 0 : i32
      %dma_wait3A_568 = tpu.memref_slice %arg8[%dma_wait3A_564, %dma_wait3A_566, %dma_wait3A_567] : memref<8x128x32xf32, #tpu.memory_space<vmem>> -> memref<1x128x32xf32, #tpu.memory_space<vmem>>
      %dma_wait3A_569 = tpu.memref_squeeze %dma_wait3A_568 : memref<1x128x32xf32, #tpu.memory_space<vmem>> -> memref<128x32xf32, #tpu.memory_space<vmem>>
      %dma_wait3A_570 = arith.constant 0 : i32
      %dma_wait3A_571 = tpu.memref_slice %arg6[%add3A_563, %dma_wait3A_570] : memref<80x128xi32, #tpu.memory_space<vmem>> -> memref<1x128xi32, #tpu.memory_space<vmem>>
      %dma_wait3A_572 = tpu.memref_squeeze %dma_wait3A_571 : memref<1x128xi32, #tpu.memory_space<vmem>> -> memref<128xi32, #tpu.memory_space<vmem>>
      %dma_wait3A_573 = arith.constant 0 : i32
      %dma_wait3A_574 = arith.constant 0 : i32
      %dma_wait3A_575 = tpu.memref_slice %arg3[%dma_wait3A_573, %dma_wait3A_574] : memref<10000x32xf32, #tpu.memory_space<hbm>> -> memref<10000x32xf32, #tpu.memory_space<hbm>>
      %dma_wait3A_576 = tpu.memref_slice %arg10[%dma_wait3A_565] : memref<8x!tpu.dma_semaphore, #tpu.memory_space<semaphore_mem>> -> memref<1x!tpu.dma_semaphore, #tpu.memory_space<semaphore_mem>>
      %dma_wait3A_577 = tpu.memref_squeeze %dma_wait3A_576 : memref<1x!tpu.dma_semaphore, #tpu.memory_space<semaphore_mem>> -> memref<!tpu.dma_semaphore, #tpu.memory_space<semaphore_mem>>
      tpu.wait_indirect_dma semaphore(%dma_wait3A_577 : memref<!tpu.dma_semaphore, #tpu.memory_space<semaphore_mem>>) src(%dma_wait3A_575 : memref<10000x32xf32, #tpu.memory_space<hbm>>) dst(%dma_wait3A_569 : memref<128x32xf32, #tpu.memory_space<vmem>>)
      %add3A_578 = arith.constant 2 : i32
      %add3A_579 = arith.addi %add3A_497, %add3A_578 : i32
      %dma_start3A_580 = arith.constant 2 : i32
      %dma_start3A_581 = arith.constant 2 : i32
      %dma_start3A_582 = arith.constant 0 : i32
      %dma_start3A_583 = arith.constant 0 : i32
      %dma_start3A_584 = tpu.memref_slice %arg8[%dma_start3A_580, %dma_start3A_582, %dma_start3A_583] : memref<8x128x32xf32, #tpu.memory_space<vmem>> -> memref<1x128x32xf32, #tpu.memory_space<vmem>>
      %dma_start3A_585 = tpu.memref_squeeze %dma_start3A_584 : memref<1x128x32xf32, #tpu.memory_space<vmem>> -> memref<128x32xf32, #tpu.memory_space<vmem>>
      %dma_start3A_586 = arith.constant 0 : i32
      %dma_start3A_587 = tpu.memref_slice %arg7[%add3A_579, %dma_start3A_586] : memref<80x128xi32, #tpu.memory_space<vmem>> -> memref<1x128xi32, #tpu.memory_space<vmem>>
      %dma_start3A_588 = tpu.memref_squeeze %dma_start3A_587 : memref<1x128xi32, #tpu.memory_space<vmem>> -> memref<128xi32, #tpu.memory_space<vmem>>
      %dma_start3A_589 = arith.constant 0 : i32
      %dma_start3A_590 = arith.constant 0 : i32
      %dma_start3A_591 = tpu.memref_slice %arg9[%dma_start3A_589, %dma_start3A_590] : memref<10112x32xf32, #tpu.memory_space<vmem_shared>> -> memref<10112x32xf32, #tpu.memory_space<vmem_shared>>
      %dma_start3A_592 = tpu.memref_slice %arg11[%dma_start3A_581] : memref<8x!tpu.dma_semaphore, #tpu.memory_space<semaphore_mem>> -> memref<1x!tpu.dma_semaphore, #tpu.memory_space<semaphore_mem>>
      %dma_start3A_593 = tpu.memref_squeeze %dma_start3A_592 : memref<1x!tpu.dma_semaphore, #tpu.memory_space<semaphore_mem>> -> memref<!tpu.dma_semaphore, #tpu.memory_space<semaphore_mem>>
      tpu.enqueue_indirect_dma source(%dma_start3A_585 : memref<128x32xf32, #tpu.memory_space<vmem>>) target(%dma_start3A_591 : memref<10112x32xf32, #tpu.memory_space<vmem_shared>>) offsets(%dma_start3A_588 : memref<128xi32, #tpu.memory_space<vmem>>) semaphore(%dma_start3A_593 : memref<!tpu.dma_semaphore, #tpu.memory_space<semaphore_mem>>) {add = true}
      %add3A_594 = arith.constant 3 : i32
      %add3A_595 = arith.addi %add3A_497, %add3A_594 : i32
      %dma_wait3A_596 = arith.constant 3 : i32
      %dma_wait3A_597 = arith.constant 3 : i32
      %dma_wait3A_598 = arith.constant 0 : i32
      %dma_wait3A_599 = arith.constant 0 : i32
      %dma_wait3A_600 = tpu.memref_slice %arg8[%dma_wait3A_596, %dma_wait3A_598, %dma_wait3A_599] : memref<8x128x32xf32, #tpu.memory_space<vmem>> -> memref<1x128x32xf32, #tpu.memory_space<vmem>>
      %dma_wait3A_601 = tpu.memref_squeeze %dma_wait3A_600 : memref<1x128x32xf32, #tpu.memory_space<vmem>> -> memref<128x32xf32, #tpu.memory_space<vmem>>
      %dma_wait3A_602 = arith.constant 0 : i32
      %dma_wait3A_603 = tpu.memref_slice %arg6[%add3A_595, %dma_wait3A_602] : memref<80x128xi32, #tpu.memory_space<vmem>> -> memref<1x128xi32, #tpu.memory_space<vmem>>
      %dma_wait3A_604 = tpu.memref_squeeze %dma_wait3A_603 : memref<1x128xi32, #tpu.memory_space<vmem>> -> memref<128xi32, #tpu.memory_space<vmem>>
      %dma_wait3A_605 = arith.constant 0 : i32
      %dma_wait3A_606 = arith.constant 0 : i32
      %dma_wait3A_607 = tpu.memref_slice %arg3[%dma_wait3A_605, %dma_wait3A_606] : memref<10000x32xf32, #tpu.memory_space<hbm>> -> memref<10000x32xf32, #tpu.memory_space<hbm>>
      %dma_wait3A_608 = tpu.memref_slice %arg10[%dma_wait3A_597] : memref<8x!tpu.dma_semaphore, #tpu.memory_space<semaphore_mem>> -> memref<1x!tpu.dma_semaphore, #tpu.memory_space<semaphore_mem>>
      %dma_wait3A_609 = tpu.memref_squeeze %dma_wait3A_608 : memref<1x!tpu.dma_semaphore, #tpu.memory_space<semaphore_mem>> -> memref<!tpu.dma_semaphore, #tpu.memory_space<semaphore_mem>>
      tpu.wait_indirect_dma semaphore(%dma_wait3A_609 : memref<!tpu.dma_semaphore, #tpu.memory_space<semaphore_mem>>) src(%dma_wait3A_607 : memref<10000x32xf32, #tpu.memory_space<hbm>>) dst(%dma_wait3A_601 : memref<128x32xf32, #tpu.memory_space<vmem>>)
      %add3A_610 = arith.constant 3 : i32
      %add3A_611 = arith.addi %add3A_497, %add3A_610 : i32
      %dma_start3A_612 = arith.constant 3 : i32
      %dma_start3A_613 = arith.constant 3 : i32
      %dma_start3A_614 = arith.constant 0 : i32
      %dma_start3A_615 = arith.constant 0 : i32
      %dma_start3A_616 = tpu.memref_slice %arg8[%dma_start3A_612, %dma_start3A_614, %dma_start3A_615] : memref<8x128x32xf32, #tpu.memory_space<vmem>> -> memref<1x128x32xf32, #tpu.memory_space<vmem>>
      %dma_start3A_617 = tpu.memref_squeeze %dma_start3A_616 : memref<1x128x32xf32, #tpu.memory_space<vmem>> -> memref<128x32xf32, #tpu.memory_space<vmem>>
      %dma_start3A_618 = arith.constant 0 : i32
      %dma_start3A_619 = tpu.memref_slice %arg7[%add3A_611, %dma_start3A_618] : memref<80x128xi32, #tpu.memory_space<vmem>> -> memref<1x128xi32, #tpu.memory_space<vmem>>
      %dma_start3A_620 = tpu.memref_squeeze %dma_start3A_619 : memref<1x128xi32, #tpu.memory_space<vmem>> -> memref<128xi32, #tpu.memory_space<vmem>>
      %dma_start3A_621 = arith.constant 0 : i32
      %dma_start3A_622 = arith.constant 0 : i32
      %dma_start3A_623 = tpu.memref_slice %arg9[%dma_start3A_621, %dma_start3A_622] : memref<10112x32xf32, #tpu.memory_space<vmem_shared>> -> memref<10112x32xf32, #tpu.memory_space<vmem_shared>>
      %dma_start3A_624 = tpu.memref_slice %arg11[%dma_start3A_613] : memref<8x!tpu.dma_semaphore, #tpu.memory_space<semaphore_mem>> -> memref<1x!tpu.dma_semaphore, #tpu.memory_space<semaphore_mem>>
      %dma_start3A_625 = tpu.memref_squeeze %dma_start3A_624 : memref<1x!tpu.dma_semaphore, #tpu.memory_space<semaphore_mem>> -> memref<!tpu.dma_semaphore, #tpu.memory_space<semaphore_mem>>
      tpu.enqueue_indirect_dma source(%dma_start3A_617 : memref<128x32xf32, #tpu.memory_space<vmem>>) target(%dma_start3A_623 : memref<10112x32xf32, #tpu.memory_space<vmem_shared>>) offsets(%dma_start3A_620 : memref<128xi32, #tpu.memory_space<vmem>>) semaphore(%dma_start3A_625 : memref<!tpu.dma_semaphore, #tpu.memory_space<semaphore_mem>>) {add = true}
      %add3A_626 = arith.constant 4 : i32
      %add3A_627 = arith.addi %add3A_497, %add3A_626 : i32
      %dma_wait3A_628 = arith.constant 4 : i32
      %dma_wait3A_629 = arith.constant 4 : i32
      %dma_wait3A_630 = arith.constant 0 : i32
      %dma_wait3A_631 = arith.constant 0 : i32
      %dma_wait3A_632 = tpu.memref_slice %arg8[%dma_wait3A_628, %dma_wait3A_630, %dma_wait3A_631] : memref<8x128x32xf32, #tpu.memory_space<vmem>> -> memref<1x128x32xf32, #tpu.memory_space<vmem>>
      %dma_wait3A_633 = tpu.memref_squeeze %dma_wait3A_632 : memref<1x128x32xf32, #tpu.memory_space<vmem>> -> memref<128x32xf32, #tpu.memory_space<vmem>>
      %dma_wait3A_634 = arith.constant 0 : i32
      %dma_wait3A_635 = tpu.memref_slice %arg6[%add3A_627, %dma_wait3A_634] : memref<80x128xi32, #tpu.memory_space<vmem>> -> memref<1x128xi32, #tpu.memory_space<vmem>>
      %dma_wait3A_636 = tpu.memref_squeeze %dma_wait3A_635 : memref<1x128xi32, #tpu.memory_space<vmem>> -> memref<128xi32, #tpu.memory_space<vmem>>
      %dma_wait3A_637 = arith.constant 0 : i32
      %dma_wait3A_638 = arith.constant 0 : i32
      %dma_wait3A_639 = tpu.memref_slice %arg3[%dma_wait3A_637, %dma_wait3A_638] : memref<10000x32xf32, #tpu.memory_space<hbm>> -> memref<10000x32xf32, #tpu.memory_space<hbm>>
      %dma_wait3A_640 = tpu.memref_slice %arg10[%dma_wait3A_629] : memref<8x!tpu.dma_semaphore, #tpu.memory_space<semaphore_mem>> -> memref<1x!tpu.dma_semaphore, #tpu.memory_space<semaphore_mem>>
      %dma_wait3A_641 = tpu.memref_squeeze %dma_wait3A_640 : memref<1x!tpu.dma_semaphore, #tpu.memory_space<semaphore_mem>> -> memref<!tpu.dma_semaphore, #tpu.memory_space<semaphore_mem>>
      tpu.wait_indirect_dma semaphore(%dma_wait3A_641 : memref<!tpu.dma_semaphore, #tpu.memory_space<semaphore_mem>>) src(%dma_wait3A_639 : memref<10000x32xf32, #tpu.memory_space<hbm>>) dst(%dma_wait3A_633 : memref<128x32xf32, #tpu.memory_space<vmem>>)
      %add3A_642 = arith.constant 4 : i32
      %add3A_643 = arith.addi %add3A_497, %add3A_642 : i32
      %dma_start3A_644 = arith.constant 4 : i32
      %dma_start3A_645 = arith.constant 4 : i32
      %dma_start3A_646 = arith.constant 0 : i32
      %dma_start3A_647 = arith.constant 0 : i32
      %dma_start3A_648 = tpu.memref_slice %arg8[%dma_start3A_644, %dma_start3A_646, %dma_start3A_647] : memref<8x128x32xf32, #tpu.memory_space<vmem>> -> memref<1x128x32xf32, #tpu.memory_space<vmem>>
      %dma_start3A_649 = tpu.memref_squeeze %dma_start3A_648 : memref<1x128x32xf32, #tpu.memory_space<vmem>> -> memref<128x32xf32, #tpu.memory_space<vmem>>
      %dma_start3A_650 = arith.constant 0 : i32
      %dma_start3A_651 = tpu.memref_slice %arg7[%add3A_643, %dma_start3A_650] : memref<80x128xi32, #tpu.memory_space<vmem>> -> memref<1x128xi32, #tpu.memory_space<vmem>>
      %dma_start3A_652 = tpu.memref_squeeze %dma_start3A_651 : memref<1x128xi32, #tpu.memory_space<vmem>> -> memref<128xi32, #tpu.memory_space<vmem>>
      %dma_start3A_653 = arith.constant 0 : i32
      %dma_start3A_654 = arith.constant 0 : i32
      %dma_start3A_655 = tpu.memref_slice %arg9[%dma_start3A_653, %dma_start3A_654] : memref<10112x32xf32, #tpu.memory_space<vmem_shared>> -> memref<10112x32xf32, #tpu.memory_space<vmem_shared>>
      %dma_start3A_656 = tpu.memref_slice %arg11[%dma_start3A_645] : memref<8x!tpu.dma_semaphore, #tpu.memory_space<semaphore_mem>> -> memref<1x!tpu.dma_semaphore, #tpu.memory_space<semaphore_mem>>
      %dma_start3A_657 = tpu.memref_squeeze %dma_start3A_656 : memref<1x!tpu.dma_semaphore, #tpu.memory_space<semaphore_mem>> -> memref<!tpu.dma_semaphore, #tpu.memory_space<semaphore_mem>>
      tpu.enqueue_indirect_dma source(%dma_start3A_649 : memref<128x32xf32, #tpu.memory_space<vmem>>) target(%dma_start3A_655 : memref<10112x32xf32, #tpu.memory_space<vmem_shared>>) offsets(%dma_start3A_652 : memref<128xi32, #tpu.memory_space<vmem>>) semaphore(%dma_start3A_657 : memref<!tpu.dma_semaphore, #tpu.memory_space<semaphore_mem>>) {add = true}
      %add3A_658 = arith.constant 5 : i32
      %add3A_659 = arith.addi %add3A_497, %add3A_658 : i32
      %dma_wait3A_660 = arith.constant 5 : i32
      %dma_wait3A_661 = arith.constant 5 : i32
      %dma_wait3A_662 = arith.constant 0 : i32
      %dma_wait3A_663 = arith.constant 0 : i32
      %dma_wait3A_664 = tpu.memref_slice %arg8[%dma_wait3A_660, %dma_wait3A_662, %dma_wait3A_663] : memref<8x128x32xf32, #tpu.memory_space<vmem>> -> memref<1x128x32xf32, #tpu.memory_space<vmem>>
      %dma_wait3A_665 = tpu.memref_squeeze %dma_wait3A_664 : memref<1x128x32xf32, #tpu.memory_space<vmem>> -> memref<128x32xf32, #tpu.memory_space<vmem>>
      %dma_wait3A_666 = arith.constant 0 : i32
      %dma_wait3A_667 = tpu.memref_slice %arg6[%add3A_659, %dma_wait3A_666] : memref<80x128xi32, #tpu.memory_space<vmem>> -> memref<1x128xi32, #tpu.memory_space<vmem>>
      %dma_wait3A_668 = tpu.memref_squeeze %dma_wait3A_667 : memref<1x128xi32, #tpu.memory_space<vmem>> -> memref<128xi32, #tpu.memory_space<vmem>>
      %dma_wait3A_669 = arith.constant 0 : i32
      %dma_wait3A_670 = arith.constant 0 : i32
      %dma_wait3A_671 = tpu.memref_slice %arg3[%dma_wait3A_669, %dma_wait3A_670] : memref<10000x32xf32, #tpu.memory_space<hbm>> -> memref<10000x32xf32, #tpu.memory_space<hbm>>
      %dma_wait3A_672 = tpu.memref_slice %arg10[%dma_wait3A_661] : memref<8x!tpu.dma_semaphore, #tpu.memory_space<semaphore_mem>> -> memref<1x!tpu.dma_semaphore, #tpu.memory_space<semaphore_mem>>
      %dma_wait3A_673 = tpu.memref_squeeze %dma_wait3A_672 : memref<1x!tpu.dma_semaphore, #tpu.memory_space<semaphore_mem>> -> memref<!tpu.dma_semaphore, #tpu.memory_space<semaphore_mem>>
      tpu.wait_indirect_dma semaphore(%dma_wait3A_673 : memref<!tpu.dma_semaphore, #tpu.memory_space<semaphore_mem>>) src(%dma_wait3A_671 : memref<10000x32xf32, #tpu.memory_space<hbm>>) dst(%dma_wait3A_665 : memref<128x32xf32, #tpu.memory_space<vmem>>)
      %add3A_674 = arith.constant 5 : i32
      %add3A_675 = arith.addi %add3A_497, %add3A_674 : i32
      %dma_start3A_676 = arith.constant 5 : i32
      %dma_start3A_677 = arith.constant 5 : i32
      %dma_start3A_678 = arith.constant 0 : i32
      %dma_start3A_679 = arith.constant 0 : i32
      %dma_start3A_680 = tpu.memref_slice %arg8[%dma_start3A_676, %dma_start3A_678, %dma_start3A_679] : memref<8x128x32xf32, #tpu.memory_space<vmem>> -> memref<1x128x32xf32, #tpu.memory_space<vmem>>
      %dma_start3A_681 = tpu.memref_squeeze %dma_start3A_680 : memref<1x128x32xf32, #tpu.memory_space<vmem>> -> memref<128x32xf32, #tpu.memory_space<vmem>>
      %dma_start3A_682 = arith.constant 0 : i32
      %dma_start3A_683 = tpu.memref_slice %arg7[%add3A_675, %dma_start3A_682] : memref<80x128xi32, #tpu.memory_space<vmem>> -> memref<1x128xi32, #tpu.memory_space<vmem>>
      %dma_start3A_684 = tpu.memref_squeeze %dma_start3A_683 : memref<1x128xi32, #tpu.memory_space<vmem>> -> memref<128xi32, #tpu.memory_space<vmem>>
      %dma_start3A_685 = arith.constant 0 : i32
      %dma_start3A_686 = arith.constant 0 : i32
      %dma_start3A_687 = tpu.memref_slice %arg9[%dma_start3A_685, %dma_start3A_686] : memref<10112x32xf32, #tpu.memory_space<vmem_shared>> -> memref<10112x32xf32, #tpu.memory_space<vmem_shared>>
      %dma_start3A_688 = tpu.memref_slice %arg11[%dma_start3A_677] : memref<8x!tpu.dma_semaphore, #tpu.memory_space<semaphore_mem>> -> memref<1x!tpu.dma_semaphore, #tpu.memory_space<semaphore_mem>>
      %dma_start3A_689 = tpu.memref_squeeze %dma_start3A_688 : memref<1x!tpu.dma_semaphore, #tpu.memory_space<semaphore_mem>> -> memref<!tpu.dma_semaphore, #tpu.memory_space<semaphore_mem>>
      tpu.enqueue_indirect_dma source(%dma_start3A_681 : memref<128x32xf32, #tpu.memory_space<vmem>>) target(%dma_start3A_687 : memref<10112x32xf32, #tpu.memory_space<vmem_shared>>) offsets(%dma_start3A_684 : memref<128xi32, #tpu.memory_space<vmem>>) semaphore(%dma_start3A_689 : memref<!tpu.dma_semaphore, #tpu.memory_space<semaphore_mem>>) {add = true}
      %add3A_690 = arith.constant 6 : i32
      %add3A_691 = arith.addi %add3A_497, %add3A_690 : i32
      %dma_wait3A_692 = arith.constant 6 : i32
      %dma_wait3A_693 = arith.constant 6 : i32
      %dma_wait3A_694 = arith.constant 0 : i32
      %dma_wait3A_695 = arith.constant 0 : i32
      %dma_wait3A_696 = tpu.memref_slice %arg8[%dma_wait3A_692, %dma_wait3A_694, %dma_wait3A_695] : memref<8x128x32xf32, #tpu.memory_space<vmem>> -> memref<1x128x32xf32, #tpu.memory_space<vmem>>
      %dma_wait3A_697 = tpu.memref_squeeze %dma_wait3A_696 : memref<1x128x32xf32, #tpu.memory_space<vmem>> -> memref<128x32xf32, #tpu.memory_space<vmem>>
      %dma_wait3A_698 = arith.constant 0 : i32
      %dma_wait3A_699 = tpu.memref_slice %arg6[%add3A_691, %dma_wait3A_698] : memref<80x128xi32, #tpu.memory_space<vmem>> -> memref<1x128xi32, #tpu.memory_space<vmem>>
      %dma_wait3A_700 = tpu.memref_squeeze %dma_wait3A_699 : memref<1x128xi32, #tpu.memory_space<vmem>> -> memref<128xi32, #tpu.memory_space<vmem>>
      %dma_wait3A_701 = arith.constant 0 : i32
      %dma_wait3A_702 = arith.constant 0 : i32
      %dma_wait3A_703 = tpu.memref_slice %arg3[%dma_wait3A_701, %dma_wait3A_702] : memref<10000x32xf32, #tpu.memory_space<hbm>> -> memref<10000x32xf32, #tpu.memory_space<hbm>>
      %dma_wait3A_704 = tpu.memref_slice %arg10[%dma_wait3A_693] : memref<8x!tpu.dma_semaphore, #tpu.memory_space<semaphore_mem>> -> memref<1x!tpu.dma_semaphore, #tpu.memory_space<semaphore_mem>>
      %dma_wait3A_705 = tpu.memref_squeeze %dma_wait3A_704 : memref<1x!tpu.dma_semaphore, #tpu.memory_space<semaphore_mem>> -> memref<!tpu.dma_semaphore, #tpu.memory_space<semaphore_mem>>
      tpu.wait_indirect_dma semaphore(%dma_wait3A_705 : memref<!tpu.dma_semaphore, #tpu.memory_space<semaphore_mem>>) src(%dma_wait3A_703 : memref<10000x32xf32, #tpu.memory_space<hbm>>) dst(%dma_wait3A_697 : memref<128x32xf32, #tpu.memory_space<vmem>>)
      %add3A_706 = arith.constant 6 : i32
      %add3A_707 = arith.addi %add3A_497, %add3A_706 : i32
      %dma_start3A_708 = arith.constant 6 : i32
      %dma_start3A_709 = arith.constant 6 : i32
      %dma_start3A_710 = arith.constant 0 : i32
      %dma_start3A_711 = arith.constant 0 : i32
      %dma_start3A_712 = tpu.memref_slice %arg8[%dma_start3A_708, %dma_start3A_710, %dma_start3A_711] : memref<8x128x32xf32, #tpu.memory_space<vmem>> -> memref<1x128x32xf32, #tpu.memory_space<vmem>>
      %dma_start3A_713 = tpu.memref_squeeze %dma_start3A_712 : memref<1x128x32xf32, #tpu.memory_space<vmem>> -> memref<128x32xf32, #tpu.memory_space<vmem>>
      %dma_start3A_714 = arith.constant 0 : i32
      %dma_start3A_715 = tpu.memref_slice %arg7[%add3A_707, %dma_start3A_714] : memref<80x128xi32, #tpu.memory_space<vmem>> -> memref<1x128xi32, #tpu.memory_space<vmem>>
      %dma_start3A_716 = tpu.memref_squeeze %dma_start3A_715 : memref<1x128xi32, #tpu.memory_space<vmem>> -> memref<128xi32, #tpu.memory_space<vmem>>
      %dma_start3A_717 = arith.constant 0 : i32
      %dma_start3A_718 = arith.constant 0 : i32
      %dma_start3A_719 = tpu.memref_slice %arg9[%dma_start3A_717, %dma_start3A_718] : memref<10112x32xf32, #tpu.memory_space<vmem_shared>> -> memref<10112x32xf32, #tpu.memory_space<vmem_shared>>
      %dma_start3A_720 = tpu.memref_slice %arg11[%dma_start3A_709] : memref<8x!tpu.dma_semaphore, #tpu.memory_space<semaphore_mem>> -> memref<1x!tpu.dma_semaphore, #tpu.memory_space<semaphore_mem>>
      %dma_start3A_721 = tpu.memref_squeeze %dma_start3A_720 : memref<1x!tpu.dma_semaphore, #tpu.memory_space<semaphore_mem>> -> memref<!tpu.dma_semaphore, #tpu.memory_space<semaphore_mem>>
      tpu.enqueue_indirect_dma source(%dma_start3A_713 : memref<128x32xf32, #tpu.memory_space<vmem>>) target(%dma_start3A_719 : memref<10112x32xf32, #tpu.memory_space<vmem_shared>>) offsets(%dma_start3A_716 : memref<128xi32, #tpu.memory_space<vmem>>) semaphore(%dma_start3A_721 : memref<!tpu.dma_semaphore, #tpu.memory_space<semaphore_mem>>) {add = true}
      %add3A_722 = arith.constant 7 : i32
      %add3A_723 = arith.addi %add3A_497, %add3A_722 : i32
      %dma_wait3A_724 = arith.constant 7 : i32
      %dma_wait3A_725 = arith.constant 7 : i32
      %dma_wait3A_726 = arith.constant 0 : i32
      %dma_wait3A_727 = arith.constant 0 : i32
      %dma_wait3A_728 = tpu.memref_slice %arg8[%dma_wait3A_724, %dma_wait3A_726, %dma_wait3A_727] : memref<8x128x32xf32, #tpu.memory_space<vmem>> -> memref<1x128x32xf32, #tpu.memory_space<vmem>>
      %dma_wait3A_729 = tpu.memref_squeeze %dma_wait3A_728 : memref<1x128x32xf32, #tpu.memory_space<vmem>> -> memref<128x32xf32, #tpu.memory_space<vmem>>
      %dma_wait3A_730 = arith.constant 0 : i32
      %dma_wait3A_731 = tpu.memref_slice %arg6[%add3A_723, %dma_wait3A_730] : memref<80x128xi32, #tpu.memory_space<vmem>> -> memref<1x128xi32, #tpu.memory_space<vmem>>
      %dma_wait3A_732 = tpu.memref_squeeze %dma_wait3A_731 : memref<1x128xi32, #tpu.memory_space<vmem>> -> memref<128xi32, #tpu.memory_space<vmem>>
      %dma_wait3A_733 = arith.constant 0 : i32
      %dma_wait3A_734 = arith.constant 0 : i32
      %dma_wait3A_735 = tpu.memref_slice %arg3[%dma_wait3A_733, %dma_wait3A_734] : memref<10000x32xf32, #tpu.memory_space<hbm>> -> memref<10000x32xf32, #tpu.memory_space<hbm>>
      %dma_wait3A_736 = tpu.memref_slice %arg10[%dma_wait3A_725] : memref<8x!tpu.dma_semaphore, #tpu.memory_space<semaphore_mem>> -> memref<1x!tpu.dma_semaphore, #tpu.memory_space<semaphore_mem>>
      %dma_wait3A_737 = tpu.memref_squeeze %dma_wait3A_736 : memref<1x!tpu.dma_semaphore, #tpu.memory_space<semaphore_mem>> -> memref<!tpu.dma_semaphore, #tpu.memory_space<semaphore_mem>>
      tpu.wait_indirect_dma semaphore(%dma_wait3A_737 : memref<!tpu.dma_semaphore, #tpu.memory_space<semaphore_mem>>) src(%dma_wait3A_735 : memref<10000x32xf32, #tpu.memory_space<hbm>>) dst(%dma_wait3A_729 : memref<128x32xf32, #tpu.memory_space<vmem>>)
      %add3A_738 = arith.constant 7 : i32
      %add3A_739 = arith.addi %add3A_497, %add3A_738 : i32
      %dma_start3A_740 = arith.constant 7 : i32
      %dma_start3A_741 = arith.constant 7 : i32
      %dma_start3A_742 = arith.constant 0 : i32
      %dma_start3A_743 = arith.constant 0 : i32
      %dma_start3A_744 = tpu.memref_slice %arg8[%dma_start3A_740, %dma_start3A_742, %dma_start3A_743] : memref<8x128x32xf32, #tpu.memory_space<vmem>> -> memref<1x128x32xf32, #tpu.memory_space<vmem>>
      %dma_start3A_745 = tpu.memref_squeeze %dma_start3A_744 : memref<1x128x32xf32, #tpu.memory_space<vmem>> -> memref<128x32xf32, #tpu.memory_space<vmem>>
      %dma_start3A_746 = arith.constant 0 : i32
      %dma_start3A_747 = tpu.memref_slice %arg7[%add3A_739, %dma_start3A_746] : memref<80x128xi32, #tpu.memory_space<vmem>> -> memref<1x128xi32, #tpu.memory_space<vmem>>
      %dma_start3A_748 = tpu.memref_squeeze %dma_start3A_747 : memref<1x128xi32, #tpu.memory_space<vmem>> -> memref<128xi32, #tpu.memory_space<vmem>>
      %dma_start3A_749 = arith.constant 0 : i32
      %dma_start3A_750 = arith.constant 0 : i32
      %dma_start3A_751 = tpu.memref_slice %arg9[%dma_start3A_749, %dma_start3A_750] : memref<10112x32xf32, #tpu.memory_space<vmem_shared>> -> memref<10112x32xf32, #tpu.memory_space<vmem_shared>>
      %dma_start3A_752 = tpu.memref_slice %arg11[%dma_start3A_741] : memref<8x!tpu.dma_semaphore, #tpu.memory_space<semaphore_mem>> -> memref<1x!tpu.dma_semaphore, #tpu.memory_space<semaphore_mem>>
      %dma_start3A_753 = tpu.memref_squeeze %dma_start3A_752 : memref<1x!tpu.dma_semaphore, #tpu.memory_space<semaphore_mem>> -> memref<!tpu.dma_semaphore, #tpu.memory_space<semaphore_mem>>
      tpu.enqueue_indirect_dma source(%dma_start3A_745 : memref<128x32xf32, #tpu.memory_space<vmem>>) target(%dma_start3A_751 : memref<10112x32xf32, #tpu.memory_space<vmem_shared>>) offsets(%dma_start3A_748 : memref<128xi32, #tpu.memory_space<vmem>>) semaphore(%dma_start3A_753 : memref<!tpu.dma_semaphore, #tpu.memory_space<semaphore_mem>>) {add = true}
      %add3A_754 = arith.constant 0 : i32
      %add3A_755 = arith.addi %add3A_497, %add3A_754 : i32
      %dma_wait3A_756 = arith.constant 0 : i32
      %dma_wait3A_757 = arith.constant 0 : i32
      %dma_wait3A_758 = arith.constant 0 : i32
      %dma_wait3A_759 = arith.constant 0 : i32
      %dma_wait3A_760 = tpu.memref_slice %arg8[%dma_wait3A_756, %dma_wait3A_758, %dma_wait3A_759] : memref<8x128x32xf32, #tpu.memory_space<vmem>> -> memref<1x128x32xf32, #tpu.memory_space<vmem>>
      %dma_wait3A_761 = tpu.memref_squeeze %dma_wait3A_760 : memref<1x128x32xf32, #tpu.memory_space<vmem>> -> memref<128x32xf32, #tpu.memory_space<vmem>>
      %dma_wait3A_762 = arith.constant 0 : i32
      %dma_wait3A_763 = tpu.memref_slice %arg7[%add3A_755, %dma_wait3A_762] : memref<80x128xi32, #tpu.memory_space<vmem>> -> memref<1x128xi32, #tpu.memory_space<vmem>>
      %dma_wait3A_764 = tpu.memref_squeeze %dma_wait3A_763 : memref<1x128xi32, #tpu.memory_space<vmem>> -> memref<128xi32, #tpu.memory_space<vmem>>
      %dma_wait3A_765 = arith.constant 0 : i32
      %dma_wait3A_766 = arith.constant 0 : i32
      %dma_wait3A_767 = tpu.memref_slice %arg9[%dma_wait3A_765, %dma_wait3A_766] : memref<10112x32xf32, #tpu.memory_space<vmem_shared>> -> memref<10112x32xf32, #tpu.memory_space<vmem_shared>>
      %dma_wait3A_768 = tpu.memref_slice %arg11[%dma_wait3A_757] : memref<8x!tpu.dma_semaphore, #tpu.memory_space<semaphore_mem>> -> memref<1x!tpu.dma_semaphore, #tpu.memory_space<semaphore_mem>>
      %dma_wait3A_769 = tpu.memref_squeeze %dma_wait3A_768 : memref<1x!tpu.dma_semaphore, #tpu.memory_space<semaphore_mem>> -> memref<!tpu.dma_semaphore, #tpu.memory_space<semaphore_mem>>
      tpu.wait_indirect_dma semaphore(%dma_wait3A_769 : memref<!tpu.dma_semaphore, #tpu.memory_space<semaphore_mem>>) src(%dma_wait3A_761 : memref<128x32xf32, #tpu.memory_space<vmem>>) dst(%dma_wait3A_767 : memref<10112x32xf32, #tpu.memory_space<vmem_shared>>)
      %add3A_770 = arith.constant 8 : i32
      %add3A_771 = arith.addi %add3A_497, %add3A_770 : i32
      %add3A_772 = arith.constant 0 : i32
      %add3A_773 = arith.addi %add3A_771, %add3A_772 : i32
      %dma_start3A_774 = arith.constant 0 : i32
      %dma_start3A_775 = arith.constant 0 : i32
      %dma_start3A_776 = arith.constant 0 : i32
      %dma_start3A_777 = arith.constant 0 : i32
      %dma_start3A_778 = tpu.memref_slice %arg8[%dma_start3A_774, %dma_start3A_776, %dma_start3A_777] : memref<8x128x32xf32, #tpu.memory_space<vmem>> -> memref<1x128x32xf32, #tpu.memory_space<vmem>>
      %dma_start3A_779 = tpu.memref_squeeze %dma_start3A_778 : memref<1x128x32xf32, #tpu.memory_space<vmem>> -> memref<128x32xf32, #tpu.memory_space<vmem>>
      %dma_start3A_780 = arith.constant 0 : i32
      %dma_start3A_781 = tpu.memref_slice %arg6[%add3A_773, %dma_start3A_780] : memref<80x128xi32, #tpu.memory_space<vmem>> -> memref<1x128xi32, #tpu.memory_space<vmem>>
      %dma_start3A_782 = tpu.memref_squeeze %dma_start3A_781 : memref<1x128xi32, #tpu.memory_space<vmem>> -> memref<128xi32, #tpu.memory_space<vmem>>
      %dma_start3A_783 = arith.constant 0 : i32
      %dma_start3A_784 = arith.constant 0 : i32
      %dma_start3A_785 = tpu.memref_slice %arg3[%dma_start3A_783, %dma_start3A_784] : memref<10000x32xf32, #tpu.memory_space<hbm>> -> memref<10000x32xf32, #tpu.memory_space<hbm>>
      %dma_start3A_786 = tpu.memref_slice %arg10[%dma_start3A_775] : memref<8x!tpu.dma_semaphore, #tpu.memory_space<semaphore_mem>> -> memref<1x!tpu.dma_semaphore, #tpu.memory_space<semaphore_mem>>
      %dma_start3A_787 = tpu.memref_squeeze %dma_start3A_786 : memref<1x!tpu.dma_semaphore, #tpu.memory_space<semaphore_mem>> -> memref<!tpu.dma_semaphore, #tpu.memory_space<semaphore_mem>>
      tpu.enqueue_indirect_dma source(%dma_start3A_785 : memref<10000x32xf32, #tpu.memory_space<hbm>>) target(%dma_start3A_779 : memref<128x32xf32, #tpu.memory_space<vmem>>) offsets(%dma_start3A_782 : memref<128xi32, #tpu.memory_space<vmem>>) semaphore(%dma_start3A_787 : memref<!tpu.dma_semaphore, #tpu.memory_space<semaphore_mem>>)
      %add3A_788 = arith.constant 1 : i32
      %add3A_789 = arith.addi %add3A_497, %add3A_788 : i32
      %dma_wait3A_790 = arith.constant 1 : i32
      %dma_wait3A_791 = arith.constant 1 : i32
      %dma_wait3A_792 = arith.constant 0 : i32
      %dma_wait3A_793 = arith.constant 0 : i32
      %dma_wait3A_794 = tpu.memref_slice %arg8[%dma_wait3A_790, %dma_wait3A_792, %dma_wait3A_793] : memref<8x128x32xf32, #tpu.memory_space<vmem>> -> memref<1x128x32xf32, #tpu.memory_space<vmem>>
      %dma_wait3A_795 = tpu.memref_squeeze %dma_wait3A_794 : memref<1x128x32xf32, #tpu.memory_space<vmem>> -> memref<128x32xf32, #tpu.memory_space<vmem>>
      %dma_wait3A_796 = arith.constant 0 : i32
      %dma_wait3A_797 = tpu.memref_slice %arg7[%add3A_789, %dma_wait3A_796] : memref<80x128xi32, #tpu.memory_space<vmem>> -> memref<1x128xi32, #tpu.memory_space<vmem>>
      %dma_wait3A_798 = tpu.memref_squeeze %dma_wait3A_797 : memref<1x128xi32, #tpu.memory_space<vmem>> -> memref<128xi32, #tpu.memory_space<vmem>>
      %dma_wait3A_799 = arith.constant 0 : i32
      %dma_wait3A_800 = arith.constant 0 : i32
      %dma_wait3A_801 = tpu.memref_slice %arg9[%dma_wait3A_799, %dma_wait3A_800] : memref<10112x32xf32, #tpu.memory_space<vmem_shared>> -> memref<10112x32xf32, #tpu.memory_space<vmem_shared>>
      %dma_wait3A_802 = tpu.memref_slice %arg11[%dma_wait3A_791] : memref<8x!tpu.dma_semaphore, #tpu.memory_space<semaphore_mem>> -> memref<1x!tpu.dma_semaphore, #tpu.memory_space<semaphore_mem>>
      %dma_wait3A_803 = tpu.memref_squeeze %dma_wait3A_802 : memref<1x!tpu.dma_semaphore, #tpu.memory_space<semaphore_mem>> -> memref<!tpu.dma_semaphore, #tpu.memory_space<semaphore_mem>>
      tpu.wait_indirect_dma semaphore(%dma_wait3A_803 : memref<!tpu.dma_semaphore, #tpu.memory_space<semaphore_mem>>) src(%dma_wait3A_795 : memref<128x32xf32, #tpu.memory_space<vmem>>) dst(%dma_wait3A_801 : memref<10112x32xf32, #tpu.memory_space<vmem_shared>>)
      %add3A_804 = arith.constant 8 : i32
      %add3A_805 = arith.addi %add3A_497, %add3A_804 : i32
      %add3A_806 = arith.constant 1 : i32
      %add3A_807 = arith.addi %add3A_805, %add3A_806 : i32
      %dma_start3A_808 = arith.constant 1 : i32
      %dma_start3A_809 = arith.constant 1 : i32
      %dma_start3A_810 = arith.constant 0 : i32
      %dma_start3A_811 = arith.constant 0 : i32
      %dma_start3A_812 = tpu.memref_slice %arg8[%dma_start3A_808, %dma_start3A_810, %dma_start3A_811] : memref<8x128x32xf32, #tpu.memory_space<vmem>> -> memref<1x128x32xf32, #tpu.memory_space<vmem>>
      %dma_start3A_813 = tpu.memref_squeeze %dma_start3A_812 : memref<1x128x32xf32, #tpu.memory_space<vmem>> -> memref<128x32xf32, #tpu.memory_space<vmem>>
      %dma_start3A_814 = arith.constant 0 : i32
      %dma_start3A_815 = tpu.memref_slice %arg6[%add3A_807, %dma_start3A_814] : memref<80x128xi32, #tpu.memory_space<vmem>> -> memref<1x128xi32, #tpu.memory_space<vmem>>
      %dma_start3A_816 = tpu.memref_squeeze %dma_start3A_815 : memref<1x128xi32, #tpu.memory_space<vmem>> -> memref<128xi32, #tpu.memory_space<vmem>>
      %dma_start3A_817 = arith.constant 0 : i32
      %dma_start3A_818 = arith.constant 0 : i32
      %dma_start3A_819 = tpu.memref_slice %arg3[%dma_start3A_817, %dma_start3A_818] : memref<10000x32xf32, #tpu.memory_space<hbm>> -> memref<10000x32xf32, #tpu.memory_space<hbm>>
      %dma_start3A_820 = tpu.memref_slice %arg10[%dma_start3A_809] : memref<8x!tpu.dma_semaphore, #tpu.memory_space<semaphore_mem>> -> memref<1x!tpu.dma_semaphore, #tpu.memory_space<semaphore_mem>>
      %dma_start3A_821 = tpu.memref_squeeze %dma_start3A_820 : memref<1x!tpu.dma_semaphore, #tpu.memory_space<semaphore_mem>> -> memref<!tpu.dma_semaphore, #tpu.memory_space<semaphore_mem>>
      tpu.enqueue_indirect_dma source(%dma_start3A_819 : memref<10000x32xf32, #tpu.memory_space<hbm>>) target(%dma_start3A_813 : memref<128x32xf32, #tpu.memory_space<vmem>>) offsets(%dma_start3A_816 : memref<128xi32, #tpu.memory_space<vmem>>) semaphore(%dma_start3A_821 : memref<!tpu.dma_semaphore, #tpu.memory_space<semaphore_mem>>)
      %add3A_822 = arith.constant 2 : i32
      %add3A_823 = arith.addi %add3A_497, %add3A_822 : i32
      %dma_wait3A_824 = arith.constant 2 : i32
      %dma_wait3A_825 = arith.constant 2 : i32
      %dma_wait3A_826 = arith.constant 0 : i32
      %dma_wait3A_827 = arith.constant 0 : i32
      %dma_wait3A_828 = tpu.memref_slice %arg8[%dma_wait3A_824, %dma_wait3A_826, %dma_wait3A_827] : memref<8x128x32xf32, #tpu.memory_space<vmem>> -> memref<1x128x32xf32, #tpu.memory_space<vmem>>
      %dma_wait3A_829 = tpu.memref_squeeze %dma_wait3A_828 : memref<1x128x32xf32, #tpu.memory_space<vmem>> -> memref<128x32xf32, #tpu.memory_space<vmem>>
      %dma_wait3A_830 = arith.constant 0 : i32
      %dma_wait3A_831 = tpu.memref_slice %arg7[%add3A_823, %dma_wait3A_830] : memref<80x128xi32, #tpu.memory_space<vmem>> -> memref<1x128xi32, #tpu.memory_space<vmem>>
      %dma_wait3A_832 = tpu.memref_squeeze %dma_wait3A_831 : memref<1x128xi32, #tpu.memory_space<vmem>> -> memref<128xi32, #tpu.memory_space<vmem>>
      %dma_wait3A_833 = arith.constant 0 : i32
      %dma_wait3A_834 = arith.constant 0 : i32
      %dma_wait3A_835 = tpu.memref_slice %arg9[%dma_wait3A_833, %dma_wait3A_834] : memref<10112x32xf32, #tpu.memory_space<vmem_shared>> -> memref<10112x32xf32, #tpu.memory_space<vmem_shared>>
      %dma_wait3A_836 = tpu.memref_slice %arg11[%dma_wait3A_825] : memref<8x!tpu.dma_semaphore, #tpu.memory_space<semaphore_mem>> -> memref<1x!tpu.dma_semaphore, #tpu.memory_space<semaphore_mem>>
      %dma_wait3A_837 = tpu.memref_squeeze %dma_wait3A_836 : memref<1x!tpu.dma_semaphore, #tpu.memory_space<semaphore_mem>> -> memref<!tpu.dma_semaphore, #tpu.memory_space<semaphore_mem>>
      tpu.wait_indirect_dma semaphore(%dma_wait3A_837 : memref<!tpu.dma_semaphore, #tpu.memory_space<semaphore_mem>>) src(%dma_wait3A_829 : memref<128x32xf32, #tpu.memory_space<vmem>>) dst(%dma_wait3A_835 : memref<10112x32xf32, #tpu.memory_space<vmem_shared>>)
      %add3A_838 = arith.constant 8 : i32
      %add3A_839 = arith.addi %add3A_497, %add3A_838 : i32
      %add3A_840 = arith.constant 2 : i32
      %add3A_841 = arith.addi %add3A_839, %add3A_840 : i32
      %dma_start3A_842 = arith.constant 2 : i32
      %dma_start3A_843 = arith.constant 2 : i32
      %dma_start3A_844 = arith.constant 0 : i32
      %dma_start3A_845 = arith.constant 0 : i32
      %dma_start3A_846 = tpu.memref_slice %arg8[%dma_start3A_842, %dma_start3A_844, %dma_start3A_845] : memref<8x128x32xf32, #tpu.memory_space<vmem>> -> memref<1x128x32xf32, #tpu.memory_space<vmem>>
      %dma_start3A_847 = tpu.memref_squeeze %dma_start3A_846 : memref<1x128x32xf32, #tpu.memory_space<vmem>> -> memref<128x32xf32, #tpu.memory_space<vmem>>
      %dma_start3A_848 = arith.constant 0 : i32
      %dma_start3A_849 = tpu.memref_slice %arg6[%add3A_841, %dma_start3A_848] : memref<80x128xi32, #tpu.memory_space<vmem>> -> memref<1x128xi32, #tpu.memory_space<vmem>>
      %dma_start3A_850 = tpu.memref_squeeze %dma_start3A_849 : memref<1x128xi32, #tpu.memory_space<vmem>> -> memref<128xi32, #tpu.memory_space<vmem>>
      %dma_start3A_851 = arith.constant 0 : i32
      %dma_start3A_852 = arith.constant 0 : i32
      %dma_start3A_853 = tpu.memref_slice %arg3[%dma_start3A_851, %dma_start3A_852] : memref<10000x32xf32, #tpu.memory_space<hbm>> -> memref<10000x32xf32, #tpu.memory_space<hbm>>
      %dma_start3A_854 = tpu.memref_slice %arg10[%dma_start3A_843] : memref<8x!tpu.dma_semaphore, #tpu.memory_space<semaphore_mem>> -> memref<1x!tpu.dma_semaphore, #tpu.memory_space<semaphore_mem>>
      %dma_start3A_855 = tpu.memref_squeeze %dma_start3A_854 : memref<1x!tpu.dma_semaphore, #tpu.memory_space<semaphore_mem>> -> memref<!tpu.dma_semaphore, #tpu.memory_space<semaphore_mem>>
      tpu.enqueue_indirect_dma source(%dma_start3A_853 : memref<10000x32xf32, #tpu.memory_space<hbm>>) target(%dma_start3A_847 : memref<128x32xf32, #tpu.memory_space<vmem>>) offsets(%dma_start3A_850 : memref<128xi32, #tpu.memory_space<vmem>>) semaphore(%dma_start3A_855 : memref<!tpu.dma_semaphore, #tpu.memory_space<semaphore_mem>>)
      %add3A_856 = arith.constant 3 : i32
      %add3A_857 = arith.addi %add3A_497, %add3A_856 : i32
      %dma_wait3A_858 = arith.constant 3 : i32
      %dma_wait3A_859 = arith.constant 3 : i32
      %dma_wait3A_860 = arith.constant 0 : i32
      %dma_wait3A_861 = arith.constant 0 : i32
      %dma_wait3A_862 = tpu.memref_slice %arg8[%dma_wait3A_858, %dma_wait3A_860, %dma_wait3A_861] : memref<8x128x32xf32, #tpu.memory_space<vmem>> -> memref<1x128x32xf32, #tpu.memory_space<vmem>>
      %dma_wait3A_863 = tpu.memref_squeeze %dma_wait3A_862 : memref<1x128x32xf32, #tpu.memory_space<vmem>> -> memref<128x32xf32, #tpu.memory_space<vmem>>
      %dma_wait3A_864 = arith.constant 0 : i32
      %dma_wait3A_865 = tpu.memref_slice %arg7[%add3A_857, %dma_wait3A_864] : memref<80x128xi32, #tpu.memory_space<vmem>> -> memref<1x128xi32, #tpu.memory_space<vmem>>
      %dma_wait3A_866 = tpu.memref_squeeze %dma_wait3A_865 : memref<1x128xi32, #tpu.memory_space<vmem>> -> memref<128xi32, #tpu.memory_space<vmem>>
      %dma_wait3A_867 = arith.constant 0 : i32
      %dma_wait3A_868 = arith.constant 0 : i32
      %dma_wait3A_869 = tpu.memref_slice %arg9[%dma_wait3A_867, %dma_wait3A_868] : memref<10112x32xf32, #tpu.memory_space<vmem_shared>> -> memref<10112x32xf32, #tpu.memory_space<vmem_shared>>
      %dma_wait3A_870 = tpu.memref_slice %arg11[%dma_wait3A_859] : memref<8x!tpu.dma_semaphore, #tpu.memory_space<semaphore_mem>> -> memref<1x!tpu.dma_semaphore, #tpu.memory_space<semaphore_mem>>
      %dma_wait3A_871 = tpu.memref_squeeze %dma_wait3A_870 : memref<1x!tpu.dma_semaphore, #tpu.memory_space<semaphore_mem>> -> memref<!tpu.dma_semaphore, #tpu.memory_space<semaphore_mem>>
      tpu.wait_indirect_dma semaphore(%dma_wait3A_871 : memref<!tpu.dma_semaphore, #tpu.memory_space<semaphore_mem>>) src(%dma_wait3A_863 : memref<128x32xf32, #tpu.memory_space<vmem>>) dst(%dma_wait3A_869 : memref<10112x32xf32, #tpu.memory_space<vmem_shared>>)
      %add3A_872 = arith.constant 8 : i32
      %add3A_873 = arith.addi %add3A_497, %add3A_872 : i32
      %add3A_874 = arith.constant 3 : i32
      %add3A_875 = arith.addi %add3A_873, %add3A_874 : i32
      %dma_start3A_876 = arith.constant 3 : i32
      %dma_start3A_877 = arith.constant 3 : i32
      %dma_start3A_878 = arith.constant 0 : i32
      %dma_start3A_879 = arith.constant 0 : i32
      %dma_start3A_880 = tpu.memref_slice %arg8[%dma_start3A_876, %dma_start3A_878, %dma_start3A_879] : memref<8x128x32xf32, #tpu.memory_space<vmem>> -> memref<1x128x32xf32, #tpu.memory_space<vmem>>
      %dma_start3A_881 = tpu.memref_squeeze %dma_start3A_880 : memref<1x128x32xf32, #tpu.memory_space<vmem>> -> memref<128x32xf32, #tpu.memory_space<vmem>>
      %dma_start3A_882 = arith.constant 0 : i32
      %dma_start3A_883 = tpu.memref_slice %arg6[%add3A_875, %dma_start3A_882] : memref<80x128xi32, #tpu.memory_space<vmem>> -> memref<1x128xi32, #tpu.memory_space<vmem>>
      %dma_start3A_884 = tpu.memref_squeeze %dma_start3A_883 : memref<1x128xi32, #tpu.memory_space<vmem>> -> memref<128xi32, #tpu.memory_space<vmem>>
      %dma_start3A_885 = arith.constant 0 : i32
      %dma_start3A_886 = arith.constant 0 : i32
      %dma_start3A_887 = tpu.memref_slice %arg3[%dma_start3A_885, %dma_start3A_886] : memref<10000x32xf32, #tpu.memory_space<hbm>> -> memref<10000x32xf32, #tpu.memory_space<hbm>>
      %dma_start3A_888 = tpu.memref_slice %arg10[%dma_start3A_877] : memref<8x!tpu.dma_semaphore, #tpu.memory_space<semaphore_mem>> -> memref<1x!tpu.dma_semaphore, #tpu.memory_space<semaphore_mem>>
      %dma_start3A_889 = tpu.memref_squeeze %dma_start3A_888 : memref<1x!tpu.dma_semaphore, #tpu.memory_space<semaphore_mem>> -> memref<!tpu.dma_semaphore, #tpu.memory_space<semaphore_mem>>
      tpu.enqueue_indirect_dma source(%dma_start3A_887 : memref<10000x32xf32, #tpu.memory_space<hbm>>) target(%dma_start3A_881 : memref<128x32xf32, #tpu.memory_space<vmem>>) offsets(%dma_start3A_884 : memref<128xi32, #tpu.memory_space<vmem>>) semaphore(%dma_start3A_889 : memref<!tpu.dma_semaphore, #tpu.memory_space<semaphore_mem>>)
      %add3A_890 = arith.constant 4 : i32
      %add3A_891 = arith.addi %add3A_497, %add3A_890 : i32
      %dma_wait3A_892 = arith.constant 4 : i32
      %dma_wait3A_893 = arith.constant 4 : i32
      %dma_wait3A_894 = arith.constant 0 : i32
      %dma_wait3A_895 = arith.constant 0 : i32
      %dma_wait3A_896 = tpu.memref_slice %arg8[%dma_wait3A_892, %dma_wait3A_894, %dma_wait3A_895] : memref<8x128x32xf32, #tpu.memory_space<vmem>> -> memref<1x128x32xf32, #tpu.memory_space<vmem>>
      %dma_wait3A_897 = tpu.memref_squeeze %dma_wait3A_896 : memref<1x128x32xf32, #tpu.memory_space<vmem>> -> memref<128x32xf32, #tpu.memory_space<vmem>>
      %dma_wait3A_898 = arith.constant 0 : i32
      %dma_wait3A_899 = tpu.memref_slice %arg7[%add3A_891, %dma_wait3A_898] : memref<80x128xi32, #tpu.memory_space<vmem>> -> memref<1x128xi32, #tpu.memory_space<vmem>>
      %dma_wait3A_900 = tpu.memref_squeeze %dma_wait3A_899 : memref<1x128xi32, #tpu.memory_space<vmem>> -> memref<128xi32, #tpu.memory_space<vmem>>
      %dma_wait3A_901 = arith.constant 0 : i32
      %dma_wait3A_902 = arith.constant 0 : i32
      %dma_wait3A_903 = tpu.memref_slice %arg9[%dma_wait3A_901, %dma_wait3A_902] : memref<10112x32xf32, #tpu.memory_space<vmem_shared>> -> memref<10112x32xf32, #tpu.memory_space<vmem_shared>>
      %dma_wait3A_904 = tpu.memref_slice %arg11[%dma_wait3A_893] : memref<8x!tpu.dma_semaphore, #tpu.memory_space<semaphore_mem>> -> memref<1x!tpu.dma_semaphore, #tpu.memory_space<semaphore_mem>>
      %dma_wait3A_905 = tpu.memref_squeeze %dma_wait3A_904 : memref<1x!tpu.dma_semaphore, #tpu.memory_space<semaphore_mem>> -> memref<!tpu.dma_semaphore, #tpu.memory_space<semaphore_mem>>
      tpu.wait_indirect_dma semaphore(%dma_wait3A_905 : memref<!tpu.dma_semaphore, #tpu.memory_space<semaphore_mem>>) src(%dma_wait3A_897 : memref<128x32xf32, #tpu.memory_space<vmem>>) dst(%dma_wait3A_903 : memref<10112x32xf32, #tpu.memory_space<vmem_shared>>)
      %add3A_906 = arith.constant 8 : i32
      %add3A_907 = arith.addi %add3A_497, %add3A_906 : i32
      %add3A_908 = arith.constant 4 : i32
      %add3A_909 = arith.addi %add3A_907, %add3A_908 : i32
      %dma_start3A_910 = arith.constant 4 : i32
      %dma_start3A_911 = arith.constant 4 : i32
      %dma_start3A_912 = arith.constant 0 : i32
      %dma_start3A_913 = arith.constant 0 : i32
      %dma_start3A_914 = tpu.memref_slice %arg8[%dma_start3A_910, %dma_start3A_912, %dma_start3A_913] : memref<8x128x32xf32, #tpu.memory_space<vmem>> -> memref<1x128x32xf32, #tpu.memory_space<vmem>>
      %dma_start3A_915 = tpu.memref_squeeze %dma_start3A_914 : memref<1x128x32xf32, #tpu.memory_space<vmem>> -> memref<128x32xf32, #tpu.memory_space<vmem>>
      %dma_start3A_916 = arith.constant 0 : i32
      %dma_start3A_917 = tpu.memref_slice %arg6[%add3A_909, %dma_start3A_916] : memref<80x128xi32, #tpu.memory_space<vmem>> -> memref<1x128xi32, #tpu.memory_space<vmem>>
      %dma_start3A_918 = tpu.memref_squeeze %dma_start3A_917 : memref<1x128xi32, #tpu.memory_space<vmem>> -> memref<128xi32, #tpu.memory_space<vmem>>
      %dma_start3A_919 = arith.constant 0 : i32
      %dma_start3A_920 = arith.constant 0 : i32
      %dma_start3A_921 = tpu.memref_slice %arg3[%dma_start3A_919, %dma_start3A_920] : memref<10000x32xf32, #tpu.memory_space<hbm>> -> memref<10000x32xf32, #tpu.memory_space<hbm>>
      %dma_start3A_922 = tpu.memref_slice %arg10[%dma_start3A_911] : memref<8x!tpu.dma_semaphore, #tpu.memory_space<semaphore_mem>> -> memref<1x!tpu.dma_semaphore, #tpu.memory_space<semaphore_mem>>
      %dma_start3A_923 = tpu.memref_squeeze %dma_start3A_922 : memref<1x!tpu.dma_semaphore, #tpu.memory_space<semaphore_mem>> -> memref<!tpu.dma_semaphore, #tpu.memory_space<semaphore_mem>>
      tpu.enqueue_indirect_dma source(%dma_start3A_921 : memref<10000x32xf32, #tpu.memory_space<hbm>>) target(%dma_start3A_915 : memref<128x32xf32, #tpu.memory_space<vmem>>) offsets(%dma_start3A_918 : memref<128xi32, #tpu.memory_space<vmem>>) semaphore(%dma_start3A_923 : memref<!tpu.dma_semaphore, #tpu.memory_space<semaphore_mem>>)
      %add3A_924 = arith.constant 5 : i32
      %add3A_925 = arith.addi %add3A_497, %add3A_924 : i32
      %dma_wait3A_926 = arith.constant 5 : i32
      %dma_wait3A_927 = arith.constant 5 : i32
      %dma_wait3A_928 = arith.constant 0 : i32
      %dma_wait3A_929 = arith.constant 0 : i32
      %dma_wait3A_930 = tpu.memref_slice %arg8[%dma_wait3A_926, %dma_wait3A_928, %dma_wait3A_929] : memref<8x128x32xf32, #tpu.memory_space<vmem>> -> memref<1x128x32xf32, #tpu.memory_space<vmem>>
      %dma_wait3A_931 = tpu.memref_squeeze %dma_wait3A_930 : memref<1x128x32xf32, #tpu.memory_space<vmem>> -> memref<128x32xf32, #tpu.memory_space<vmem>>
      %dma_wait3A_932 = arith.constant 0 : i32
      %dma_wait3A_933 = tpu.memref_slice %arg7[%add3A_925, %dma_wait3A_932] : memref<80x128xi32, #tpu.memory_space<vmem>> -> memref<1x128xi32, #tpu.memory_space<vmem>>
      %dma_wait3A_934 = tpu.memref_squeeze %dma_wait3A_933 : memref<1x128xi32, #tpu.memory_space<vmem>> -> memref<128xi32, #tpu.memory_space<vmem>>
      %dma_wait3A_935 = arith.constant 0 : i32
      %dma_wait3A_936 = arith.constant 0 : i32
      %dma_wait3A_937 = tpu.memref_slice %arg9[%dma_wait3A_935, %dma_wait3A_936] : memref<10112x32xf32, #tpu.memory_space<vmem_shared>> -> memref<10112x32xf32, #tpu.memory_space<vmem_shared>>
      %dma_wait3A_938 = tpu.memref_slice %arg11[%dma_wait3A_927] : memref<8x!tpu.dma_semaphore, #tpu.memory_space<semaphore_mem>> -> memref<1x!tpu.dma_semaphore, #tpu.memory_space<semaphore_mem>>
      %dma_wait3A_939 = tpu.memref_squeeze %dma_wait3A_938 : memref<1x!tpu.dma_semaphore, #tpu.memory_space<semaphore_mem>> -> memref<!tpu.dma_semaphore, #tpu.memory_space<semaphore_mem>>
      tpu.wait_indirect_dma semaphore(%dma_wait3A_939 : memref<!tpu.dma_semaphore, #tpu.memory_space<semaphore_mem>>) src(%dma_wait3A_931 : memref<128x32xf32, #tpu.memory_space<vmem>>) dst(%dma_wait3A_937 : memref<10112x32xf32, #tpu.memory_space<vmem_shared>>)
      %add3A_940 = arith.constant 8 : i32
      %add3A_941 = arith.addi %add3A_497, %add3A_940 : i32
      %add3A_942 = arith.constant 5 : i32
      %add3A_943 = arith.addi %add3A_941, %add3A_942 : i32
      %dma_start3A_944 = arith.constant 5 : i32
      %dma_start3A_945 = arith.constant 5 : i32
      %dma_start3A_946 = arith.constant 0 : i32
      %dma_start3A_947 = arith.constant 0 : i32
      %dma_start3A_948 = tpu.memref_slice %arg8[%dma_start3A_944, %dma_start3A_946, %dma_start3A_947] : memref<8x128x32xf32, #tpu.memory_space<vmem>> -> memref<1x128x32xf32, #tpu.memory_space<vmem>>
      %dma_start3A_949 = tpu.memref_squeeze %dma_start3A_948 : memref<1x128x32xf32, #tpu.memory_space<vmem>> -> memref<128x32xf32, #tpu.memory_space<vmem>>
      %dma_start3A_950 = arith.constant 0 : i32
      %dma_start3A_951 = tpu.memref_slice %arg6[%add3A_943, %dma_start3A_950] : memref<80x128xi32, #tpu.memory_space<vmem>> -> memref<1x128xi32, #tpu.memory_space<vmem>>
      %dma_start3A_952 = tpu.memref_squeeze %dma_start3A_951 : memref<1x128xi32, #tpu.memory_space<vmem>> -> memref<128xi32, #tpu.memory_space<vmem>>
      %dma_start3A_953 = arith.constant 0 : i32
      %dma_start3A_954 = arith.constant 0 : i32
      %dma_start3A_955 = tpu.memref_slice %arg3[%dma_start3A_953, %dma_start3A_954] : memref<10000x32xf32, #tpu.memory_space<hbm>> -> memref<10000x32xf32, #tpu.memory_space<hbm>>
      %dma_start3A_956 = tpu.memref_slice %arg10[%dma_start3A_945] : memref<8x!tpu.dma_semaphore, #tpu.memory_space<semaphore_mem>> -> memref<1x!tpu.dma_semaphore, #tpu.memory_space<semaphore_mem>>
      %dma_start3A_957 = tpu.memref_squeeze %dma_start3A_956 : memref<1x!tpu.dma_semaphore, #tpu.memory_space<semaphore_mem>> -> memref<!tpu.dma_semaphore, #tpu.memory_space<semaphore_mem>>
      tpu.enqueue_indirect_dma source(%dma_start3A_955 : memref<10000x32xf32, #tpu.memory_space<hbm>>) target(%dma_start3A_949 : memref<128x32xf32, #tpu.memory_space<vmem>>) offsets(%dma_start3A_952 : memref<128xi32, #tpu.memory_space<vmem>>) semaphore(%dma_start3A_957 : memref<!tpu.dma_semaphore, #tpu.memory_space<semaphore_mem>>)
      %add3A_958 = arith.constant 6 : i32
      %add3A_959 = arith.addi %add3A_497, %add3A_958 : i32
      %dma_wait3A_960 = arith.constant 6 : i32
      %dma_wait3A_961 = arith.constant 6 : i32
      %dma_wait3A_962 = arith.constant 0 : i32
      %dma_wait3A_963 = arith.constant 0 : i32
      %dma_wait3A_964 = tpu.memref_slice %arg8[%dma_wait3A_960, %dma_wait3A_962, %dma_wait3A_963] : memref<8x128x32xf32, #tpu.memory_space<vmem>> -> memref<1x128x32xf32, #tpu.memory_space<vmem>>
      %dma_wait3A_965 = tpu.memref_squeeze %dma_wait3A_964 : memref<1x128x32xf32, #tpu.memory_space<vmem>> -> memref<128x32xf32, #tpu.memory_space<vmem>>
      %dma_wait3A_966 = arith.constant 0 : i32
      %dma_wait3A_967 = tpu.memref_slice %arg7[%add3A_959, %dma_wait3A_966] : memref<80x128xi32, #tpu.memory_space<vmem>> -> memref<1x128xi32, #tpu.memory_space<vmem>>
      %dma_wait3A_968 = tpu.memref_squeeze %dma_wait3A_967 : memref<1x128xi32, #tpu.memory_space<vmem>> -> memref<128xi32, #tpu.memory_space<vmem>>
      %dma_wait3A_969 = arith.constant 0 : i32
      %dma_wait3A_970 = arith.constant 0 : i32
      %dma_wait3A_971 = tpu.memref_slice %arg9[%dma_wait3A_969, %dma_wait3A_970] : memref<10112x32xf32, #tpu.memory_space<vmem_shared>> -> memref<10112x32xf32, #tpu.memory_space<vmem_shared>>
      %dma_wait3A_972 = tpu.memref_slice %arg11[%dma_wait3A_961] : memref<8x!tpu.dma_semaphore, #tpu.memory_space<semaphore_mem>> -> memref<1x!tpu.dma_semaphore, #tpu.memory_space<semaphore_mem>>
      %dma_wait3A_973 = tpu.memref_squeeze %dma_wait3A_972 : memref<1x!tpu.dma_semaphore, #tpu.memory_space<semaphore_mem>> -> memref<!tpu.dma_semaphore, #tpu.memory_space<semaphore_mem>>
      tpu.wait_indirect_dma semaphore(%dma_wait3A_973 : memref<!tpu.dma_semaphore, #tpu.memory_space<semaphore_mem>>) src(%dma_wait3A_965 : memref<128x32xf32, #tpu.memory_space<vmem>>) dst(%dma_wait3A_971 : memref<10112x32xf32, #tpu.memory_space<vmem_shared>>)
      %add3A_974 = arith.constant 8 : i32
      %add3A_975 = arith.addi %add3A_497, %add3A_974 : i32
      %add3A_976 = arith.constant 6 : i32
      %add3A_977 = arith.addi %add3A_975, %add3A_976 : i32
      %dma_start3A_978 = arith.constant 6 : i32
      %dma_start3A_979 = arith.constant 6 : i32
      %dma_start3A_980 = arith.constant 0 : i32
      %dma_start3A_981 = arith.constant 0 : i32
      %dma_start3A_982 = tpu.memref_slice %arg8[%dma_start3A_978, %dma_start3A_980, %dma_start3A_981] : memref<8x128x32xf32, #tpu.memory_space<vmem>> -> memref<1x128x32xf32, #tpu.memory_space<vmem>>
      %dma_start3A_983 = tpu.memref_squeeze %dma_start3A_982 : memref<1x128x32xf32, #tpu.memory_space<vmem>> -> memref<128x32xf32, #tpu.memory_space<vmem>>
      %dma_start3A_984 = arith.constant 0 : i32
      %dma_start3A_985 = tpu.memref_slice %arg6[%add3A_977, %dma_start3A_984] : memref<80x128xi32, #tpu.memory_space<vmem>> -> memref<1x128xi32, #tpu.memory_space<vmem>>
      %dma_start3A_986 = tpu.memref_squeeze %dma_start3A_985 : memref<1x128xi32, #tpu.memory_space<vmem>> -> memref<128xi32, #tpu.memory_space<vmem>>
      %dma_start3A_987 = arith.constant 0 : i32
      %dma_start3A_988 = arith.constant 0 : i32
      %dma_start3A_989 = tpu.memref_slice %arg3[%dma_start3A_987, %dma_start3A_988] : memref<10000x32xf32, #tpu.memory_space<hbm>> -> memref<10000x32xf32, #tpu.memory_space<hbm>>
      %dma_start3A_990 = tpu.memref_slice %arg10[%dma_start3A_979] : memref<8x!tpu.dma_semaphore, #tpu.memory_space<semaphore_mem>> -> memref<1x!tpu.dma_semaphore, #tpu.memory_space<semaphore_mem>>
      %dma_start3A_991 = tpu.memref_squeeze %dma_start3A_990 : memref<1x!tpu.dma_semaphore, #tpu.memory_space<semaphore_mem>> -> memref<!tpu.dma_semaphore, #tpu.memory_space<semaphore_mem>>
      tpu.enqueue_indirect_dma source(%dma_start3A_989 : memref<10000x32xf32, #tpu.memory_space<hbm>>) target(%dma_start3A_983 : memref<128x32xf32, #tpu.memory_space<vmem>>) offsets(%dma_start3A_986 : memref<128xi32, #tpu.memory_space<vmem>>) semaphore(%dma_start3A_991 : memref<!tpu.dma_semaphore, #tpu.memory_space<semaphore_mem>>)
      %add3A_992 = arith.constant 7 : i32
      %add3A_993 = arith.addi %add3A_497, %add3A_992 : i32
      %dma_wait3A_994 = arith.constant 7 : i32
      %dma_wait3A_995 = arith.constant 7 : i32
      %dma_wait3A_996 = arith.constant 0 : i32
      %dma_wait3A_997 = arith.constant 0 : i32
      %dma_wait3A_998 = tpu.memref_slice %arg8[%dma_wait3A_994, %dma_wait3A_996, %dma_wait3A_997] : memref<8x128x32xf32, #tpu.memory_space<vmem>> -> memref<1x128x32xf32, #tpu.memory_space<vmem>>
      %dma_wait3A_999 = tpu.memref_squeeze %dma_wait3A_998 : memref<1x128x32xf32, #tpu.memory_space<vmem>> -> memref<128x32xf32, #tpu.memory_space<vmem>>
      %dma_wait3A_1000 = arith.constant 0 : i32
      %dma_wait3A_1001 = tpu.memref_slice %arg7[%add3A_993, %dma_wait3A_1000] : memref<80x128xi32, #tpu.memory_space<vmem>> -> memref<1x128xi32, #tpu.memory_space<vmem>>
      %dma_wait3A_1002 = tpu.memref_squeeze %dma_wait3A_1001 : memref<1x128xi32, #tpu.memory_space<vmem>> -> memref<128xi32, #tpu.memory_space<vmem>>
      %dma_wait3A_1003 = arith.constant 0 : i32
      %dma_wait3A_1004 = arith.constant 0 : i32
      %dma_wait3A_1005 = tpu.memref_slice %arg9[%dma_wait3A_1003, %dma_wait3A_1004] : memref<10112x32xf32, #tpu.memory_space<vmem_shared>> -> memref<10112x32xf32, #tpu.memory_space<vmem_shared>>
      %dma_wait3A_1006 = tpu.memref_slice %arg11[%dma_wait3A_995] : memref<8x!tpu.dma_semaphore, #tpu.memory_space<semaphore_mem>> -> memref<1x!tpu.dma_semaphore, #tpu.memory_space<semaphore_mem>>
      %dma_wait3A_1007 = tpu.memref_squeeze %dma_wait3A_1006 : memref<1x!tpu.dma_semaphore, #tpu.memory_space<semaphore_mem>> -> memref<!tpu.dma_semaphore, #tpu.memory_space<semaphore_mem>>
      tpu.wait_indirect_dma semaphore(%dma_wait3A_1007 : memref<!tpu.dma_semaphore, #tpu.memory_space<semaphore_mem>>) src(%dma_wait3A_999 : memref<128x32xf32, #tpu.memory_space<vmem>>) dst(%dma_wait3A_1005 : memref<10112x32xf32, #tpu.memory_space<vmem_shared>>)
      %add3A_1008 = arith.constant 8 : i32
      %add3A_1009 = arith.addi %add3A_497, %add3A_1008 : i32
      %add3A_1010 = arith.constant 7 : i32
      %add3A_1011 = arith.addi %add3A_1009, %add3A_1010 : i32
      %dma_start3A_1012 = arith.constant 7 : i32
      %dma_start3A_1013 = arith.constant 7 : i32
      %dma_start3A_1014 = arith.constant 0 : i32
      %dma_start3A_1015 = arith.constant 0 : i32
      %dma_start3A_1016 = tpu.memref_slice %arg8[%dma_start3A_1012, %dma_start3A_1014, %dma_start3A_1015] : memref<8x128x32xf32, #tpu.memory_space<vmem>> -> memref<1x128x32xf32, #tpu.memory_space<vmem>>
      %dma_start3A_1017 = tpu.memref_squeeze %dma_start3A_1016 : memref<1x128x32xf32, #tpu.memory_space<vmem>> -> memref<128x32xf32, #tpu.memory_space<vmem>>
      %dma_start3A_1018 = arith.constant 0 : i32
      %dma_start3A_1019 = tpu.memref_slice %arg6[%add3A_1011, %dma_start3A_1018] : memref<80x128xi32, #tpu.memory_space<vmem>> -> memref<1x128xi32, #tpu.memory_space<vmem>>
      %dma_start3A_1020 = tpu.memref_squeeze %dma_start3A_1019 : memref<1x128xi32, #tpu.memory_space<vmem>> -> memref<128xi32, #tpu.memory_space<vmem>>
      %dma_start3A_1021 = arith.constant 0 : i32
      %dma_start3A_1022 = arith.constant 0 : i32
      %dma_start3A_1023 = tpu.memref_slice %arg3[%dma_start3A_1021, %dma_start3A_1022] : memref<10000x32xf32, #tpu.memory_space<hbm>> -> memref<10000x32xf32, #tpu.memory_space<hbm>>
      %dma_start3A_1024 = tpu.memref_slice %arg10[%dma_start3A_1013] : memref<8x!tpu.dma_semaphore, #tpu.memory_space<semaphore_mem>> -> memref<1x!tpu.dma_semaphore, #tpu.memory_space<semaphore_mem>>
      %dma_start3A_1025 = tpu.memref_squeeze %dma_start3A_1024 : memref<1x!tpu.dma_semaphore, #tpu.memory_space<semaphore_mem>> -> memref<!tpu.dma_semaphore, #tpu.memory_space<semaphore_mem>>
      tpu.enqueue_indirect_dma source(%dma_start3A_1023 : memref<10000x32xf32, #tpu.memory_space<hbm>>) target(%dma_start3A_1017 : memref<128x32xf32, #tpu.memory_space<vmem>>) offsets(%dma_start3A_1020 : memref<128xi32, #tpu.memory_space<vmem>>) semaphore(%dma_start3A_1025 : memref<!tpu.dma_semaphore, #tpu.memory_space<semaphore_mem>>)
    }
    %scan3A_128 = arith.constant 9 : i32
    %dma_wait3A = arith.constant 72 : i32
    %dma_wait3A_129 = arith.constant 0 : i32
    %dma_wait3A_130 = arith.constant 0 : i32
    %dma_wait3A_131 = arith.constant 0 : i32
    %dma_wait3A_132 = arith.constant 0 : i32
    %dma_wait3A_133 = tpu.memref_slice %arg8[%dma_wait3A_129, %dma_wait3A_131, %dma_wait3A_132] : memref<8x128x32xf32, #tpu.memory_space<vmem>> -> memref<1x128x32xf32, #tpu.memory_space<vmem>>
    %dma_wait3A_134 = tpu.memref_squeeze %dma_wait3A_133 : memref<1x128x32xf32, #tpu.memory_space<vmem>> -> memref<128x32xf32, #tpu.memory_space<vmem>>
    %dma_wait3A_135 = arith.constant 0 : i32
    %dma_wait3A_136 = tpu.memref_slice %arg6[%dma_wait3A, %dma_wait3A_135] : memref<80x128xi32, #tpu.memory_space<vmem>> -> memref<1x128xi32, #tpu.memory_space<vmem>>
    %dma_wait3A_137 = tpu.memref_squeeze %dma_wait3A_136 : memref<1x128xi32, #tpu.memory_space<vmem>> -> memref<128xi32, #tpu.memory_space<vmem>>
    %dma_wait3A_138 = arith.constant 0 : i32
    %dma_wait3A_139 = arith.constant 0 : i32
    %dma_wait3A_140 = tpu.memref_slice %arg3[%dma_wait3A_138, %dma_wait3A_139] : memref<10000x32xf32, #tpu.memory_space<hbm>> -> memref<10000x32xf32, #tpu.memory_space<hbm>>
    %dma_wait3A_141 = tpu.memref_slice %arg10[%dma_wait3A_130] : memref<8x!tpu.dma_semaphore, #tpu.memory_space<semaphore_mem>> -> memref<1x!tpu.dma_semaphore, #tpu.memory_space<semaphore_mem>>
    %dma_wait3A_142 = tpu.memref_squeeze %dma_wait3A_141 : memref<1x!tpu.dma_semaphore, #tpu.memory_space<semaphore_mem>> -> memref<!tpu.dma_semaphore, #tpu.memory_space<semaphore_mem>>
    tpu.wait_indirect_dma semaphore(%dma_wait3A_142 : memref<!tpu.dma_semaphore, #tpu.memory_space<semaphore_mem>>) src(%dma_wait3A_140 : memref<10000x32xf32, #tpu.memory_space<hbm>>) dst(%dma_wait3A_134 : memref<128x32xf32, #tpu.memory_space<vmem>>)
    %dma_start3A_143 = arith.constant 0 : i32
    %dma_start3A_144 = arith.constant 72 : i32
    %dma_start3A_145 = arith.constant 0 : i32
    %dma_start3A_146 = arith.constant 0 : i32
    %dma_start3A_147 = arith.constant 0 : i32
    %dma_start3A_148 = tpu.memref_slice %arg8[%dma_start3A_143, %dma_start3A_146, %dma_start3A_147] : memref<8x128x32xf32, #tpu.memory_space<vmem>> -> memref<1x128x32xf32, #tpu.memory_space<vmem>>
    %dma_start3A_149 = tpu.memref_squeeze %dma_start3A_148 : memref<1x128x32xf32, #tpu.memory_space<vmem>> -> memref<128x32xf32, #tpu.memory_space<vmem>>
    %dma_start3A_150 = arith.constant 0 : i32
    %dma_start3A_151 = tpu.memref_slice %arg7[%dma_start3A_144, %dma_start3A_150] : memref<80x128xi32, #tpu.memory_space<vmem>> -> memref<1x128xi32, #tpu.memory_space<vmem>>
    %dma_start3A_152 = tpu.memref_squeeze %dma_start3A_151 : memref<1x128xi32, #tpu.memory_space<vmem>> -> memref<128xi32, #tpu.memory_space<vmem>>
    %dma_start3A_153 = arith.constant 0 : i32
    %dma_start3A_154 = arith.constant 0 : i32
    %dma_start3A_155 = tpu.memref_slice %arg9[%dma_start3A_153, %dma_start3A_154] : memref<10112x32xf32, #tpu.memory_space<vmem_shared>> -> memref<10112x32xf32, #tpu.memory_space<vmem_shared>>
    %dma_start3A_156 = tpu.memref_slice %arg11[%dma_start3A_145] : memref<8x!tpu.dma_semaphore, #tpu.memory_space<semaphore_mem>> -> memref<1x!tpu.dma_semaphore, #tpu.memory_space<semaphore_mem>>
    %dma_start3A_157 = tpu.memref_squeeze %dma_start3A_156 : memref<1x!tpu.dma_semaphore, #tpu.memory_space<semaphore_mem>> -> memref<!tpu.dma_semaphore, #tpu.memory_space<semaphore_mem>>
    tpu.enqueue_indirect_dma source(%dma_start3A_149 : memref<128x32xf32, #tpu.memory_space<vmem>>) target(%dma_start3A_155 : memref<10112x32xf32, #tpu.memory_space<vmem_shared>>) offsets(%dma_start3A_152 : memref<128xi32, #tpu.memory_space<vmem>>) semaphore(%dma_start3A_157 : memref<!tpu.dma_semaphore, #tpu.memory_space<semaphore_mem>>) {add = true}
    %dma_wait3A_158 = arith.constant 73 : i32
    %dma_wait3A_159 = arith.constant 1 : i32
    %dma_wait3A_160 = arith.constant 1 : i32
    %dma_wait3A_161 = arith.constant 0 : i32
    %dma_wait3A_162 = arith.constant 0 : i32
    %dma_wait3A_163 = tpu.memref_slice %arg8[%dma_wait3A_159, %dma_wait3A_161, %dma_wait3A_162] : memref<8x128x32xf32, #tpu.memory_space<vmem>> -> memref<1x128x32xf32, #tpu.memory_space<vmem>>
    %dma_wait3A_164 = tpu.memref_squeeze %dma_wait3A_163 : memref<1x128x32xf32, #tpu.memory_space<vmem>> -> memref<128x32xf32, #tpu.memory_space<vmem>>
    %dma_wait3A_165 = arith.constant 0 : i32
    %dma_wait3A_166 = tpu.memref_slice %arg6[%dma_wait3A_158, %dma_wait3A_165] : memref<80x128xi32, #tpu.memory_space<vmem>> -> memref<1x128xi32, #tpu.memory_space<vmem>>
    %dma_wait3A_167 = tpu.memref_squeeze %dma_wait3A_166 : memref<1x128xi32, #tpu.memory_space<vmem>> -> memref<128xi32, #tpu.memory_space<vmem>>
    %dma_wait3A_168 = arith.constant 0 : i32
    %dma_wait3A_169 = arith.constant 0 : i32
    %dma_wait3A_170 = tpu.memref_slice %arg3[%dma_wait3A_168, %dma_wait3A_169] : memref<10000x32xf32, #tpu.memory_space<hbm>> -> memref<10000x32xf32, #tpu.memory_space<hbm>>
    %dma_wait3A_171 = tpu.memref_slice %arg10[%dma_wait3A_160] : memref<8x!tpu.dma_semaphore, #tpu.memory_space<semaphore_mem>> -> memref<1x!tpu.dma_semaphore, #tpu.memory_space<semaphore_mem>>
    %dma_wait3A_172 = tpu.memref_squeeze %dma_wait3A_171 : memref<1x!tpu.dma_semaphore, #tpu.memory_space<semaphore_mem>> -> memref<!tpu.dma_semaphore, #tpu.memory_space<semaphore_mem>>
    tpu.wait_indirect_dma semaphore(%dma_wait3A_172 : memref<!tpu.dma_semaphore, #tpu.memory_space<semaphore_mem>>) src(%dma_wait3A_170 : memref<10000x32xf32, #tpu.memory_space<hbm>>) dst(%dma_wait3A_164 : memref<128x32xf32, #tpu.memory_space<vmem>>)
    %dma_start3A_173 = arith.constant 1 : i32
    %dma_start3A_174 = arith.constant 73 : i32
    %dma_start3A_175 = arith.constant 1 : i32
    %dma_start3A_176 = arith.constant 0 : i32
    %dma_start3A_177 = arith.constant 0 : i32
    %dma_start3A_178 = tpu.memref_slice %arg8[%dma_start3A_173, %dma_start3A_176, %dma_start3A_177] : memref<8x128x32xf32, #tpu.memory_space<vmem>> -> memref<1x128x32xf32, #tpu.memory_space<vmem>>
    %dma_start3A_179 = tpu.memref_squeeze %dma_start3A_178 : memref<1x128x32xf32, #tpu.memory_space<vmem>> -> memref<128x32xf32, #tpu.memory_space<vmem>>
    %dma_start3A_180 = arith.constant 0 : i32
    %dma_start3A_181 = tpu.memref_slice %arg7[%dma_start3A_174, %dma_start3A_180] : memref<80x128xi32, #tpu.memory_space<vmem>> -> memref<1x128xi32, #tpu.memory_space<vmem>>
    %dma_start3A_182 = tpu.memref_squeeze %dma_start3A_181 : memref<1x128xi32, #tpu.memory_space<vmem>> -> memref<128xi32, #tpu.memory_space<vmem>>
    %dma_start3A_183 = arith.constant 0 : i32
    %dma_start3A_184 = arith.constant 0 : i32
    %dma_start3A_185 = tpu.memref_slice %arg9[%dma_start3A_183, %dma_start3A_184] : memref<10112x32xf32, #tpu.memory_space<vmem_shared>> -> memref<10112x32xf32, #tpu.memory_space<vmem_shared>>
    %dma_start3A_186 = tpu.memref_slice %arg11[%dma_start3A_175] : memref<8x!tpu.dma_semaphore, #tpu.memory_space<semaphore_mem>> -> memref<1x!tpu.dma_semaphore, #tpu.memory_space<semaphore_mem>>
    %dma_start3A_187 = tpu.memref_squeeze %dma_start3A_186 : memref<1x!tpu.dma_semaphore, #tpu.memory_space<semaphore_mem>> -> memref<!tpu.dma_semaphore, #tpu.memory_space<semaphore_mem>>
    tpu.enqueue_indirect_dma source(%dma_start3A_179 : memref<128x32xf32, #tpu.memory_space<vmem>>) target(%dma_start3A_185 : memref<10112x32xf32, #tpu.memory_space<vmem_shared>>) offsets(%dma_start3A_182 : memref<128xi32, #tpu.memory_space<vmem>>) semaphore(%dma_start3A_187 : memref<!tpu.dma_semaphore, #tpu.memory_space<semaphore_mem>>) {add = true}
    %dma_wait3A_188 = arith.constant 74 : i32
    %dma_wait3A_189 = arith.constant 2 : i32
    %dma_wait3A_190 = arith.constant 2 : i32
    %dma_wait3A_191 = arith.constant 0 : i32
    %dma_wait3A_192 = arith.constant 0 : i32
    %dma_wait3A_193 = tpu.memref_slice %arg8[%dma_wait3A_189, %dma_wait3A_191, %dma_wait3A_192] : memref<8x128x32xf32, #tpu.memory_space<vmem>> -> memref<1x128x32xf32, #tpu.memory_space<vmem>>
    %dma_wait3A_194 = tpu.memref_squeeze %dma_wait3A_193 : memref<1x128x32xf32, #tpu.memory_space<vmem>> -> memref<128x32xf32, #tpu.memory_space<vmem>>
    %dma_wait3A_195 = arith.constant 0 : i32
    %dma_wait3A_196 = tpu.memref_slice %arg6[%dma_wait3A_188, %dma_wait3A_195] : memref<80x128xi32, #tpu.memory_space<vmem>> -> memref<1x128xi32, #tpu.memory_space<vmem>>
    %dma_wait3A_197 = tpu.memref_squeeze %dma_wait3A_196 : memref<1x128xi32, #tpu.memory_space<vmem>> -> memref<128xi32, #tpu.memory_space<vmem>>
    %dma_wait3A_198 = arith.constant 0 : i32
    %dma_wait3A_199 = arith.constant 0 : i32
    %dma_wait3A_200 = tpu.memref_slice %arg3[%dma_wait3A_198, %dma_wait3A_199] : memref<10000x32xf32, #tpu.memory_space<hbm>> -> memref<10000x32xf32, #tpu.memory_space<hbm>>
    %dma_wait3A_201 = tpu.memref_slice %arg10[%dma_wait3A_190] : memref<8x!tpu.dma_semaphore, #tpu.memory_space<semaphore_mem>> -> memref<1x!tpu.dma_semaphore, #tpu.memory_space<semaphore_mem>>
    %dma_wait3A_202 = tpu.memref_squeeze %dma_wait3A_201 : memref<1x!tpu.dma_semaphore, #tpu.memory_space<semaphore_mem>> -> memref<!tpu.dma_semaphore, #tpu.memory_space<semaphore_mem>>
    tpu.wait_indirect_dma semaphore(%dma_wait3A_202 : memref<!tpu.dma_semaphore, #tpu.memory_space<semaphore_mem>>) src(%dma_wait3A_200 : memref<10000x32xf32, #tpu.memory_space<hbm>>) dst(%dma_wait3A_194 : memref<128x32xf32, #tpu.memory_space<vmem>>)
    %dma_start3A_203 = arith.constant 2 : i32
    %dma_start3A_204 = arith.constant 74 : i32
    %dma_start3A_205 = arith.constant 2 : i32
    %dma_start3A_206 = arith.constant 0 : i32
    %dma_start3A_207 = arith.constant 0 : i32
    %dma_start3A_208 = tpu.memref_slice %arg8[%dma_start3A_203, %dma_start3A_206, %dma_start3A_207] : memref<8x128x32xf32, #tpu.memory_space<vmem>> -> memref<1x128x32xf32, #tpu.memory_space<vmem>>
    %dma_start3A_209 = tpu.memref_squeeze %dma_start3A_208 : memref<1x128x32xf32, #tpu.memory_space<vmem>> -> memref<128x32xf32, #tpu.memory_space<vmem>>
    %dma_start3A_210 = arith.constant 0 : i32
    %dma_start3A_211 = tpu.memref_slice %arg7[%dma_start3A_204, %dma_start3A_210] : memref<80x128xi32, #tpu.memory_space<vmem>> -> memref<1x128xi32, #tpu.memory_space<vmem>>
    %dma_start3A_212 = tpu.memref_squeeze %dma_start3A_211 : memref<1x128xi32, #tpu.memory_space<vmem>> -> memref<128xi32, #tpu.memory_space<vmem>>
    %dma_start3A_213 = arith.constant 0 : i32
    %dma_start3A_214 = arith.constant 0 : i32
    %dma_start3A_215 = tpu.memref_slice %arg9[%dma_start3A_213, %dma_start3A_214] : memref<10112x32xf32, #tpu.memory_space<vmem_shared>> -> memref<10112x32xf32, #tpu.memory_space<vmem_shared>>
    %dma_start3A_216 = tpu.memref_slice %arg11[%dma_start3A_205] : memref<8x!tpu.dma_semaphore, #tpu.memory_space<semaphore_mem>> -> memref<1x!tpu.dma_semaphore, #tpu.memory_space<semaphore_mem>>
    %dma_start3A_217 = tpu.memref_squeeze %dma_start3A_216 : memref<1x!tpu.dma_semaphore, #tpu.memory_space<semaphore_mem>> -> memref<!tpu.dma_semaphore, #tpu.memory_space<semaphore_mem>>
    tpu.enqueue_indirect_dma source(%dma_start3A_209 : memref<128x32xf32, #tpu.memory_space<vmem>>) target(%dma_start3A_215 : memref<10112x32xf32, #tpu.memory_space<vmem_shared>>) offsets(%dma_start3A_212 : memref<128xi32, #tpu.memory_space<vmem>>) semaphore(%dma_start3A_217 : memref<!tpu.dma_semaphore, #tpu.memory_space<semaphore_mem>>) {add = true}
    %dma_wait3A_218 = arith.constant 75 : i32
    %dma_wait3A_219 = arith.constant 3 : i32
    %dma_wait3A_220 = arith.constant 3 : i32
    %dma_wait3A_221 = arith.constant 0 : i32
    %dma_wait3A_222 = arith.constant 0 : i32
    %dma_wait3A_223 = tpu.memref_slice %arg8[%dma_wait3A_219, %dma_wait3A_221, %dma_wait3A_222] : memref<8x128x32xf32, #tpu.memory_space<vmem>> -> memref<1x128x32xf32, #tpu.memory_space<vmem>>
    %dma_wait3A_224 = tpu.memref_squeeze %dma_wait3A_223 : memref<1x128x32xf32, #tpu.memory_space<vmem>> -> memref<128x32xf32, #tpu.memory_space<vmem>>
    %dma_wait3A_225 = arith.constant 0 : i32
    %dma_wait3A_226 = tpu.memref_slice %arg6[%dma_wait3A_218, %dma_wait3A_225] : memref<80x128xi32, #tpu.memory_space<vmem>> -> memref<1x128xi32, #tpu.memory_space<vmem>>
    %dma_wait3A_227 = tpu.memref_squeeze %dma_wait3A_226 : memref<1x128xi32, #tpu.memory_space<vmem>> -> memref<128xi32, #tpu.memory_space<vmem>>
    %dma_wait3A_228 = arith.constant 0 : i32
    %dma_wait3A_229 = arith.constant 0 : i32
    %dma_wait3A_230 = tpu.memref_slice %arg3[%dma_wait3A_228, %dma_wait3A_229] : memref<10000x32xf32, #tpu.memory_space<hbm>> -> memref<10000x32xf32, #tpu.memory_space<hbm>>
    %dma_wait3A_231 = tpu.memref_slice %arg10[%dma_wait3A_220] : memref<8x!tpu.dma_semaphore, #tpu.memory_space<semaphore_mem>> -> memref<1x!tpu.dma_semaphore, #tpu.memory_space<semaphore_mem>>
    %dma_wait3A_232 = tpu.memref_squeeze %dma_wait3A_231 : memref<1x!tpu.dma_semaphore, #tpu.memory_space<semaphore_mem>> -> memref<!tpu.dma_semaphore, #tpu.memory_space<semaphore_mem>>
    tpu.wait_indirect_dma semaphore(%dma_wait3A_232 : memref<!tpu.dma_semaphore, #tpu.memory_space<semaphore_mem>>) src(%dma_wait3A_230 : memref<10000x32xf32, #tpu.memory_space<hbm>>) dst(%dma_wait3A_224 : memref<128x32xf32, #tpu.memory_space<vmem>>)
    %dma_start3A_233 = arith.constant 3 : i32
    %dma_start3A_234 = arith.constant 75 : i32
    %dma_start3A_235 = arith.constant 3 : i32
    %dma_start3A_236 = arith.constant 0 : i32
    %dma_start3A_237 = arith.constant 0 : i32
    %dma_start3A_238 = tpu.memref_slice %arg8[%dma_start3A_233, %dma_start3A_236, %dma_start3A_237] : memref<8x128x32xf32, #tpu.memory_space<vmem>> -> memref<1x128x32xf32, #tpu.memory_space<vmem>>
    %dma_start3A_239 = tpu.memref_squeeze %dma_start3A_238 : memref<1x128x32xf32, #tpu.memory_space<vmem>> -> memref<128x32xf32, #tpu.memory_space<vmem>>
    %dma_start3A_240 = arith.constant 0 : i32
    %dma_start3A_241 = tpu.memref_slice %arg7[%dma_start3A_234, %dma_start3A_240] : memref<80x128xi32, #tpu.memory_space<vmem>> -> memref<1x128xi32, #tpu.memory_space<vmem>>
    %dma_start3A_242 = tpu.memref_squeeze %dma_start3A_241 : memref<1x128xi32, #tpu.memory_space<vmem>> -> memref<128xi32, #tpu.memory_space<vmem>>
    %dma_start3A_243 = arith.constant 0 : i32
    %dma_start3A_244 = arith.constant 0 : i32
    %dma_start3A_245 = tpu.memref_slice %arg9[%dma_start3A_243, %dma_start3A_244] : memref<10112x32xf32, #tpu.memory_space<vmem_shared>> -> memref<10112x32xf32, #tpu.memory_space<vmem_shared>>
    %dma_start3A_246 = tpu.memref_slice %arg11[%dma_start3A_235] : memref<8x!tpu.dma_semaphore, #tpu.memory_space<semaphore_mem>> -> memref<1x!tpu.dma_semaphore, #tpu.memory_space<semaphore_mem>>
    %dma_start3A_247 = tpu.memref_squeeze %dma_start3A_246 : memref<1x!tpu.dma_semaphore, #tpu.memory_space<semaphore_mem>> -> memref<!tpu.dma_semaphore, #tpu.memory_space<semaphore_mem>>
    tpu.enqueue_indirect_dma source(%dma_start3A_239 : memref<128x32xf32, #tpu.memory_space<vmem>>) target(%dma_start3A_245 : memref<10112x32xf32, #tpu.memory_space<vmem_shared>>) offsets(%dma_start3A_242 : memref<128xi32, #tpu.memory_space<vmem>>) semaphore(%dma_start3A_247 : memref<!tpu.dma_semaphore, #tpu.memory_space<semaphore_mem>>) {add = true}
    %dma_wait3A_248 = arith.constant 76 : i32
    %dma_wait3A_249 = arith.constant 4 : i32
    %dma_wait3A_250 = arith.constant 4 : i32
    %dma_wait3A_251 = arith.constant 0 : i32
    %dma_wait3A_252 = arith.constant 0 : i32
    %dma_wait3A_253 = tpu.memref_slice %arg8[%dma_wait3A_249, %dma_wait3A_251, %dma_wait3A_252] : memref<8x128x32xf32, #tpu.memory_space<vmem>> -> memref<1x128x32xf32, #tpu.memory_space<vmem>>
    %dma_wait3A_254 = tpu.memref_squeeze %dma_wait3A_253 : memref<1x128x32xf32, #tpu.memory_space<vmem>> -> memref<128x32xf32, #tpu.memory_space<vmem>>
    %dma_wait3A_255 = arith.constant 0 : i32
    %dma_wait3A_256 = tpu.memref_slice %arg6[%dma_wait3A_248, %dma_wait3A_255] : memref<80x128xi32, #tpu.memory_space<vmem>> -> memref<1x128xi32, #tpu.memory_space<vmem>>
    %dma_wait3A_257 = tpu.memref_squeeze %dma_wait3A_256 : memref<1x128xi32, #tpu.memory_space<vmem>> -> memref<128xi32, #tpu.memory_space<vmem>>
    %dma_wait3A_258 = arith.constant 0 : i32
    %dma_wait3A_259 = arith.constant 0 : i32
    %dma_wait3A_260 = tpu.memref_slice %arg3[%dma_wait3A_258, %dma_wait3A_259] : memref<10000x32xf32, #tpu.memory_space<hbm>> -> memref<10000x32xf32, #tpu.memory_space<hbm>>
    %dma_wait3A_261 = tpu.memref_slice %arg10[%dma_wait3A_250] : memref<8x!tpu.dma_semaphore, #tpu.memory_space<semaphore_mem>> -> memref<1x!tpu.dma_semaphore, #tpu.memory_space<semaphore_mem>>
    %dma_wait3A_262 = tpu.memref_squeeze %dma_wait3A_261 : memref<1x!tpu.dma_semaphore, #tpu.memory_space<semaphore_mem>> -> memref<!tpu.dma_semaphore, #tpu.memory_space<semaphore_mem>>
    tpu.wait_indirect_dma semaphore(%dma_wait3A_262 : memref<!tpu.dma_semaphore, #tpu.memory_space<semaphore_mem>>) src(%dma_wait3A_260 : memref<10000x32xf32, #tpu.memory_space<hbm>>) dst(%dma_wait3A_254 : memref<128x32xf32, #tpu.memory_space<vmem>>)
    %dma_start3A_263 = arith.constant 4 : i32
    %dma_start3A_264 = arith.constant 76 : i32
    %dma_start3A_265 = arith.constant 4 : i32
    %dma_start3A_266 = arith.constant 0 : i32
    %dma_start3A_267 = arith.constant 0 : i32
    %dma_start3A_268 = tpu.memref_slice %arg8[%dma_start3A_263, %dma_start3A_266, %dma_start3A_267] : memref<8x128x32xf32, #tpu.memory_space<vmem>> -> memref<1x128x32xf32, #tpu.memory_space<vmem>>
    %dma_start3A_269 = tpu.memref_squeeze %dma_start3A_268 : memref<1x128x32xf32, #tpu.memory_space<vmem>> -> memref<128x32xf32, #tpu.memory_space<vmem>>
    %dma_start3A_270 = arith.constant 0 : i32
    %dma_start3A_271 = tpu.memref_slice %arg7[%dma_start3A_264, %dma_start3A_270] : memref<80x128xi32, #tpu.memory_space<vmem>> -> memref<1x128xi32, #tpu.memory_space<vmem>>
    %dma_start3A_272 = tpu.memref_squeeze %dma_start3A_271 : memref<1x128xi32, #tpu.memory_space<vmem>> -> memref<128xi32, #tpu.memory_space<vmem>>
    %dma_start3A_273 = arith.constant 0 : i32
    %dma_start3A_274 = arith.constant 0 : i32
    %dma_start3A_275 = tpu.memref_slice %arg9[%dma_start3A_273, %dma_start3A_274] : memref<10112x32xf32, #tpu.memory_space<vmem_shared>> -> memref<10112x32xf32, #tpu.memory_space<vmem_shared>>
    %dma_start3A_276 = tpu.memref_slice %arg11[%dma_start3A_265] : memref<8x!tpu.dma_semaphore, #tpu.memory_space<semaphore_mem>> -> memref<1x!tpu.dma_semaphore, #tpu.memory_space<semaphore_mem>>
    %dma_start3A_277 = tpu.memref_squeeze %dma_start3A_276 : memref<1x!tpu.dma_semaphore, #tpu.memory_space<semaphore_mem>> -> memref<!tpu.dma_semaphore, #tpu.memory_space<semaphore_mem>>
    tpu.enqueue_indirect_dma source(%dma_start3A_269 : memref<128x32xf32, #tpu.memory_space<vmem>>) target(%dma_start3A_275 : memref<10112x32xf32, #tpu.memory_space<vmem_shared>>) offsets(%dma_start3A_272 : memref<128xi32, #tpu.memory_space<vmem>>) semaphore(%dma_start3A_277 : memref<!tpu.dma_semaphore, #tpu.memory_space<semaphore_mem>>) {add = true}
    %dma_wait3A_278 = arith.constant 77 : i32
    %dma_wait3A_279 = arith.constant 5 : i32
    %dma_wait3A_280 = arith.constant 5 : i32
    %dma_wait3A_281 = arith.constant 0 : i32
    %dma_wait3A_282 = arith.constant 0 : i32
    %dma_wait3A_283 = tpu.memref_slice %arg8[%dma_wait3A_279, %dma_wait3A_281, %dma_wait3A_282] : memref<8x128x32xf32, #tpu.memory_space<vmem>> -> memref<1x128x32xf32, #tpu.memory_space<vmem>>
    %dma_wait3A_284 = tpu.memref_squeeze %dma_wait3A_283 : memref<1x128x32xf32, #tpu.memory_space<vmem>> -> memref<128x32xf32, #tpu.memory_space<vmem>>
    %dma_wait3A_285 = arith.constant 0 : i32
    %dma_wait3A_286 = tpu.memref_slice %arg6[%dma_wait3A_278, %dma_wait3A_285] : memref<80x128xi32, #tpu.memory_space<vmem>> -> memref<1x128xi32, #tpu.memory_space<vmem>>
    %dma_wait3A_287 = tpu.memref_squeeze %dma_wait3A_286 : memref<1x128xi32, #tpu.memory_space<vmem>> -> memref<128xi32, #tpu.memory_space<vmem>>
    %dma_wait3A_288 = arith.constant 0 : i32
    %dma_wait3A_289 = arith.constant 0 : i32
    %dma_wait3A_290 = tpu.memref_slice %arg3[%dma_wait3A_288, %dma_wait3A_289] : memref<10000x32xf32, #tpu.memory_space<hbm>> -> memref<10000x32xf32, #tpu.memory_space<hbm>>
    %dma_wait3A_291 = tpu.memref_slice %arg10[%dma_wait3A_280] : memref<8x!tpu.dma_semaphore, #tpu.memory_space<semaphore_mem>> -> memref<1x!tpu.dma_semaphore, #tpu.memory_space<semaphore_mem>>
    %dma_wait3A_292 = tpu.memref_squeeze %dma_wait3A_291 : memref<1x!tpu.dma_semaphore, #tpu.memory_space<semaphore_mem>> -> memref<!tpu.dma_semaphore, #tpu.memory_space<semaphore_mem>>
    tpu.wait_indirect_dma semaphore(%dma_wait3A_292 : memref<!tpu.dma_semaphore, #tpu.memory_space<semaphore_mem>>) src(%dma_wait3A_290 : memref<10000x32xf32, #tpu.memory_space<hbm>>) dst(%dma_wait3A_284 : memref<128x32xf32, #tpu.memory_space<vmem>>)
    %dma_start3A_293 = arith.constant 5 : i32
    %dma_start3A_294 = arith.constant 77 : i32
    %dma_start3A_295 = arith.constant 5 : i32
    %dma_start3A_296 = arith.constant 0 : i32
    %dma_start3A_297 = arith.constant 0 : i32
    %dma_start3A_298 = tpu.memref_slice %arg8[%dma_start3A_293, %dma_start3A_296, %dma_start3A_297] : memref<8x128x32xf32, #tpu.memory_space<vmem>> -> memref<1x128x32xf32, #tpu.memory_space<vmem>>
    %dma_start3A_299 = tpu.memref_squeeze %dma_start3A_298 : memref<1x128x32xf32, #tpu.memory_space<vmem>> -> memref<128x32xf32, #tpu.memory_space<vmem>>
    %dma_start3A_300 = arith.constant 0 : i32
    %dma_start3A_301 = tpu.memref_slice %arg7[%dma_start3A_294, %dma_start3A_300] : memref<80x128xi32, #tpu.memory_space<vmem>> -> memref<1x128xi32, #tpu.memory_space<vmem>>
    %dma_start3A_302 = tpu.memref_squeeze %dma_start3A_301 : memref<1x128xi32, #tpu.memory_space<vmem>> -> memref<128xi32, #tpu.memory_space<vmem>>
    %dma_start3A_303 = arith.constant 0 : i32
    %dma_start3A_304 = arith.constant 0 : i32
    %dma_start3A_305 = tpu.memref_slice %arg9[%dma_start3A_303, %dma_start3A_304] : memref<10112x32xf32, #tpu.memory_space<vmem_shared>> -> memref<10112x32xf32, #tpu.memory_space<vmem_shared>>
    %dma_start3A_306 = tpu.memref_slice %arg11[%dma_start3A_295] : memref<8x!tpu.dma_semaphore, #tpu.memory_space<semaphore_mem>> -> memref<1x!tpu.dma_semaphore, #tpu.memory_space<semaphore_mem>>
    %dma_start3A_307 = tpu.memref_squeeze %dma_start3A_306 : memref<1x!tpu.dma_semaphore, #tpu.memory_space<semaphore_mem>> -> memref<!tpu.dma_semaphore, #tpu.memory_space<semaphore_mem>>
    tpu.enqueue_indirect_dma source(%dma_start3A_299 : memref<128x32xf32, #tpu.memory_space<vmem>>) target(%dma_start3A_305 : memref<10112x32xf32, #tpu.memory_space<vmem_shared>>) offsets(%dma_start3A_302 : memref<128xi32, #tpu.memory_space<vmem>>) semaphore(%dma_start3A_307 : memref<!tpu.dma_semaphore, #tpu.memory_space<semaphore_mem>>) {add = true}
    %dma_wait3A_308 = arith.constant 78 : i32
    %dma_wait3A_309 = arith.constant 6 : i32
    %dma_wait3A_310 = arith.constant 6 : i32
    %dma_wait3A_311 = arith.constant 0 : i32
    %dma_wait3A_312 = arith.constant 0 : i32
    %dma_wait3A_313 = tpu.memref_slice %arg8[%dma_wait3A_309, %dma_wait3A_311, %dma_wait3A_312] : memref<8x128x32xf32, #tpu.memory_space<vmem>> -> memref<1x128x32xf32, #tpu.memory_space<vmem>>
    %dma_wait3A_314 = tpu.memref_squeeze %dma_wait3A_313 : memref<1x128x32xf32, #tpu.memory_space<vmem>> -> memref<128x32xf32, #tpu.memory_space<vmem>>
    %dma_wait3A_315 = arith.constant 0 : i32
    %dma_wait3A_316 = tpu.memref_slice %arg6[%dma_wait3A_308, %dma_wait3A_315] : memref<80x128xi32, #tpu.memory_space<vmem>> -> memref<1x128xi32, #tpu.memory_space<vmem>>
    %dma_wait3A_317 = tpu.memref_squeeze %dma_wait3A_316 : memref<1x128xi32, #tpu.memory_space<vmem>> -> memref<128xi32, #tpu.memory_space<vmem>>
    %dma_wait3A_318 = arith.constant 0 : i32
    %dma_wait3A_319 = arith.constant 0 : i32
    %dma_wait3A_320 = tpu.memref_slice %arg3[%dma_wait3A_318, %dma_wait3A_319] : memref<10000x32xf32, #tpu.memory_space<hbm>> -> memref<10000x32xf32, #tpu.memory_space<hbm>>
    %dma_wait3A_321 = tpu.memref_slice %arg10[%dma_wait3A_310] : memref<8x!tpu.dma_semaphore, #tpu.memory_space<semaphore_mem>> -> memref<1x!tpu.dma_semaphore, #tpu.memory_space<semaphore_mem>>
    %dma_wait3A_322 = tpu.memref_squeeze %dma_wait3A_321 : memref<1x!tpu.dma_semaphore, #tpu.memory_space<semaphore_mem>> -> memref<!tpu.dma_semaphore, #tpu.memory_space<semaphore_mem>>
    tpu.wait_indirect_dma semaphore(%dma_wait3A_322 : memref<!tpu.dma_semaphore, #tpu.memory_space<semaphore_mem>>) src(%dma_wait3A_320 : memref<10000x32xf32, #tpu.memory_space<hbm>>) dst(%dma_wait3A_314 : memref<128x32xf32, #tpu.memory_space<vmem>>)
    %dma_start3A_323 = arith.constant 6 : i32
    %dma_start3A_324 = arith.constant 78 : i32
    %dma_start3A_325 = arith.constant 6 : i32
    %dma_start3A_326 = arith.constant 0 : i32
    %dma_start3A_327 = arith.constant 0 : i32
    %dma_start3A_328 = tpu.memref_slice %arg8[%dma_start3A_323, %dma_start3A_326, %dma_start3A_327] : memref<8x128x32xf32, #tpu.memory_space<vmem>> -> memref<1x128x32xf32, #tpu.memory_space<vmem>>
    %dma_start3A_329 = tpu.memref_squeeze %dma_start3A_328 : memref<1x128x32xf32, #tpu.memory_space<vmem>> -> memref<128x32xf32, #tpu.memory_space<vmem>>
    %dma_start3A_330 = arith.constant 0 : i32
    %dma_start3A_331 = tpu.memref_slice %arg7[%dma_start3A_324, %dma_start3A_330] : memref<80x128xi32, #tpu.memory_space<vmem>> -> memref<1x128xi32, #tpu.memory_space<vmem>>
    %dma_start3A_332 = tpu.memref_squeeze %dma_start3A_331 : memref<1x128xi32, #tpu.memory_space<vmem>> -> memref<128xi32, #tpu.memory_space<vmem>>
    %dma_start3A_333 = arith.constant 0 : i32
    %dma_start3A_334 = arith.constant 0 : i32
    %dma_start3A_335 = tpu.memref_slice %arg9[%dma_start3A_333, %dma_start3A_334] : memref<10112x32xf32, #tpu.memory_space<vmem_shared>> -> memref<10112x32xf32, #tpu.memory_space<vmem_shared>>
    %dma_start3A_336 = tpu.memref_slice %arg11[%dma_start3A_325] : memref<8x!tpu.dma_semaphore, #tpu.memory_space<semaphore_mem>> -> memref<1x!tpu.dma_semaphore, #tpu.memory_space<semaphore_mem>>
    %dma_start3A_337 = tpu.memref_squeeze %dma_start3A_336 : memref<1x!tpu.dma_semaphore, #tpu.memory_space<semaphore_mem>> -> memref<!tpu.dma_semaphore, #tpu.memory_space<semaphore_mem>>
    tpu.enqueue_indirect_dma source(%dma_start3A_329 : memref<128x32xf32, #tpu.memory_space<vmem>>) target(%dma_start3A_335 : memref<10112x32xf32, #tpu.memory_space<vmem_shared>>) offsets(%dma_start3A_332 : memref<128xi32, #tpu.memory_space<vmem>>) semaphore(%dma_start3A_337 : memref<!tpu.dma_semaphore, #tpu.memory_space<semaphore_mem>>) {add = true}
    %dma_wait3A_338 = arith.constant 79 : i32
    %dma_wait3A_339 = arith.constant 7 : i32
    %dma_wait3A_340 = arith.constant 7 : i32
    %dma_wait3A_341 = arith.constant 0 : i32
    %dma_wait3A_342 = arith.constant 0 : i32
    %dma_wait3A_343 = tpu.memref_slice %arg8[%dma_wait3A_339, %dma_wait3A_341, %dma_wait3A_342] : memref<8x128x32xf32, #tpu.memory_space<vmem>> -> memref<1x128x32xf32, #tpu.memory_space<vmem>>
    %dma_wait3A_344 = tpu.memref_squeeze %dma_wait3A_343 : memref<1x128x32xf32, #tpu.memory_space<vmem>> -> memref<128x32xf32, #tpu.memory_space<vmem>>
    %dma_wait3A_345 = arith.constant 0 : i32
    %dma_wait3A_346 = tpu.memref_slice %arg6[%dma_wait3A_338, %dma_wait3A_345] : memref<80x128xi32, #tpu.memory_space<vmem>> -> memref<1x128xi32, #tpu.memory_space<vmem>>
    %dma_wait3A_347 = tpu.memref_squeeze %dma_wait3A_346 : memref<1x128xi32, #tpu.memory_space<vmem>> -> memref<128xi32, #tpu.memory_space<vmem>>
    %dma_wait3A_348 = arith.constant 0 : i32
    %dma_wait3A_349 = arith.constant 0 : i32
    %dma_wait3A_350 = tpu.memref_slice %arg3[%dma_wait3A_348, %dma_wait3A_349] : memref<10000x32xf32, #tpu.memory_space<hbm>> -> memref<10000x32xf32, #tpu.memory_space<hbm>>
    %dma_wait3A_351 = tpu.memref_slice %arg10[%dma_wait3A_340] : memref<8x!tpu.dma_semaphore, #tpu.memory_space<semaphore_mem>> -> memref<1x!tpu.dma_semaphore, #tpu.memory_space<semaphore_mem>>
    %dma_wait3A_352 = tpu.memref_squeeze %dma_wait3A_351 : memref<1x!tpu.dma_semaphore, #tpu.memory_space<semaphore_mem>> -> memref<!tpu.dma_semaphore, #tpu.memory_space<semaphore_mem>>
    tpu.wait_indirect_dma semaphore(%dma_wait3A_352 : memref<!tpu.dma_semaphore, #tpu.memory_space<semaphore_mem>>) src(%dma_wait3A_350 : memref<10000x32xf32, #tpu.memory_space<hbm>>) dst(%dma_wait3A_344 : memref<128x32xf32, #tpu.memory_space<vmem>>)
    %dma_start3A_353 = arith.constant 7 : i32
    %dma_start3A_354 = arith.constant 79 : i32
    %dma_start3A_355 = arith.constant 7 : i32
    %dma_start3A_356 = arith.constant 0 : i32
    %dma_start3A_357 = arith.constant 0 : i32
    %dma_start3A_358 = tpu.memref_slice %arg8[%dma_start3A_353, %dma_start3A_356, %dma_start3A_357] : memref<8x128x32xf32, #tpu.memory_space<vmem>> -> memref<1x128x32xf32, #tpu.memory_space<vmem>>
    %dma_start3A_359 = tpu.memref_squeeze %dma_start3A_358 : memref<1x128x32xf32, #tpu.memory_space<vmem>> -> memref<128x32xf32, #tpu.memory_space<vmem>>
    %dma_start3A_360 = arith.constant 0 : i32
    %dma_start3A_361 = tpu.memref_slice %arg7[%dma_start3A_354, %dma_start3A_360] : memref<80x128xi32, #tpu.memory_space<vmem>> -> memref<1x128xi32, #tpu.memory_space<vmem>>
    %dma_start3A_362 = tpu.memref_squeeze %dma_start3A_361 : memref<1x128xi32, #tpu.memory_space<vmem>> -> memref<128xi32, #tpu.memory_space<vmem>>
    %dma_start3A_363 = arith.constant 0 : i32
    %dma_start3A_364 = arith.constant 0 : i32
    %dma_start3A_365 = tpu.memref_slice %arg9[%dma_start3A_363, %dma_start3A_364] : memref<10112x32xf32, #tpu.memory_space<vmem_shared>> -> memref<10112x32xf32, #tpu.memory_space<vmem_shared>>
    %dma_start3A_366 = tpu.memref_slice %arg11[%dma_start3A_355] : memref<8x!tpu.dma_semaphore, #tpu.memory_space<semaphore_mem>> -> memref<1x!tpu.dma_semaphore, #tpu.memory_space<semaphore_mem>>
    %dma_start3A_367 = tpu.memref_squeeze %dma_start3A_366 : memref<1x!tpu.dma_semaphore, #tpu.memory_space<semaphore_mem>> -> memref<!tpu.dma_semaphore, #tpu.memory_space<semaphore_mem>>
    tpu.enqueue_indirect_dma source(%dma_start3A_359 : memref<128x32xf32, #tpu.memory_space<vmem>>) target(%dma_start3A_365 : memref<10112x32xf32, #tpu.memory_space<vmem_shared>>) offsets(%dma_start3A_362 : memref<128xi32, #tpu.memory_space<vmem>>) semaphore(%dma_start3A_367 : memref<!tpu.dma_semaphore, #tpu.memory_space<semaphore_mem>>) {add = true}
    %dma_wait3A_368 = arith.constant 0 : i32
    %dma_wait3A_369 = arith.constant 72 : i32
    %dma_wait3A_370 = arith.constant 0 : i32
    %dma_wait3A_371 = arith.constant 0 : i32
    %dma_wait3A_372 = arith.constant 0 : i32
    %dma_wait3A_373 = tpu.memref_slice %arg8[%dma_wait3A_368, %dma_wait3A_371, %dma_wait3A_372] : memref<8x128x32xf32, #tpu.memory_space<vmem>> -> memref<1x128x32xf32, #tpu.memory_space<vmem>>
    %dma_wait3A_374 = tpu.memref_squeeze %dma_wait3A_373 : memref<1x128x32xf32, #tpu.memory_space<vmem>> -> memref<128x32xf32, #tpu.memory_space<vmem>>
    %dma_wait3A_375 = arith.constant 0 : i32
    %dma_wait3A_376 = tpu.memref_slice %arg7[%dma_wait3A_369, %dma_wait3A_375] : memref<80x128xi32, #tpu.memory_space<vmem>> -> memref<1x128xi32, #tpu.memory_space<vmem>>
    %dma_wait3A_377 = tpu.memref_squeeze %dma_wait3A_376 : memref<1x128xi32, #tpu.memory_space<vmem>> -> memref<128xi32, #tpu.memory_space<vmem>>
    %dma_wait3A_378 = arith.constant 0 : i32
    %dma_wait3A_379 = arith.constant 0 : i32
    %dma_wait3A_380 = tpu.memref_slice %arg9[%dma_wait3A_378, %dma_wait3A_379] : memref<10112x32xf32, #tpu.memory_space<vmem_shared>> -> memref<10112x32xf32, #tpu.memory_space<vmem_shared>>
    %dma_wait3A_381 = tpu.memref_slice %arg11[%dma_wait3A_370] : memref<8x!tpu.dma_semaphore, #tpu.memory_space<semaphore_mem>> -> memref<1x!tpu.dma_semaphore, #tpu.memory_space<semaphore_mem>>
    %dma_wait3A_382 = tpu.memref_squeeze %dma_wait3A_381 : memref<1x!tpu.dma_semaphore, #tpu.memory_space<semaphore_mem>> -> memref<!tpu.dma_semaphore, #tpu.memory_space<semaphore_mem>>
    tpu.wait_indirect_dma semaphore(%dma_wait3A_382 : memref<!tpu.dma_semaphore, #tpu.memory_space<semaphore_mem>>) src(%dma_wait3A_374 : memref<128x32xf32, #tpu.memory_space<vmem>>) dst(%dma_wait3A_380 : memref<10112x32xf32, #tpu.memory_space<vmem_shared>>)
    %dma_wait3A_383 = arith.constant 1 : i32
    %dma_wait3A_384 = arith.constant 73 : i32
    %dma_wait3A_385 = arith.constant 1 : i32
    %dma_wait3A_386 = arith.constant 0 : i32
    %dma_wait3A_387 = arith.constant 0 : i32
    %dma_wait3A_388 = tpu.memref_slice %arg8[%dma_wait3A_383, %dma_wait3A_386, %dma_wait3A_387] : memref<8x128x32xf32, #tpu.memory_space<vmem>> -> memref<1x128x32xf32, #tpu.memory_space<vmem>>
    %dma_wait3A_389 = tpu.memref_squeeze %dma_wait3A_388 : memref<1x128x32xf32, #tpu.memory_space<vmem>> -> memref<128x32xf32, #tpu.memory_space<vmem>>
    %dma_wait3A_390 = arith.constant 0 : i32
    %dma_wait3A_391 = tpu.memref_slice %arg7[%dma_wait3A_384, %dma_wait3A_390] : memref<80x128xi32, #tpu.memory_space<vmem>> -> memref<1x128xi32, #tpu.memory_space<vmem>>
    %dma_wait3A_392 = tpu.memref_squeeze %dma_wait3A_391 : memref<1x128xi32, #tpu.memory_space<vmem>> -> memref<128xi32, #tpu.memory_space<vmem>>
    %dma_wait3A_393 = arith.constant 0 : i32
    %dma_wait3A_394 = arith.constant 0 : i32
    %dma_wait3A_395 = tpu.memref_slice %arg9[%dma_wait3A_393, %dma_wait3A_394] : memref<10112x32xf32, #tpu.memory_space<vmem_shared>> -> memref<10112x32xf32, #tpu.memory_space<vmem_shared>>
    %dma_wait3A_396 = tpu.memref_slice %arg11[%dma_wait3A_385] : memref<8x!tpu.dma_semaphore, #tpu.memory_space<semaphore_mem>> -> memref<1x!tpu.dma_semaphore, #tpu.memory_space<semaphore_mem>>
    %dma_wait3A_397 = tpu.memref_squeeze %dma_wait3A_396 : memref<1x!tpu.dma_semaphore, #tpu.memory_space<semaphore_mem>> -> memref<!tpu.dma_semaphore, #tpu.memory_space<semaphore_mem>>
    tpu.wait_indirect_dma semaphore(%dma_wait3A_397 : memref<!tpu.dma_semaphore, #tpu.memory_space<semaphore_mem>>) src(%dma_wait3A_389 : memref<128x32xf32, #tpu.memory_space<vmem>>) dst(%dma_wait3A_395 : memref<10112x32xf32, #tpu.memory_space<vmem_shared>>)
    %dma_wait3A_398 = arith.constant 2 : i32
    %dma_wait3A_399 = arith.constant 74 : i32
    %dma_wait3A_400 = arith.constant 2 : i32
    %dma_wait3A_401 = arith.constant 0 : i32
    %dma_wait3A_402 = arith.constant 0 : i32
    %dma_wait3A_403 = tpu.memref_slice %arg8[%dma_wait3A_398, %dma_wait3A_401, %dma_wait3A_402] : memref<8x128x32xf32, #tpu.memory_space<vmem>> -> memref<1x128x32xf32, #tpu.memory_space<vmem>>
    %dma_wait3A_404 = tpu.memref_squeeze %dma_wait3A_403 : memref<1x128x32xf32, #tpu.memory_space<vmem>> -> memref<128x32xf32, #tpu.memory_space<vmem>>
    %dma_wait3A_405 = arith.constant 0 : i32
    %dma_wait3A_406 = tpu.memref_slice %arg7[%dma_wait3A_399, %dma_wait3A_405] : memref<80x128xi32, #tpu.memory_space<vmem>> -> memref<1x128xi32, #tpu.memory_space<vmem>>
    %dma_wait3A_407 = tpu.memref_squeeze %dma_wait3A_406 : memref<1x128xi32, #tpu.memory_space<vmem>> -> memref<128xi32, #tpu.memory_space<vmem>>
    %dma_wait3A_408 = arith.constant 0 : i32
    %dma_wait3A_409 = arith.constant 0 : i32
    %dma_wait3A_410 = tpu.memref_slice %arg9[%dma_wait3A_408, %dma_wait3A_409] : memref<10112x32xf32, #tpu.memory_space<vmem_shared>> -> memref<10112x32xf32, #tpu.memory_space<vmem_shared>>
    %dma_wait3A_411 = tpu.memref_slice %arg11[%dma_wait3A_400] : memref<8x!tpu.dma_semaphore, #tpu.memory_space<semaphore_mem>> -> memref<1x!tpu.dma_semaphore, #tpu.memory_space<semaphore_mem>>
    %dma_wait3A_412 = tpu.memref_squeeze %dma_wait3A_411 : memref<1x!tpu.dma_semaphore, #tpu.memory_space<semaphore_mem>> -> memref<!tpu.dma_semaphore, #tpu.memory_space<semaphore_mem>>
    tpu.wait_indirect_dma semaphore(%dma_wait3A_412 : memref<!tpu.dma_semaphore, #tpu.memory_space<semaphore_mem>>) src(%dma_wait3A_404 : memref<128x32xf32, #tpu.memory_space<vmem>>) dst(%dma_wait3A_410 : memref<10112x32xf32, #tpu.memory_space<vmem_shared>>)
    %dma_wait3A_413 = arith.constant 3 : i32
    %dma_wait3A_414 = arith.constant 75 : i32
    %dma_wait3A_415 = arith.constant 3 : i32
    %dma_wait3A_416 = arith.constant 0 : i32
    %dma_wait3A_417 = arith.constant 0 : i32
    %dma_wait3A_418 = tpu.memref_slice %arg8[%dma_wait3A_413, %dma_wait3A_416, %dma_wait3A_417] : memref<8x128x32xf32, #tpu.memory_space<vmem>> -> memref<1x128x32xf32, #tpu.memory_space<vmem>>
    %dma_wait3A_419 = tpu.memref_squeeze %dma_wait3A_418 : memref<1x128x32xf32, #tpu.memory_space<vmem>> -> memref<128x32xf32, #tpu.memory_space<vmem>>
    %dma_wait3A_420 = arith.constant 0 : i32
    %dma_wait3A_421 = tpu.memref_slice %arg7[%dma_wait3A_414, %dma_wait3A_420] : memref<80x128xi32, #tpu.memory_space<vmem>> -> memref<1x128xi32, #tpu.memory_space<vmem>>
    %dma_wait3A_422 = tpu.memref_squeeze %dma_wait3A_421 : memref<1x128xi32, #tpu.memory_space<vmem>> -> memref<128xi32, #tpu.memory_space<vmem>>
    %dma_wait3A_423 = arith.constant 0 : i32
    %dma_wait3A_424 = arith.constant 0 : i32
    %dma_wait3A_425 = tpu.memref_slice %arg9[%dma_wait3A_423, %dma_wait3A_424] : memref<10112x32xf32, #tpu.memory_space<vmem_shared>> -> memref<10112x32xf32, #tpu.memory_space<vmem_shared>>
    %dma_wait3A_426 = tpu.memref_slice %arg11[%dma_wait3A_415] : memref<8x!tpu.dma_semaphore, #tpu.memory_space<semaphore_mem>> -> memref<1x!tpu.dma_semaphore, #tpu.memory_space<semaphore_mem>>
    %dma_wait3A_427 = tpu.memref_squeeze %dma_wait3A_426 : memref<1x!tpu.dma_semaphore, #tpu.memory_space<semaphore_mem>> -> memref<!tpu.dma_semaphore, #tpu.memory_space<semaphore_mem>>
    tpu.wait_indirect_dma semaphore(%dma_wait3A_427 : memref<!tpu.dma_semaphore, #tpu.memory_space<semaphore_mem>>) src(%dma_wait3A_419 : memref<128x32xf32, #tpu.memory_space<vmem>>) dst(%dma_wait3A_425 : memref<10112x32xf32, #tpu.memory_space<vmem_shared>>)
    %dma_wait3A_428 = arith.constant 4 : i32
    %dma_wait3A_429 = arith.constant 76 : i32
    %dma_wait3A_430 = arith.constant 4 : i32
    %dma_wait3A_431 = arith.constant 0 : i32
    %dma_wait3A_432 = arith.constant 0 : i32
    %dma_wait3A_433 = tpu.memref_slice %arg8[%dma_wait3A_428, %dma_wait3A_431, %dma_wait3A_432] : memref<8x128x32xf32, #tpu.memory_space<vmem>> -> memref<1x128x32xf32, #tpu.memory_space<vmem>>
    %dma_wait3A_434 = tpu.memref_squeeze %dma_wait3A_433 : memref<1x128x32xf32, #tpu.memory_space<vmem>> -> memref<128x32xf32, #tpu.memory_space<vmem>>
    %dma_wait3A_435 = arith.constant 0 : i32
    %dma_wait3A_436 = tpu.memref_slice %arg7[%dma_wait3A_429, %dma_wait3A_435] : memref<80x128xi32, #tpu.memory_space<vmem>> -> memref<1x128xi32, #tpu.memory_space<vmem>>
    %dma_wait3A_437 = tpu.memref_squeeze %dma_wait3A_436 : memref<1x128xi32, #tpu.memory_space<vmem>> -> memref<128xi32, #tpu.memory_space<vmem>>
    %dma_wait3A_438 = arith.constant 0 : i32
    %dma_wait3A_439 = arith.constant 0 : i32
    %dma_wait3A_440 = tpu.memref_slice %arg9[%dma_wait3A_438, %dma_wait3A_439] : memref<10112x32xf32, #tpu.memory_space<vmem_shared>> -> memref<10112x32xf32, #tpu.memory_space<vmem_shared>>
    %dma_wait3A_441 = tpu.memref_slice %arg11[%dma_wait3A_430] : memref<8x!tpu.dma_semaphore, #tpu.memory_space<semaphore_mem>> -> memref<1x!tpu.dma_semaphore, #tpu.memory_space<semaphore_mem>>
    %dma_wait3A_442 = tpu.memref_squeeze %dma_wait3A_441 : memref<1x!tpu.dma_semaphore, #tpu.memory_space<semaphore_mem>> -> memref<!tpu.dma_semaphore, #tpu.memory_space<semaphore_mem>>
    tpu.wait_indirect_dma semaphore(%dma_wait3A_442 : memref<!tpu.dma_semaphore, #tpu.memory_space<semaphore_mem>>) src(%dma_wait3A_434 : memref<128x32xf32, #tpu.memory_space<vmem>>) dst(%dma_wait3A_440 : memref<10112x32xf32, #tpu.memory_space<vmem_shared>>)
    %dma_wait3A_443 = arith.constant 5 : i32
    %dma_wait3A_444 = arith.constant 77 : i32
    %dma_wait3A_445 = arith.constant 5 : i32
    %dma_wait3A_446 = arith.constant 0 : i32
    %dma_wait3A_447 = arith.constant 0 : i32
    %dma_wait3A_448 = tpu.memref_slice %arg8[%dma_wait3A_443, %dma_wait3A_446, %dma_wait3A_447] : memref<8x128x32xf32, #tpu.memory_space<vmem>> -> memref<1x128x32xf32, #tpu.memory_space<vmem>>
    %dma_wait3A_449 = tpu.memref_squeeze %dma_wait3A_448 : memref<1x128x32xf32, #tpu.memory_space<vmem>> -> memref<128x32xf32, #tpu.memory_space<vmem>>
    %dma_wait3A_450 = arith.constant 0 : i32
    %dma_wait3A_451 = tpu.memref_slice %arg7[%dma_wait3A_444, %dma_wait3A_450] : memref<80x128xi32, #tpu.memory_space<vmem>> -> memref<1x128xi32, #tpu.memory_space<vmem>>
    %dma_wait3A_452 = tpu.memref_squeeze %dma_wait3A_451 : memref<1x128xi32, #tpu.memory_space<vmem>> -> memref<128xi32, #tpu.memory_space<vmem>>
    %dma_wait3A_453 = arith.constant 0 : i32
    %dma_wait3A_454 = arith.constant 0 : i32
    %dma_wait3A_455 = tpu.memref_slice %arg9[%dma_wait3A_453, %dma_wait3A_454] : memref<10112x32xf32, #tpu.memory_space<vmem_shared>> -> memref<10112x32xf32, #tpu.memory_space<vmem_shared>>
    %dma_wait3A_456 = tpu.memref_slice %arg11[%dma_wait3A_445] : memref<8x!tpu.dma_semaphore, #tpu.memory_space<semaphore_mem>> -> memref<1x!tpu.dma_semaphore, #tpu.memory_space<semaphore_mem>>
    %dma_wait3A_457 = tpu.memref_squeeze %dma_wait3A_456 : memref<1x!tpu.dma_semaphore, #tpu.memory_space<semaphore_mem>> -> memref<!tpu.dma_semaphore, #tpu.memory_space<semaphore_mem>>
    tpu.wait_indirect_dma semaphore(%dma_wait3A_457 : memref<!tpu.dma_semaphore, #tpu.memory_space<semaphore_mem>>) src(%dma_wait3A_449 : memref<128x32xf32, #tpu.memory_space<vmem>>) dst(%dma_wait3A_455 : memref<10112x32xf32, #tpu.memory_space<vmem_shared>>)
    %dma_wait3A_458 = arith.constant 6 : i32
    %dma_wait3A_459 = arith.constant 78 : i32
    %dma_wait3A_460 = arith.constant 6 : i32
    %dma_wait3A_461 = arith.constant 0 : i32
    %dma_wait3A_462 = arith.constant 0 : i32
    %dma_wait3A_463 = tpu.memref_slice %arg8[%dma_wait3A_458, %dma_wait3A_461, %dma_wait3A_462] : memref<8x128x32xf32, #tpu.memory_space<vmem>> -> memref<1x128x32xf32, #tpu.memory_space<vmem>>
    %dma_wait3A_464 = tpu.memref_squeeze %dma_wait3A_463 : memref<1x128x32xf32, #tpu.memory_space<vmem>> -> memref<128x32xf32, #tpu.memory_space<vmem>>
    %dma_wait3A_465 = arith.constant 0 : i32
    %dma_wait3A_466 = tpu.memref_slice %arg7[%dma_wait3A_459, %dma_wait3A_465] : memref<80x128xi32, #tpu.memory_space<vmem>> -> memref<1x128xi32, #tpu.memory_space<vmem>>
    %dma_wait3A_467 = tpu.memref_squeeze %dma_wait3A_466 : memref<1x128xi32, #tpu.memory_space<vmem>> -> memref<128xi32, #tpu.memory_space<vmem>>
    %dma_wait3A_468 = arith.constant 0 : i32
    %dma_wait3A_469 = arith.constant 0 : i32
    %dma_wait3A_470 = tpu.memref_slice %arg9[%dma_wait3A_468, %dma_wait3A_469] : memref<10112x32xf32, #tpu.memory_space<vmem_shared>> -> memref<10112x32xf32, #tpu.memory_space<vmem_shared>>
    %dma_wait3A_471 = tpu.memref_slice %arg11[%dma_wait3A_460] : memref<8x!tpu.dma_semaphore, #tpu.memory_space<semaphore_mem>> -> memref<1x!tpu.dma_semaphore, #tpu.memory_space<semaphore_mem>>
    %dma_wait3A_472 = tpu.memref_squeeze %dma_wait3A_471 : memref<1x!tpu.dma_semaphore, #tpu.memory_space<semaphore_mem>> -> memref<!tpu.dma_semaphore, #tpu.memory_space<semaphore_mem>>
    tpu.wait_indirect_dma semaphore(%dma_wait3A_472 : memref<!tpu.dma_semaphore, #tpu.memory_space<semaphore_mem>>) src(%dma_wait3A_464 : memref<128x32xf32, #tpu.memory_space<vmem>>) dst(%dma_wait3A_470 : memref<10112x32xf32, #tpu.memory_space<vmem_shared>>)
    %dma_wait3A_473 = arith.constant 7 : i32
    %dma_wait3A_474 = arith.constant 79 : i32
    %dma_wait3A_475 = arith.constant 7 : i32
    %dma_wait3A_476 = arith.constant 0 : i32
    %dma_wait3A_477 = arith.constant 0 : i32
    %dma_wait3A_478 = tpu.memref_slice %arg8[%dma_wait3A_473, %dma_wait3A_476, %dma_wait3A_477] : memref<8x128x32xf32, #tpu.memory_space<vmem>> -> memref<1x128x32xf32, #tpu.memory_space<vmem>>
    %dma_wait3A_479 = tpu.memref_squeeze %dma_wait3A_478 : memref<1x128x32xf32, #tpu.memory_space<vmem>> -> memref<128x32xf32, #tpu.memory_space<vmem>>
    %dma_wait3A_480 = arith.constant 0 : i32
    %dma_wait3A_481 = tpu.memref_slice %arg7[%dma_wait3A_474, %dma_wait3A_480] : memref<80x128xi32, #tpu.memory_space<vmem>> -> memref<1x128xi32, #tpu.memory_space<vmem>>
    %dma_wait3A_482 = tpu.memref_squeeze %dma_wait3A_481 : memref<1x128xi32, #tpu.memory_space<vmem>> -> memref<128xi32, #tpu.memory_space<vmem>>
    %dma_wait3A_483 = arith.constant 0 : i32
    %dma_wait3A_484 = arith.constant 0 : i32
    %dma_wait3A_485 = tpu.memref_slice %arg9[%dma_wait3A_483, %dma_wait3A_484] : memref<10112x32xf32, #tpu.memory_space<vmem_shared>> -> memref<10112x32xf32, #tpu.memory_space<vmem_shared>>
    %dma_wait3A_486 = tpu.memref_slice %arg11[%dma_wait3A_475] : memref<8x!tpu.dma_semaphore, #tpu.memory_space<semaphore_mem>> -> memref<1x!tpu.dma_semaphore, #tpu.memory_space<semaphore_mem>>
    %dma_wait3A_487 = tpu.memref_squeeze %dma_wait3A_486 : memref<1x!tpu.dma_semaphore, #tpu.memory_space<semaphore_mem>> -> memref<!tpu.dma_semaphore, #tpu.memory_space<semaphore_mem>>
    tpu.wait_indirect_dma semaphore(%dma_wait3A_487 : memref<!tpu.dma_semaphore, #tpu.memory_space<semaphore_mem>>) src(%dma_wait3A_479 : memref<128x32xf32, #tpu.memory_space<vmem>>) dst(%dma_wait3A_485 : memref<10112x32xf32, #tpu.memory_space<vmem_shared>>)
    %barrier3A_488 = arith.constant 0 : index
    tpu.barrier barrier_id(%barrier3A_488)
    %mul3A_489 = arith.constant 632 : i32
    %mul3A_490 = arith.muli %arg1, %mul3A_489 : i32
    %mul3A_491 = arith.constant 632 : i32
    %mul3A_492 = arith.muli %arg1, %mul3A_491 : i32
    "tpu.region"() ({
      %run_scoped3A_493 = tpu.sem_alloc : memref<!tpu.dma_semaphore, #tpu.memory_space<semaphore_mem>>
      %dma_start3A_494 = arith.constant 0 : i32
      %dma_start3A_495 = tpu.memref_slice %arg5[%arg0, %mul3A_492, %dma_start3A_494] : memref<2x10112x32xf32, #tpu.memory_space<hbm>> -> memref<1x632x32xf32, #tpu.memory_space<hbm>>
      %dma_start3A_496 = tpu.memref_squeeze %dma_start3A_495 : memref<1x632x32xf32, #tpu.memory_space<hbm>> -> memref<632x32xf32, #tpu.memory_space<hbm>>
      %dma_start3A_497 = arith.constant 0 : i32
      %dma_start3A_498 = tpu.memref_slice %arg9[%mul3A_490, %dma_start3A_497] : memref<10112x32xf32, #tpu.memory_space<vmem_shared>> -> memref<632x32xf32, #tpu.memory_space<vmem_shared>>
      tpu.enqueue_dma source(%dma_start3A_498 : memref<632x32xf32, #tpu.memory_space<vmem_shared>>) target(%dma_start3A_496 : memref<632x32xf32, #tpu.memory_space<hbm>>) target_semaphore(%run_scoped3A_493 : memref<!tpu.dma_semaphore, #tpu.memory_space<semaphore_mem>>)
      %dma_wait3A_499 = arith.constant 0 : i32
      %dma_wait3A_500 = tpu.memref_slice %arg5[%arg0, %mul3A_492, %dma_wait3A_499] : memref<2x10112x32xf32, #tpu.memory_space<hbm>> -> memref<1x632x32xf32, #tpu.memory_space<hbm>>
      %dma_wait3A_501 = tpu.memref_squeeze %dma_wait3A_500 : memref<1x632x32xf32, #tpu.memory_space<hbm>> -> memref<632x32xf32, #tpu.memory_space<hbm>>
      %dma_wait3A_502 = arith.constant 0 : i32
      %dma_wait3A_503 = tpu.memref_slice %arg9[%mul3A_490, %dma_wait3A_502] : memref<10112x32xf32, #tpu.memory_space<vmem_shared>> -> memref<632x32xf32, #tpu.memory_space<vmem_shared>>
      tpu.wait_dma2 semaphore(%run_scoped3A_493 : memref<!tpu.dma_semaphore, #tpu.memory_space<semaphore_mem>>) src(%dma_wait3A_503 : memref<632x32xf32, #tpu.memory_space<vmem_shared>>) dst(%dma_wait3A_501 : memref<632x32xf32, #tpu.memory_space<hbm>>)
      tpu.yield
    }) : () -> ()
    return
  }
}

module attributes {stable_mosaic.version = 14 : i64} {
  func.func @_mm_body(%arg0: memref<10000x128xf32, #tpu.memory_space<vmem>>, %arg1: memref<128x32xf32, #tpu.memory_space<vmem>>, %arg2: memref<10000x32xf32, #tpu.memory_space<vmem>>) attributes {dimension_semantics = [], scalar_prefetch = 0 : i64, scratch_operands = 0 : i64, tpu.core_type = #tpu.core_type<tc>} {
    %get3A = arith.constant 0 : index
    %get3A_0 = arith.constant 0 : index
    %get3A_1 = vector.load %arg0[%get3A, %get3A_0] : memref<10000x128xf32, #tpu.memory_space<vmem>>, vector<10000x128xf32>
    %get3A_2 = arith.constant 0 : index
    %get3A_3 = arith.constant 0 : index
    %get3A_4 = vector.load %arg1[%get3A_2, %get3A_3] : memref<128x32xf32, #tpu.memory_space<vmem>>, vector<128x32xf32>
    %dot_general3A = arith.constant dense<0.000000e+00> : vector<10000x32xf32>
    %dot_general3A_5 = tpu.matmul %get3A_1, %get3A_4, %dot_general3A {dimension_numbers = #tpu.dot_dimension_numbers<[1], [0], [0], [1], [0, 0, 1, 1], [], []>, transpose_lhs_hint = false} : vector<10000x128xf32>, vector<128x32xf32>, vector<10000x32xf32> -> vector<10000x32xf32>
    %swap3A = arith.constant 0 : index
    %swap3A_6 = arith.constant 0 : index
    %swap3A_7 = vector.load %arg2[%swap3A, %swap3A_6] : memref<10000x32xf32, #tpu.memory_space<vmem>>, vector<10000x32xf32>
    tpu.vector_store %arg2[%swap3A, %swap3A_6], %dot_general3A_5 {strides = array<i32>} : memref<10000x32xf32, #tpu.memory_space<vmem>>, vector<10000x32xf32>,
    return
  }
}

module attributes {stable_mosaic.version = 14 : i64} {
  func.func @_prescale_body(%arg0: memref<10000x32xf32, #tpu.memory_space<vmem>>, %arg1: memref<2x10000x1xf32, #tpu.memory_space<vmem>>, %arg2: memref<10000x32xf32, #tpu.memory_space<vmem>>, %arg3: memref<10000x1xf32, #tpu.memory_space<vmem>>) attributes {dimension_semantics = [], scalar_prefetch = 0 : i64, scratch_operands = 0 : i64, tpu.core_type = #tpu.core_type<tc>} {
    %get3A = arith.constant 0 : index
    %get3A_0 = arith.constant 0 : index
    %get3A_1 = arith.constant 0 : index
    %get3A_2 = vector.load %arg1[%get3A, %get3A_0, %get3A_1] : memref<2x10000x1xf32, #tpu.memory_space<vmem>>, vector<1x10000x1xf32>
    %get3A_3 = vector.shape_cast %get3A_2 : vector<1x10000x1xf32> to vector<10000x1xf32>
    %get3A_4 = arith.constant 1 : index
    %get3A_5 = arith.constant 0 : index
    %get3A_6 = arith.constant 0 : index
    %get3A_7 = vector.load %arg1[%get3A_4, %get3A_5, %get3A_6] : memref<2x10000x1xf32, #tpu.memory_space<vmem>>, vector<1x10000x1xf32>
    %get3A_8 = vector.shape_cast %get3A_7 : vector<1x10000x1xf32> to vector<10000x1xf32>
    %add3A = arith.addf %get3A_3, %get3A_8 : vector<10000x1xf32>
    %add3A_9 = arith.constant 1.000000e+00 : f32
    %add3A_10 = vector.broadcast %add3A_9 : f32 to vector<10000x1xf32>
    %add3A_11 = arith.addf %add3A, %add3A_10 : vector<10000x1xf32>
    %rsqrt3A = math.rsqrt %add3A_11 : vector<10000x1xf32>
    %get3A_12 = arith.constant 0 : index
    %get3A_13 = arith.constant 0 : index
    %get3A_14 = vector.load %arg0[%get3A_12, %get3A_13] : memref<10000x32xf32, #tpu.memory_space<vmem>>, vector<10000x32xf32>
    %mul3A = vector.broadcast %rsqrt3A : vector<10000x1xf32> to vector<10000x32xf32>
    %mul3A_15 = arith.mulf %get3A_14, %mul3A : vector<10000x32xf32>
    %swap3A = arith.constant 0 : index
    %swap3A_16 = arith.constant 0 : index
    %swap3A_17 = vector.load %arg2[%swap3A, %swap3A_16] : memref<10000x32xf32, #tpu.memory_space<vmem>>, vector<10000x32xf32>
    tpu.vector_store %arg2[%swap3A, %swap3A_16], %mul3A_15 {strides = array<i32>} : memref<10000x32xf32, #tpu.memory_space<vmem>>, vector<10000x32xf32>,
    %swap3A_18 = arith.constant 0 : index
    %swap3A_19 = arith.constant 0 : index
    %swap3A_20 = vector.load %arg3[%swap3A_18, %swap3A_19] : memref<10000x1xf32, #tpu.memory_space<vmem>>, vector<10000x1xf32>
    tpu.vector_store %arg3[%swap3A_18, %swap3A_19], %rsqrt3A {strides = array<i32>} : memref<10000x1xf32, #tpu.memory_space<vmem>>, vector<10000x1xf32>,
    return
  }
}

module attributes {stable_mosaic.version = 14 : i64} {
  func.func @_head_body(%arg0: memref<2x10000x32xf32, #tpu.memory_space<vmem>>, %arg1: memref<10000x32xf32, #tpu.memory_space<vmem>>, %arg2: memref<10000x1xf32, #tpu.memory_space<vmem>>, %arg3: memref<1x32xf32, #tpu.memory_space<vmem>>, %arg4: memref<96x32xf32, #tpu.memory_space<vmem>>, %arg5: memref<1x96xf32, #tpu.memory_space<vmem>>, %arg6: memref<1x96xf32, #tpu.memory_space<vmem>>, %arg7: memref<1x32xf32, #tpu.memory_space<vmem>>, %arg8: memref<1x1xf32, #tpu.memory_space<vmem>>, %arg9: memref<1x32xf32, #tpu.memory_space<vmem>>, %arg10: memref<1x1xf32, #tpu.memory_space<vmem>>, %arg11: memref<2x10000x1xf32, #tpu.memory_space<vmem>>) attributes {dimension_semantics = [], scalar_prefetch = 0 : i64, scratch_operands = 0 : i64, tpu.core_type = #tpu.core_type<tc>} {
    %get3A = arith.constant 0 : index
    %get3A_0 = arith.constant 0 : index
    %get3A_1 = vector.load %arg2[%get3A, %get3A_0] : memref<10000x1xf32, #tpu.memory_space<vmem>>, vector<10000x1xf32>
    %get3A_2 = arith.constant 0 : index
    %get3A_3 = arith.constant 0 : index
    %get3A_4 = arith.constant 0 : index
    %get3A_5 = vector.load %arg0[%get3A_2, %get3A_3, %get3A_4] : memref<2x10000x32xf32, #tpu.memory_space<vmem>>, vector<1x10000x32xf32>
    %get3A_6 = vector.shape_cast %get3A_5 : vector<1x10000x32xf32> to vector<10000x32xf32>
    %get3A_7 = arith.constant 1 : index
    %get3A_8 = arith.constant 0 : index
    %get3A_9 = arith.constant 0 : index
    %get3A_10 = vector.load %arg0[%get3A_7, %get3A_8, %get3A_9] : memref<2x10000x32xf32, #tpu.memory_space<vmem>>, vector<1x10000x32xf32>
    %get3A_11 = vector.shape_cast %get3A_10 : vector<1x10000x32xf32> to vector<10000x32xf32>
    %add3A = arith.addf %get3A_6, %get3A_11 : vector<10000x32xf32>
    %get3A_12 = arith.constant 0 : index
    %get3A_13 = arith.constant 0 : index
    %get3A_14 = vector.load %arg1[%get3A_12, %get3A_13] : memref<10000x32xf32, #tpu.memory_space<vmem>>, vector<10000x32xf32>
    %add3A_15 = arith.addf %add3A, %get3A_14 : vector<10000x32xf32>
    %mul3A = vector.broadcast %get3A_1 : vector<10000x1xf32> to vector<10000x32xf32>
    %mul3A_16 = arith.mulf %add3A_15, %mul3A : vector<10000x32xf32>
    %get3A_17 = arith.constant 0 : index
    %get3A_18 = arith.constant 0 : index
    %get3A_19 = vector.load %arg3[%get3A_17, %get3A_18] : memref<1x32xf32, #tpu.memory_space<vmem>>, vector<1x32xf32>
    %add3A_20 = vector.broadcast %get3A_19 : vector<1x32xf32> to vector<10000x32xf32>
    %add3A_21 = arith.addf %mul3A_16, %add3A_20 : vector<10000x32xf32>
    %max3A = arith.constant 0.000000e+00 : f32
    %max3A_22 = vector.broadcast %max3A : f32 to vector<10000x32xf32>
    %max3A_23 = arith.maximumf %add3A_21, %max3A_22 : vector<10000x32xf32>
    %get3A_24 = arith.constant 0 : index
    %get3A_25 = arith.constant 0 : index
    %get3A_26 = vector.load %arg4[%get3A_24, %get3A_25] : memref<96x32xf32, #tpu.memory_space<vmem>>, vector<96x32xf32>
    %dot_general3A = arith.constant dense<0.000000e+00> : vector<10000x96xf32>
    %dot_general3A_27 = tpu.matmul %max3A_23, %get3A_26, %dot_general3A {dimension_numbers = #tpu.dot_dimension_numbers<[1], [1], [0], [0], [0, 0, 1, 0], [], []>, transpose_lhs_hint = false} : vector<10000x32xf32>, vector<96x32xf32>, vector<10000x96xf32> -> vector<10000x96xf32>
    %get3A_28 = arith.constant 0 : index
    %get3A_29 = arith.constant 0 : index
    %get3A_30 = vector.load %arg5[%get3A_28, %get3A_29] : memref<1x96xf32, #tpu.memory_space<vmem>>, vector<1x96xf32>
    %add3A_31 = vector.broadcast %get3A_30 : vector<1x96xf32> to vector<10000x96xf32>
    %add3A_32 = arith.addf %dot_general3A_27, %add3A_31 : vector<10000x96xf32>
    %get3A_33 = arith.constant 0 : index
    %get3A_34 = arith.constant 0 : index
    %get3A_35 = vector.load %arg6[%get3A_33, %get3A_34] : memref<1x96xf32, #tpu.memory_space<vmem>>, vector<1x96xf32>
    %slice3A = vector.extract_strided_slice %add3A_32 {offsets = [0, 0], sizes = [10000, 32], strides = [1, 1]} : vector<10000x96xf32> to vector<10000x32xf32>
    %slice3A_36 = vector.extract_strided_slice %get3A_35 {offsets = [0, 0], sizes = [1, 32], strides = [1, 1]} : vector<1x96xf32> to vector<1x32xf32>
    %add3A_37 = vector.broadcast %slice3A_36 : vector<1x32xf32> to vector<10000x32xf32>
    %add3A_38 = arith.addf %slice3A, %add3A_37 : vector<10000x32xf32>
    %logistic3A = arith.negf %add3A_38 : vector<10000x32xf32>
    %logistic3A_39 = math.exp %logistic3A : vector<10000x32xf32>
    %logistic3A_40 = arith.constant 1.000000e+00 : f32
    %logistic3A_41 = vector.broadcast %logistic3A_40 : f32 to vector<10000x32xf32>
    %logistic3A_42 = arith.addf %logistic3A_41, %logistic3A_39 : vector<10000x32xf32>
    %logistic3A_43 = arith.divf %logistic3A_41, %logistic3A_42 : vector<10000x32xf32>
    %slice3A_44 = vector.extract_strided_slice %add3A_32 {offsets = [0, 32], sizes = [10000, 32], strides = [1, 1]} : vector<10000x96xf32> to vector<10000x32xf32>
    %slice3A_45 = vector.extract_strided_slice %get3A_35 {offsets = [0, 32], sizes = [1, 32], strides = [1, 1]} : vector<1x96xf32> to vector<1x32xf32>
    %add3A_46 = vector.broadcast %slice3A_45 : vector<1x32xf32> to vector<10000x32xf32>
    %add3A_47 = arith.addf %slice3A_44, %add3A_46 : vector<10000x32xf32>
    %logistic3A_48 = arith.negf %add3A_47 : vector<10000x32xf32>
    %logistic3A_49 = math.exp %logistic3A_48 : vector<10000x32xf32>
    %logistic3A_50 = arith.constant 1.000000e+00 : f32
    %logistic3A_51 = vector.broadcast %logistic3A_50 : f32 to vector<10000x32xf32>
    %logistic3A_52 = arith.addf %logistic3A_51, %logistic3A_49 : vector<10000x32xf32>
    %logistic3A_53 = arith.divf %logistic3A_51, %logistic3A_52 : vector<10000x32xf32>
    %slice3A_54 = vector.extract_strided_slice %add3A_32 {offsets = [0, 64], sizes = [10000, 32], strides = [1, 1]} : vector<10000x96xf32> to vector<10000x32xf32>
    %slice3A_55 = vector.extract_strided_slice %get3A_35 {offsets = [0, 64], sizes = [1, 32], strides = [1, 1]} : vector<1x96xf32> to vector<1x32xf32>
    %mul3A_56 = vector.broadcast %slice3A_55 : vector<1x32xf32> to vector<10000x32xf32>
    %mul3A_57 = arith.mulf %logistic3A_43, %mul3A_56 : vector<10000x32xf32>
    %add3A_58 = arith.addf %slice3A_54, %mul3A_57 : vector<10000x32xf32>
    %tanh3A = math.tanh %add3A_58 : vector<10000x32xf32>
    %sub3A = arith.constant 1.000000e+00 : f32
    %sub3A_59 = vector.broadcast %sub3A : f32 to vector<10000x32xf32>
    %sub3A_60 = arith.subf %sub3A_59, %logistic3A_53 : vector<10000x32xf32>
    %mul3A_61 = arith.mulf %sub3A_60, %tanh3A : vector<10000x32xf32>
    %get3A_62 = arith.constant 0 : index
    %get3A_63 = arith.constant 0 : index
    %get3A_64 = vector.load %arg7[%get3A_62, %get3A_63] : memref<1x32xf32, #tpu.memory_space<vmem>>, vector<1x32xf32>
    %mul3A_65 = vector.broadcast %get3A_64 : vector<1x32xf32> to vector<10000x32xf32>
    %mul3A_66 = arith.mulf %mul3A_61, %mul3A_65 : vector<10000x32xf32>
    %reduce_sum3A = arith.constant dense<0.000000e+00> : vector<10000xf32>
    %reduce_sum3A_67 = vector.multi_reduction <add>, %mul3A_66, %reduce_sum3A [1] : vector<10000x32xf32> to vector<10000xf32>
    %broadcast_in_dim3A = vector.shape_cast %reduce_sum3A_67 : vector<10000xf32> to vector<10000x1xf32>
    %get3A_68 = arith.constant 0 : index
    %get3A_69 = arith.constant 0 : index
    %get3A_70 = vector.load %arg8[%get3A_68, %get3A_69] : memref<1x1xf32, #tpu.memory_space<vmem>>, vector<1x1xf32>
    %add3A_71 = vector.broadcast %get3A_70 : vector<1x1xf32> to vector<10000x1xf32>
    %add3A_72 = arith.addf %broadcast_in_dim3A, %add3A_71 : vector<10000x1xf32>
    %logistic3A_73 = arith.negf %add3A_72 : vector<10000x1xf32>
    %logistic3A_74 = math.exp %logistic3A_73 : vector<10000x1xf32>
    %logistic3A_75 = arith.constant 1.000000e+00 : f32
    %logistic3A_76 = vector.broadcast %logistic3A_75 : f32 to vector<10000x1xf32>
    %logistic3A_77 = arith.addf %logistic3A_76, %logistic3A_74 : vector<10000x1xf32>
    %logistic3A_78 = arith.divf %logistic3A_76, %logistic3A_77 : vector<10000x1xf32>
    %swap3A = arith.constant 0 : index
    %swap3A_79 = arith.constant 0 : index
    %swap3A_80 = arith.constant 0 : index
    %swap3A_81 = vector.load %arg11[%swap3A, %swap3A_79, %swap3A_80] : memref<2x10000x1xf32, #tpu.memory_space<vmem>>, vector<1x10000x1xf32>
    %swap3A_82 = vector.shape_cast %swap3A_81 : vector<1x10000x1xf32> to vector<10000x1xf32>
    %swap3A_83 = vector.shape_cast %logistic3A_78 : vector<10000x1xf32> to vector<1x10000x1xf32>
    tpu.vector_store %arg11[%swap3A, %swap3A_79, %swap3A_80], %swap3A_83 {strides = array<i32>} : memref<2x10000x1xf32, #tpu.memory_space<vmem>>, vector<1x10000x1xf32>,
    %get3A_84 = arith.constant 0 : index
    %get3A_85 = arith.constant 0 : index
    %get3A_86 = vector.load %arg9[%get3A_84, %get3A_85] : memref<1x32xf32, #tpu.memory_space<vmem>>, vector<1x32xf32>
    %mul3A_87 = vector.broadcast %get3A_86 : vector<1x32xf32> to vector<10000x32xf32>
    %mul3A_88 = arith.mulf %mul3A_61, %mul3A_87 : vector<10000x32xf32>
    %reduce_sum3A_89 = arith.constant dense<0.000000e+00> : vector<10000xf32>
    %reduce_sum3A_90 = vector.multi_reduction <add>, %mul3A_88, %reduce_sum3A_89 [1] : vector<10000x32xf32> to vector<10000xf32>
    %broadcast_in_dim3A_91 = vector.shape_cast %reduce_sum3A_90 : vector<10000xf32> to vector<10000x1xf32>
    %get3A_92 = arith.constant 0 : index
    %get3A_93 = arith.constant 0 : index
    %get3A_94 = vector.load %arg10[%get3A_92, %get3A_93] : memref<1x1xf32, #tpu.memory_space<vmem>>, vector<1x1xf32>
    %add3A_95 = vector.broadcast %get3A_94 : vector<1x1xf32> to vector<10000x1xf32>
    %add3A_96 = arith.addf %broadcast_in_dim3A_91, %add3A_95 : vector<10000x1xf32>
    %logistic3A_97 = arith.negf %add3A_96 : vector<10000x1xf32>
    %logistic3A_98 = math.exp %logistic3A_97 : vector<10000x1xf32>
    %logistic3A_99 = arith.constant 1.000000e+00 : f32
    %logistic3A_100 = vector.broadcast %logistic3A_99 : f32 to vector<10000x1xf32>
    %logistic3A_101 = arith.addf %logistic3A_100, %logistic3A_98 : vector<10000x1xf32>
    %logistic3A_102 = arith.divf %logistic3A_100, %logistic3A_101 : vector<10000x1xf32>
    %swap3A_103 = arith.constant 1 : index
    %swap3A_104 = arith.constant 0 : index
    %swap3A_105 = arith.constant 0 : index
    %swap3A_106 = vector.load %arg11[%swap3A_103, %swap3A_104, %swap3A_105] : memref<2x10000x1xf32, #tpu.memory_space<vmem>>, vector<1x10000x1xf32>
    %swap3A_107 = vector.shape_cast %swap3A_106 : vector<1x10000x1xf32> to vector<10000x1xf32>
    %swap3A_108 = vector.shape_cast %logistic3A_102 : vector<10000x1xf32> to vector<1x10000x1xf32>
    tpu.vector_store %arg11[%swap3A_103, %swap3A_104, %swap3A_105], %swap3A_108 {strides = array<i32>} : memref<2x10000x1xf32, #tpu.memory_space<vmem>>, vector<1x10000x1xf32>,
    return
  }
}

</mosaic_0001>

<sc_bundles>
// kernel: kernel.10.cloned.1.call-start
scs
__scs_entry_jumppad:
0x0: {  	(pc) =	sbr.rel $0x88, $3  }
0x1: {  	(tag) =	ssettag $0x0;
	lr =	simm.s32 $0x1  }
0x2: {  	[smem:$0x3F96] =	sst lr;
	_ =	strace $0xD0000000  }
0x3: {  	_ = 	snop  }
0x4: {  	_ = 	snop  }
0x5: {  	_ = 	snop  }
0x6: {  	_ = 	snop  }
0x7: {  	_ = 	snop  }
__scs_overlays_trampoline_lowered:
0x8: {  	[smem:$0x3FA5] =	sst s0  }
0x9: {  	[smem:$0x3FA6] =	sst s1  }
0xa: {  	[smem:$0x3FA7] =	sst s2  }
0xb: {  	[smem:$0x3FA8] =	sst s3  }
0xc: {  	[smem:$0x3FA9] =	sst s4  }
0xd: {  	[smem:$0x3FAA] =	sst s5  }
0xe: {  	[smem:$0x3FAB] =	sst s6  }
0xf: {  	[smem:$0x3FAC] =	sst s7  }
0x10: {  	[smem:$0x3FAD] =	sst s8  }
0x11: {  	[smem:$0x3FAE] =	sst s9;
	s0 =	simm.s32 @!p0 $0x0  }
0x12: {  	s1 =	sld [smem:$0x3F94];
	s0 =	simm.s32 @p0 $0x1  }
0x13: {  	[smem:$0x3FAF] =	sst s0;
	s0 =	simm.s32 @!p1 $0x0  }
0x14: {  	s2 =	sld [smem:$0x3F93];
	s0 =	simm.s32 @p1 $0x1  }
0x15: {  	[smem:$0x3FB0] =	sst s0;
	s0 =	simm.s32 @!p2 $0x0  }
0x16: {  	s3 =	sld [smem:$0x3FDB];
	s0 =	simm.s32 @p2 $0x1  }
0x17: {  	s4 =	simm.s32 $0x1BF5;
	[smem:$0x3FB2] =	sst s0  }
0x18: {  	s0 =	sld [smem:$0x3F95];
	_ =	swait.ge [sflag:s4], $0x0  }
0x19: {  	s7 =	sld [smem:$0x3F96]  }
0x1a: {  	s8 =	sadd.s32 $0xFFFFE003, lr  }
0x1b: {  	s9 =	sadd.s32 $0xFFFFFEF7, lr;
	s5 =	simm.s32 $0xFFFFFFFF;
	p2 =	slt.u32 s8, $0xFFFFF086  }
0x1c: {  	p1 =	slt.u32 s9, $0xF7A;
	s5 =	simm.s32 @!p2 $0x0  }
0x1d: {  	s5 =	simm.s32 @p1 $0x1;
	p0 =	seq.s32 s7, s2  }
0x1e: {  	s7 =	smul.u32 @!p0 $0xF7A, s2;
	p2 =	seq.s32 @!p0 s5, $0x0  }
0x1f: {  	s9 =	smul.u32 $0xF7A, s1;
	s8 =	simm.s32 @!p0 $0x1BF5;
	p2 =	por !p2, p0  }
0x20: {  	[sflag:s8] =	ssyncset.s32 @!p0 $0xFFFFF086;
	s6 =	sadd.s32 @!p0 s3, s7;
	s7 =	simm.s32 @!p0 $0x108  }
0x21: {  	s3 =	sadd.s32 s3, s9;
	s6 =	sadd.s32 @!p0 $0x88, s6;
	s7 =	simm.s32 @p2 $0x1082  }
0x22: {  	[simem:s7], [sflag:s8] =	dma.local @!p0 [hbm:s6], $0xF7A  }
0x23: {  	s9 =	sor.u32 $0xD0000000, s2;
	s6 =	simm.s32 $0x108;
	_ =	swait.ge @!p0 [sflag:s8], $0x0  }
0x24: {  	s3 =	sadd.s32 $0x88, s3;
	s6 =	simm.s32 @!p1 $0x1082;
	[sflag:s4] =	ssyncset.s32 $0xFFFFF086  }
0x25: {  	[simem:s6], [sflag:s4] =	dma.local [hbm:s3], $0xF7A  }
0x26: {  	[smem:$0x3F96] =	sst s1;
	(tag) =	ssettag s2;
	_ =	strace s9  }
0x27: {  	s1 =	sld [smem:$0x3FA6]  }
0x28: {  	s2 =	sld [smem:$0x3FA7]  }
0x29: {  	s4 =	sld [smem:$0x3FA9]  }
0x2a: {  	p0 =	seq.s32 s5, $0x0;
	s5 =	sld [smem:$0x3FAA]  }
0x2b: {  	s6 =	sld [smem:$0x3FAB]  }
0x2c: {  	s7 =	sld [smem:$0x3FAC]  }
0x2d: {  	s3 =	simm.s32 $0x108;
	s8 =	sld [smem:$0x3FAD]  }
0x2e: {  	s3 =	simm.s32 @!p0 $0x1082;
	s9 =	sld [smem:$0x3FAE]  }
0x2f: {  	lr =	sadd.s32 s0, s3;
	s0 =	sld [smem:$0x3FA5]  }
0x30: {  	s3 =	sld [smem:$0x3FA8]  }
0x31: {  	[smem:$0x3FB1] =	sst s10  }
0x32: {  	s10 =	sld [smem:$0x3FAF];
	_ =	sdelay $0x3  }
0x33: {  	p0 =	seq.s32 s10, $0x1;
	s10 =	sld [smem:$0x3FB1];
	_ =	sdelay $0x3  }
0x34: {  	[smem:$0x3FB1] =	sst s10  }
0x35: {  	s10 =	sld [smem:$0x3FB0];
	_ =	sdelay $0x3  }
0x36: {  	p1 =	seq.s32 s10, $0x1;
	s10 =	sld [smem:$0x3FB1];
	_ =	sdelay $0x3  }
0x37: {  	[smem:$0x3FB1] =	sst s10  }
0x38: {  	s10 =	sld [smem:$0x3FB2]  }
0x39: {  	_ = 	snop;
	(pc) =	sbr.ind lr, $3  }
0x3a: {  	_ = 	snop  }
0x3b: {  	_ = 	snop  }
0x3c: {  	p2 =	seq.s32 s10, $0x1;
	s10 =	sld [smem:$0x3FB1]  }
0x3d: {  	_ =	shalt  }
0x3e: {  	_ =	shalt  }
0x3f: {  	_ =	shalt  }
0x40: {  	_ =	shalt  }
0x41: {  	_ =	shalt  }
0x42: {  	_ =	shalt  }
0x43: {  	_ =	shalt  }
0x44: {  	_ =	shalt  }
0x45: {  	_ =	shalt  }
0x46: {  	_ =	shalt  }
0x47: {  	_ =	shalt  }
0x48: {  	_ =	shalt  }
0x49: {  	_ =	shalt  }
0x4a: {  	_ =	shalt  }
0x4b: {  	_ =	shalt  }
0x4c: {  	_ =	shalt  }
0x4d: {  	_ =	shalt  }
0x4e: {  	_ =	shalt  }
0x4f: {  	_ =	shalt  }
0x50: {  	_ =	shalt  }
0x51: {  	_ =	shalt  }
0x52: {  	_ =	shalt  }
0x53: {  	_ =	shalt  }
0x54: {  	_ =	shalt  }
0x55: {  	_ =	shalt  }
0x56: {  	_ =	shalt  }
0x57: {  	_ =	shalt  }
0x58: {  	_ =	shalt  }
0x59: {  	_ =	shalt  }
0x5a: {  	_ =	shalt  }
0x5b: {  	_ =	shalt  }
0x5c: {  	_ =	shalt  }
0x5d: {  	_ =	shalt  }
0x5e: {  	_ =	shalt  }
0x5f: {  	_ =	shalt  }
0x60: {  	_ =	shalt  }
0x61: {  	_ =	shalt  }
0x62: {  	_ =	shalt  }
0x63: {  	_ =	shalt  }
0x64: {  	_ =	shalt  }
0x65: {  	_ =	shalt  }
0x66: {  	_ =	shalt  }
0x67: {  	_ =	shalt  }
0x68: {  	_ =	shalt  }
0x69: {  	_ =	shalt  }
0x6a: {  	_ =	shalt  }
0x6b: {  	_ =	shalt  }
0x6c: {  	_ =	shalt  }
0x6d: {  	_ =	shalt  }
0x6e: {  	_ =	shalt  }
0x6f: {  	_ =	shalt  }
0x70: {  	_ =	shalt  }
0x71: {  	_ =	shalt  }
0x72: {  	_ =	shalt  }
0x73: {  	_ =	shalt  }
0x74: {  	_ =	shalt  }
0x75: {  	_ =	shalt  }
0x76: {  	_ =	shalt  }
0x77: {  	_ =	shalt  }
0x78: {  	_ =	shalt  }
0x79: {  	_ =	shalt  }
0x7a: {  	_ =	shalt  }
0x7b: {  	_ =	shalt  }
0x7c: {  	_ =	shalt  }
0x7d: {  	_ =	shalt  }
0x7e: {  	_ =	shalt  }
0x7f: {  	_ =	shalt  }
0x80: {  	_ =	shalt  }
0x81: {  	_ =	shalt  }
0x82: {  	_ =	shalt  }
0x83: {  	_ =	shalt  }
0x84: {  	_ =	shalt  }
0x85: {  	_ =	shalt  }
0x86: {  	_ =	shalt  }
0x87: {  	_ =	shalt  }
.Lfunc_end0:
.L_simem_size_0:
called_computation.1_lowered:
.L_overlay_start_0:
0x88: {  	s2 =	sld [smem:$0x3FD9]  }
0x89: {  	s3 =	sld [smem:$0x3FFE];
	_ =	sdelay $0x1  }
0x8a: {  	s1 =	srdreg.scid  }
0x8b: {  	s0 =	sand.u32 $0x1, s1  }
0x8c: {  	s16 =	sshll.u32 s0, $0xA;
	s2 =	sadd.s32 s3, s2  }
0x8d: {  	s2 =	sadd.s32 s2, s16  }
0x8e: {  	[smem:$0x3FBD] =	sst s2  }
0x8f: {  	_ = 	snop  }
0x90: {  	(tm) =	ssettm $0x1  }
0x91: {  	s17 =	sld [smem:$0x3FFB];
	_ =	sdelay $0x3  }
0x92: {  	_ =	strace s17  }
0x93: {  	s2 =	sld [smem:$0x3FFC];
	_ =	sdelay $0x3  }
0x94: {  	_ =	strace s2  }
0x95: {  	s2 =	sld [smem:$0x3FFD];
	_ =	sdelay $0x3  }
0x96: {  	_ =	strace s2  }
0x97: {  	_ =	strace $0x8FFFFFFF  }
0x98: {  	s18 =	sld [smem:$0x3FDB];
	_ =	sdelay $0x1  }
0x99: {  	s19 =	simm.s32 $_scs_section_size  }
0x9a: {  	s4 =	simm.s32 $_size__tile_overlayer_lowered;
	s5 =	simm.s32 $_tile_overlayer_lowered  }
0x9b: {  	s22 =	simm.s32 $0x1BFF;
	s21 =	sshll.u32 s5, $0x1;
	s2 =	sadd.s32 s19, s18  }
0x9c: {  	s6 =	simm.s32 $0x0;
	s20 =	sshll.u32 s4, $0x1;
	s4 =	sadd.s32 s21, s2  }
0x9d: {  	[timem:s6], [sflag:s22] =	dma.local [hbm:s4], s20  }
0x9e: {  	_ =	swait.ge [sflag:s22], s20  }
0x9f: {  	s3 =	ssub.s32 $0x0, s20;
	[sflag:s22] =	ssyncset.done $0x0  }
0xa0: {  	[sflag:s22] =	ssyncadd.s32 s3;
	_ =	sdelay $0x1  }
0xa1: {  	s23 =	simm.s32 $0x1B8B  }
0xa2: {  	_ =	swait.ge [sflag:s23], $0x1  }
0xa3: {  	[sflag:s23] =	ssyncset.done $0x0  }
0xa4: {  	s25 =	simm.s32 $0x1B8E;
	s24 =	sld [smem:$0x3FFE];
	[sflag:s23] =	ssyncadd.s32 $0xFFFFFFFF  }
0xa5: {  	s26 =	simm.s32 $execute0_lowered;
	[smem:$0x3FD2] =	sst s25  }
0xa6: {  	s4 =	sshll.u32 s26, $0x1;
	_ =	strace $0x80000049;
	[dreg:$0x1] =	wrdreg $0xFFFFFFFF  }
0xa7: {  	s28 =	simm.s32 $_size_execute0_lowered;
	s2 =	sadd.s32 s2, s4;
	[dreg:$0x0] =	wrdreg $0x0  }
0xa8: {  	s4 =	sshll.u32 s28, $0x1;
	[dreg:$0x2] =	wrdreg s2  }
0xa9: {  	[dreg:$0x3] =	wrdreg s4  }
0xaa: {  	[dreg:$0x4] =	wrdreg $0xC0  }
0xab: {  	_ =	task [dreg:s6], $0x5FFFF  }
0xac: {  	[dreg:$0x1] =	wrdreg $0xFFFFFFFF  }
0xad: {  	[dreg:$0x0] =	wrdreg $0x60  }
0xae: {  	[dreg:$0x2] =	wrdreg s24  }
0xaf: {  	[dreg:$0x3] =	wrdreg $0xD0000  }
0xb0: {  	[dreg:$0x4] =	wrdreg $0x9  }
0xb1: {  	_ =	task.clear_ibuf [dreg:s6], $0x5FFFF;
	_ =	strace $0x90000049  }
0xb2: {  	s29 =	simm.s32 $0x9;
	_ =	strace $0x8000004B  }
0xb3: {  	_ =	swait.ge [sflag:s29], $0x1  }
0xb4: {  	[sflag:s29] =	ssyncadd.s32 $0xFFFFFFFF  }
0xb5: {  	_ =	strace $0x9000004B  }
0xb6: {  	_ =	sfence  }
0xb7: {  	s30 =	sld [smem:$0x0];
	_ =	sdelay $0x2  }
0xb8: {  	s31 =	sshll.u32 s1, $0xD;
	s1 =	sshrl.u32 s1, $0x2  }
0xb9: {  	s3 =	sand.u32 $0x4000, s31;
	s1 =	sadd.s32 s1, s30  }
0xba: {  	s0 =	sor.u32 s3, s0;
	s1 =	sshll.u32 s1, $0x11  }
0xbb: {  	s0 =	sor.u32 s1, s0  }
0xbc: {  	s0 =	sadd.s32 $0x8F2B, s0  }
0xbd: {  	[sflag:s0] =	ssyncadd.remote.s32 $0x1  }
0xbe: {  	_ =	sfence.sel $0xFFFF  }
0xbf: {  	[dreg:$0x0] =	wrdreg $0xFFFFFFFF;
	(pc) =	sbr.abs _section_cstart, $3  }
0xc0: {  	[dreg:$0x1] =	wrdreg $0xFFFFFFFF  }
0xc1: {  	_ =	task.clear_ibuf [dreg:s6], $0x2FFFF;
	_ =	strace $0x9FFFFFFF  }
0xc2: {  	(tm) =	ssettm $0x7FFFFFFF  }
0xc3: {  	_ =	shalt  }
tec
execute0_lowered:
.L_overlay_start_1:
0x0: {  	(tag) =	ssettag $0x1  }
0x1: {  	s0 =	srdreg.scid;
	s3 =	rddreg [dreg:$0x0]  }
0x2: {  	s9 =	stileid.u32;
	s2 =	rddreg [dreg:$0x1];
	s4 =	simm.s32 $0x0  }
0x3: {  	s13 =	simm.s32 $0x11;
	s14 =	simm.s32 $0x80;
	s15 =	simm.s32 $0x5000  }
0x4: {  	s16 =	simm.s32 $0x6000;
	s18 =	simm.s32 $0x7000;
	s20 =	simm.s32 $0x8000  }
0x5: {  	s22 =	simm.s32 $0x9000;
	s29 =	simm.s32 $0xC000;
	s30 =	simm.s32 $0x1  }
0x6: {  	s31 =	simm.s32 $0x2;
	s11 =	simm.s32 $0x5;
	s17 =	simm.s32 $0x6  }
0x7: {  	s19 =	simm.s32 $0x7;
	s21 =	simm.s32 $0x8;
	s28 =	simm.s32 $0xB  }
0x8: {  	s10 =	simm.s32 $0x0;
	s0 =	sand.u32 $0x1, s0;
	s5 =	smul.u32 $0x4F00, s9  }
0x9: {  	[smem:$0x7FF] =	sst s4;
	s4 =	sadd.s32 $0x15800, s3;
	s26 =	sshll.u32 s9, $0x6  }
0xa: {  	s1 =	sshll.u32 s0, $0x4;
	s6 =	smul.u32 $0x4F000, s0;
	_ =	strace $0x8000004A  }
0xb: {  	s0 =	ssub.s32 $0x2, s0;
	[dreg:$0xa] =	wrdreg s10;
	s1 =	sor.u32 s9, s1  }
0xc: {  	s7 =	sshrl.u32 s5, $0x3;
	s8 =	sshrl.u32 s0, $0x1;
	s24 =	sadd.s32 s5, s2  }
0xd: {  	s9 =	simm.s32 $0x10;
	s1 =	smul.u32 $0x2800, s1;
	s6 =	sadd.s32 s5, s6  }
0xe: {  	s7 =	sadd.s32 s7, s3;
	s0 =	ssub.s32 s0, s8;
	s12 =	sshrl.u32 s24, $0x3  }
0xf: {  	s24 =	simm.s32 $0xA000;
	s5 =	simm.s32 $0xC;
	s8 =	simm.s32 $0xF  }
0x10: {  	s6 =	sshrl.u32 s6, $0x3;
	s25 =	sadd.s32 $0x1F600, s7;
	[dreg:$0x8] =	wrdreg s12  }
0x11: {  	s0 =	smax.u32 s0, $0x1;
	s7 =	simm.s32 $0xE;
	[dreg:$0x5] =	wrdreg s25  }
0x12: {  	s1 =	sshrl.u32 s1, $0x3;
	[dreg:$0x7] =	wrdreg s0;
	s0 =	sor.u32 $0x1C11, s26  }
0x13: {  	s26 =	simm.s32 $0xB000;
	s25 =	simm.s32 $0xA;
	s1 =	sadd.s32 s1, s3  }
0x14: {  	s3 =	sadd.s32 s6, s3;
	[dreg:$0x9] =	wrdreg s0;
	s23 =	sadd.s32 $0x1800, s1  }
0x15: {  	s0 =	simm.s32 $0x4;
	s1 =	sadd.s32 $0xB800, s1;
	[dreg:$0x3] =	wrdreg s23  }
0x16: {  	s6 =	simm.s32 $0xD;
	s3 =	sadd.s32 $0x29400, s3;
	[dreg:$0x4] =	wrdreg s1  }
0x17: {  	[dreg:$0x6] =	wrdreg s3;
	s1 =	simm.s32 $0x3;
	s23 =	simm.s32 $0x9  }
.LBB2_1:
0x18: {  	s3 =	simm.s32 $0x0;
	s12 =	rddreg [dreg:$0x3]  }
0x19: {  	[tilespmem:s3], [sflag:$0x11] =	stream.linear.gather [hbm4b:s12+s3], $0x2800, $0x38;
	[tilespmem:$0x11F00] =	vst v63  }
0x1a: {  	_ =	swait.ge [sflag:s13], $0x2800  }
0x1b: {  	s10 =	simm.s32 $0x0;
	[sflag:s13] =	ssyncset.done $0x0  }
0x1c: {  	s3 =	simm.s32 $0x2800;
	s12 =	rddreg [dreg:$0x4];
	[sflag:s13] =	ssyncadd.s32 $0xFFFFD800  }
0x1d: {  	[tilespmem:s3], [sflag:$0x11] =	stream.linear.gather [hbm4b:s12+s10], $0x2800, $0x38;
	[tilespmem:$0x11F00] =	vst v63  }
0x1e: {  	s10 =	rddreg [dreg:$0x9];
	_ =	swait.ge [sflag:s13], $0x2800  }
0x1f: {  	[sflag:s13] =	ssyncset.done $0x0;
	s12 =	rddreg [dreg:$0x5]  }
0x20: {  	s3 =	rddreg [dreg:$0x8];
	[sflag:s13] =	ssyncadd.s32 $0xFFFFD800  }
0x21: {  	[spmem:s3], [sflag:s10] =	dma.local [hbm:s12], $0x9E0  }
0x22: {  	_ =	swait.ge [sflag:s13], $0x9E0  }
0x23: {  	[sflag:s13] =	ssyncset.done $0x0  }
0x24: {  	[sflag:s13] =	ssyncadd.s32 $0xFFFFF620  }
0x25: {  	s13 =	simm.s32 $0x0;
	[bflag:$0x0] =	sbarrier.arrive $0xFFFF  }
0x26: {  	[tilespmem:s15], [sflag:$0x1] =	stream.indirect.gather [hbm4b:s4+s14], $0x20, s13, s14, $0xb8;
	[tilespmem:$0x11F00] =	vst v63  }
0x27: {  	_ = 	snop  }
0x28: {  	[tilespmem:s16], [sflag:$0x2] =	stream.indirect.gather [hbm4b:s4+s14], $0x20, s14, s14, $0xb8;
	[tilespmem:$0x11F00] =	vst v63  }
0x29: {  	s3 =	simm.s32 $0x100  }
0x2a: {  	[tilespmem:s18], [sflag:$0x3] =	stream.indirect.gather [hbm4b:s4+s14], $0x20, s3, s14, $0xb8;
	[tilespmem:$0x11F00] =	vst v63  }
0x2b: {  	s12 =	simm.s32 $0x180  }
0x2c: {  	[tilespmem:s20], [sflag:$0x4] =	stream.indirect.gather [hbm4b:s4+s14], $0x20, s12, s14, $0xb8;
	[tilespmem:$0x11F00] =	vst v63  }
0x2d: {  	s13 =	simm.s32 $0x200  }
0x2e: {  	[tilespmem:s22], [sflag:$0x5] =	stream.indirect.gather [hbm4b:s4+s14], $0x20, s13, s14, $0xb8;
	[tilespmem:$0x11F00] =	vst v63  }
0x2f: {  	s3 =	simm.s32 $0x280  }
0x30: {  	[tilespmem:s24], [sflag:$0x6] =	stream.indirect.gather [hbm4b:s4+s14], $0x20, s3, s14, $0xb8;
	[tilespmem:$0x11F00] =	vst v63  }
0x31: {  	s12 =	simm.s32 $0x300  }
0x32: {  	[tilespmem:s26], [sflag:$0x7] =	stream.indirect.gather [hbm4b:s4+s14], $0x20, s12, s14, $0xb8;
	[tilespmem:$0x11F00] =	vst v63  }
0x33: {  	s13 =	simm.s32 $0x380  }
0x34: {  	[tilespmem:s29], [sflag:$0x8] =	stream.indirect.gather [hbm4b:s4+s14], $0x20, s13, s14, $0xb8;
	[tilespmem:$0x11F00] =	vst v63  }
0x35: {  	_ =	swait.ge [sflag:s30], $0x1000  }
0x36: {  	[sflag:s30] =	ssyncset.done $0x0  }
0x37: {  	s3 =	simm.s32 $0x2800;
	[sflag:s30] =	ssyncadd.s32 $0xFFFFF000  }
0x38: {  	[spmem:s2] =	stream.indirect.scatter.add.f32 [tilespmem:s15], [sflag:$0x9], $0x20, s3, s14, $0xb8;
	[tilespmem:$0x11F00] =	vst v63  }
0x39: {  	_ =	swait.ge [sflag:s31], $0x1000  }
0x3a: {  	[sflag:s31] =	ssyncset.done $0x0  }
0x3b: {  	s10 =	simm.s32 $0x2880;
	[sflag:s31] =	ssyncadd.s32 $0xFFFFF000  }
0x3c: {  	[spmem:s2] =	stream.indirect.scatter.add.f32 [tilespmem:s16], [sflag:$0xA], $0x20, s10, s14, $0xb8;
	[tilespmem:$0x11F00] =	vst v63  }
0x3d: {  	_ =	swait.ge [sflag:s1], $0x1000  }
0x3e: {  	[sflag:s1] =	ssyncset.done $0x0  }
0x3f: {  	s13 =	simm.s32 $0x2900;
	[sflag:s1] =	ssyncadd.s32 $0xFFFFF000  }
0x40: {  	[spmem:s2] =	stream.indirect.scatter.add.f32 [tilespmem:s18], [sflag:$0xB], $0x20, s13, s14, $0xb8;
	[tilespmem:$0x11F00] =	vst v63  }
0x41: {  	_ =	swait.ge [sflag:s0], $0x1000  }
0x42: {  	[sflag:s0] =	ssyncset.done $0x0  }
0x43: {  	s3 =	simm.s32 $0x2980;
	[sflag:s0] =	ssyncadd.s32 $0xFFFFF000  }
0x44: {  	[spmem:s2] =	stream.indirect.scatter.add.f32 [tilespmem:s20], [sflag:$0xC], $0x20, s3, s14, $0xb8;
	[tilespmem:$0x11F00] =	vst v63  }
0x45: {  	_ =	swait.ge [sflag:s11], $0x1000  }
0x46: {  	[sflag:s11] =	ssyncset.done $0x0  }
0x47: {  	s10 =	simm.s32 $0x2A00;
	[sflag:s11] =	ssyncadd.s32 $0xFFFFF000  }
0x48: {  	[spmem:s2] =	stream.indirect.scatter.add.f32 [tilespmem:s22], [sflag:$0xD], $0x20, s10, s14, $0xb8;
	[tilespmem:$0x11F00] =	vst v63  }
0x49: {  	_ =	swait.ge [sflag:s17], $0x1000  }
0x4a: {  	[sflag:s17] =	ssyncset.done $0x0  }
0x4b: {  	s13 =	simm.s32 $0x2A80;
	[sflag:s17] =	ssyncadd.s32 $0xFFFFF000  }
0x4c: {  	[spmem:s2] =	stream.indirect.scatter.add.f32 [tilespmem:s24], [sflag:$0xE], $0x20, s13, s14, $0xb8;
	[tilespmem:$0x11F00] =	vst v63  }
0x4d: {  	_ =	swait.ge [sflag:s19], $0x1000  }
0x4e: {  	[sflag:s19] =	ssyncset.done $0x0  }
0x4f: {  	s3 =	simm.s32 $0x2B00;
	[sflag:s19] =	ssyncadd.s32 $0xFFFFF000  }
0x50: {  	[spmem:s2] =	stream.indirect.scatter.add.f32 [tilespmem:s26], [sflag:$0xF], $0x20, s3, s14, $0xb8;
	[tilespmem:$0x11F00] =	vst v63  }
0x51: {  	_ =	swait.ge [sflag:s21], $0x1000  }
0x52: {  	[sflag:s21] =	ssyncset.done $0x0  }
0x53: {  	s10 =	simm.s32 $0x2B80;
	[sflag:s21] =	ssyncadd.s32 $0xFFFFF000  }
0x54: {  	[spmem:s2] =	stream.indirect.scatter.add.f32 [tilespmem:s29], [sflag:$0x10], $0x20, s10, s14, $0xb8;
	[tilespmem:$0x11F00] =	vst v63  }
0x55: {  	_ =	swait.ge [sflag:s23], $0x1000  }
0x56: {  	[sflag:s23] =	ssyncset.done $0x0  }
0x57: {  	s13 =	simm.s32 $0x400;
	[sflag:s23] =	ssyncadd.s32 $0xFFFFF000  }
0x58: {  	[tilespmem:s15], [sflag:$0x1] =	stream.indirect.gather [hbm4b:s4+s14], $0x20, s13, s14, $0xb8;
	[tilespmem:$0x11F00] =	vst v63  }
0x59: {  	_ =	swait.ge [sflag:s25], $0x1000  }
0x5a: {  	[sflag:s25] =	ssyncset.done $0x0  }
0x5b: {  	s3 =	simm.s32 $0x480;
	[sflag:s25] =	ssyncadd.s32 $0xFFFFF000  }
0x5c: {  	[tilespmem:s16], [sflag:$0x2] =	stream.indirect.gather [hbm4b:s4+s14], $0x20, s3, s14, $0xb8;
	[tilespmem:$0x11F00] =	vst v63  }
0x5d: {  	_ =	swait.ge [sflag:s28], $0x1000  }
0x5e: {  	[sflag:s28] =	ssyncset.done $0x0  }
0x5f: {  	s10 =	simm.s32 $0x500;
	[sflag:s28] =	ssyncadd.s32 $0xFFFFF000  }
0x60: {  	[tilespmem:s18], [sflag:$0x3] =	stream.indirect.gather [hbm4b:s4+s14], $0x20, s10, s14, $0xb8;
	[tilespmem:$0x11F00] =	vst v63  }
0x61: {  	_ =	swait.ge [sflag:s5], $0x1000  }
0x62: {  	[sflag:s5] =	ssyncset.done $0x0  }
0x63: {  	s13 =	simm.s32 $0x580;
	[sflag:s5] =	ssyncadd.s32 $0xFFFFF000  }
0x64: {  	[tilespmem:s20], [sflag:$0x4] =	stream.indirect.gather [hbm4b:s4+s14], $0x20, s13, s14, $0xb8;
	[tilespmem:$0x11F00] =	vst v63  }
0x65: {  	_ =	swait.ge [sflag:s6], $0x1000  }
0x66: {  	[sflag:s6] =	ssyncset.done $0x0  }
0x67: {  	s3 =	simm.s32 $0x600;
	[sflag:s6] =	ssyncadd.s32 $0xFFFFF000  }
0x68: {  	[tilespmem:s22], [sflag:$0x5] =	stream.indirect.gather [hbm4b:s4+s14], $0x20, s3, s14, $0xb8;
	[tilespmem:$0x11F00] =	vst v63  }
0x69: {  	_ =	swait.ge [sflag:s7], $0x1000  }
0x6a: {  	[sflag:s7] =	ssyncset.done $0x0  }
0x6b: {  	s10 =	simm.s32 $0x680;
	[sflag:s7] =	ssyncadd.s32 $0xFFFFF000  }
0x6c: {  	[tilespmem:s24], [sflag:$0x6] =	stream.indirect.gather [hbm4b:s4+s14], $0x20, s10, s14, $0xb8;
	[tilespmem:$0x11F00] =	vst v63  }
0x6d: {  	_ =	swait.ge [sflag:s8], $0x1000  }
0x6e: {  	[sflag:s8] =	ssyncset.done $0x0  }
0x6f: {  	s13 =	simm.s32 $0x700;
	[sflag:s8] =	ssyncadd.s32 $0xFFFFF000  }
0x70: {  	[tilespmem:s26], [sflag:$0x7] =	stream.indirect.gather [hbm4b:s4+s14], $0x20, s13, s14, $0xb8;
	[tilespmem:$0x11F00] =	vst v63  }
0x71: {  	_ =	swait.ge [sflag:s9], $0x1000  }
0x72: {  	[sflag:s9] =	ssyncset.done $0x0  }
0x73: {  	s12 =	simm.s32 $0x1000;
	s13 =	simm.s32 $0x780;
	[sflag:s9] =	ssyncadd.s32 $0xFFFFF000  }
.LBB2_2:
0x74: {  	[tilespmem:s29], [sflag:$0x8] =	stream.indirect.gather [hbm4b:s4+s14], $0x20, s13, s14, $0xb8;
	[tilespmem:$0x11F00] =	vst v63  }
0x75: {  	s13 =	smov.u32 s12  }
0x76: {  	p0 =	sne.s32 s12, $0x8000;
	s12 =	sadd.s32 $0x1000, s12;
	_ =	swait.ge [sflag:s30], $0x1000  }
0x77: {  	s13 =	sshra.s32 s13, $0x2;
	[sflag:s30] =	ssyncset.done $0x0  }
0x78: {  	s10 =	sadd.s32 $0x2800, s13;
	[sflag:s30] =	ssyncadd.s32 $0xFFFFF000  }
0x79: {  	[spmem:s2] =	stream.indirect.scatter.add.f32 [tilespmem:s15], [sflag:$0x9], $0x20, s10, s14, $0xb8;
	[tilespmem:$0x11F00] =	vst v63  }
0x7a: {  	_ =	swait.ge [sflag:s31], $0x1000  }
0x7b: {  	[sflag:s31] =	ssyncset.done $0x0  }
0x7c: {  	s10 =	sadd.s32 $0x2880, s13;
	[sflag:s31] =	ssyncadd.s32 $0xFFFFF000  }
0x7d: {  	[spmem:s2] =	stream.indirect.scatter.add.f32 [tilespmem:s16], [sflag:$0xA], $0x20, s10, s14, $0xb8;
	[tilespmem:$0x11F00] =	vst v63  }
0x7e: {  	_ =	swait.ge [sflag:s1], $0x1000  }
0x7f: {  	[sflag:s1] =	ssyncset.done $0x0  }
0x80: {  	s10 =	sadd.s32 $0x2900, s13;
	[sflag:s1] =	ssyncadd.s32 $0xFFFFF000  }
0x81: {  	[spmem:s2] =	stream.indirect.scatter.add.f32 [tilespmem:s18], [sflag:$0xB], $0x20, s10, s14, $0xb8;
	[tilespmem:$0x11F00] =	vst v63  }
0x82: {  	_ =	swait.ge [sflag:s0], $0x1000  }
0x83: {  	[sflag:s0] =	ssyncset.done $0x0  }
0x84: {  	s10 =	sadd.s32 $0x2980, s13;
	[sflag:s0] =	ssyncadd.s32 $0xFFFFF000  }
0x85: {  	[spmem:s2] =	stream.indirect.scatter.add.f32 [tilespmem:s20], [sflag:$0xC], $0x20, s10, s14, $0xb8;
	[tilespmem:$0x11F00] =	vst v63  }
0x86: {  	_ =	swait.ge [sflag:s11], $0x1000  }
0x87: {  	[sflag:s11] =	ssyncset.done $0x0  }
0x88: {  	s10 =	sadd.s32 $0x2A00, s13;
	[sflag:s11] =	ssyncadd.s32 $0xFFFFF000  }
0x89: {  	[spmem:s2] =	stream.indirect.scatter.add.f32 [tilespmem:s22], [sflag:$0xD], $0x20, s10, s14, $0xb8;
	[tilespmem:$0x11F00] =	vst v63  }
0x8a: {  	_ =	swait.ge [sflag:s17], $0x1000  }
0x8b: {  	[sflag:s17] =	ssyncset.done $0x0  }
0x8c: {  	s10 =	sadd.s32 $0x2A80, s13;
	[sflag:s17] =	ssyncadd.s32 $0xFFFFF000  }
0x8d: {  	[spmem:s2] =	stream.indirect.scatter.add.f32 [tilespmem:s24], [sflag:$0xE], $0x20, s10, s14, $0xb8;
	[tilespmem:$0x11F00] =	vst v63  }
0x8e: {  	_ =	swait.ge [sflag:s19], $0x1000  }
0x8f: {  	[sflag:s19] =	ssyncset.done $0x0  }
0x90: {  	s10 =	sadd.s32 $0x2B00, s13;
	[sflag:s19] =	ssyncadd.s32 $0xFFFFF000  }
0x91: {  	[spmem:s2] =	stream.indirect.scatter.add.f32 [tilespmem:s26], [sflag:$0xF], $0x20, s10, s14, $0xb8;
	[tilespmem:$0x11F00] =	vst v63  }
0x92: {  	_ =	swait.ge [sflag:s21], $0x1000  }
0x93: {  	[sflag:s21] =	ssyncset.done $0x0  }
0x94: {  	s10 =	sadd.s32 $0x2B80, s13;
	[sflag:s21] =	ssyncadd.s32 $0xFFFFF000  }
0x95: {  	[spmem:s2] =	stream.indirect.scatter.add.f32 [tilespmem:s29], [sflag:$0x10], $0x20, s10, s14, $0xb8;
	[tilespmem:$0x11F00] =	vst v63  }
0x96: {  	_ =	swait.ge [sflag:s23], $0x1000  }
0x97: {  	[sflag:s23] =	ssyncset.done $0x0  }
0x98: {  	s10 =	sadd.s32 $0x400, s13;
	[sflag:s23] =	ssyncadd.s32 $0xFFFFF000  }
0x99: {  	[tilespmem:s15], [sflag:$0x1] =	stream.indirect.gather [hbm4b:s4+s14], $0x20, s10, s14, $0xb8;
	[tilespmem:$0x11F00] =	vst v63  }
0x9a: {  	_ =	swait.ge [sflag:s25], $0x1000  }
0x9b: {  	[sflag:s25] =	ssyncset.done $0x0  }
0x9c: {  	s10 =	sadd.s32 $0x480, s13;
	[sflag:s25] =	ssyncadd.s32 $0xFFFFF000  }
0x9d: {  	[tilespmem:s16], [sflag:$0x2] =	stream.indirect.gather [hbm4b:s4+s14], $0x20, s10, s14, $0xb8;
	[tilespmem:$0x11F00] =	vst v63  }
0x9e: {  	_ =	swait.ge [sflag:s28], $0x1000  }
0x9f: {  	[sflag:s28] =	ssyncset.done $0x0  }
0xa0: {  	s10 =	sadd.s32 $0x500, s13;
	[sflag:s28] =	ssyncadd.s32 $0xFFFFF000  }
0xa1: {  	[tilespmem:s18], [sflag:$0x3] =	stream.indirect.gather [hbm4b:s4+s14], $0x20, s10, s14, $0xb8;
	[tilespmem:$0x11F00] =	vst v63  }
0xa2: {  	_ =	swait.ge [sflag:s5], $0x1000  }
0xa3: {  	[sflag:s5] =	ssyncset.done $0x0  }
0xa4: {  	s10 =	sadd.s32 $0x580, s13;
	[sflag:s5] =	ssyncadd.s32 $0xFFFFF000  }
0xa5: {  	[tilespmem:s20], [sflag:$0x4] =	stream.indirect.gather [hbm4b:s4+s14], $0x20, s10, s14, $0xb8;
	[tilespmem:$0x11F00] =	vst v63  }
0xa6: {  	_ =	swait.ge [sflag:s6], $0x1000  }
0xa7: {  	[sflag:s6] =	ssyncset.done $0x0  }
0xa8: {  	s10 =	sadd.s32 $0x600, s13;
	[sflag:s6] =	ssyncadd.s32 $0xFFFFF000  }
0xa9: {  	[tilespmem:s22], [sflag:$0x5] =	stream.indirect.gather [hbm4b:s4+s14], $0x20, s10, s14, $0xb8;
	[tilespmem:$0x11F00] =	vst v63  }
0xaa: {  	_ =	swait.ge [sflag:s7], $0x1000  }
0xab: {  	[sflag:s7] =	ssyncset.done $0x0  }
0xac: {  	s10 =	sadd.s32 $0x680, s13;
	[sflag:s7] =	ssyncadd.s32 $0xFFFFF000  }
0xad: {  	[tilespmem:s24], [sflag:$0x6] =	stream.indirect.gather [hbm4b:s4+s14], $0x20, s10, s14, $0xb8;
	[tilespmem:$0x11F00] =	vst v63  }
0xae: {  	_ =	swait.ge [sflag:s8], $0x1000  }
0xaf: {  	[sflag:s8] =	ssyncset.done $0x0  }
.Ltmp0:
0xb0: {  	s10 =	sadd.s32 $0x700, s13;
	[sflag:s8] =	ssyncadd.s32 $0xFFFFF000;
	(pc) =	sbr.rel @p0 .LBB2_2-.Ltmp0, $4  }
0xb1: {  	[tilespmem:s26], [sflag:$0x7] =	stream.indirect.gather [hbm4b:s4+s14], $0x20, s10, s14, $0xb8;
	[tilespmem:$0x11F00] =	vst v63  }
0xb2: {  	_ =	swait.ge [sflag:s9], $0x1000  }
0xb3: {  	[sflag:s9] =	ssyncset.done $0x0  }
0xb4: {  	s13 =	sadd.s32 $0x780, s13;
	[sflag:s9] =	ssyncadd.s32 $0xFFFFF000  }
0xb5: {  	[tilespmem:s29], [sflag:$0x8] =	stream.indirect.gather [hbm4b:s4+s14], $0x20, s13, s14, $0xb8;
	[tilespmem:$0x11F00] =	vst v63  }
0xb6: {  	_ =	swait.ge [sflag:s30], $0x1000  }
0xb7: {  	[sflag:s30] =	ssyncset.done $0x0  }
0xb8: {  	s10 =	simm.s32 $0x4C00;
	[sflag:s30] =	ssyncadd.s32 $0xFFFFF000  }
0xb9: {  	[spmem:s2] =	stream.indirect.scatter.add.f32 [tilespmem:s15], [sflag:$0x9], $0x20, s10, s14, $0xb8;
	[tilespmem:$0x11F00] =	vst v63  }
0xba: {  	_ =	swait.ge [sflag:s31], $0x1000  }
0xbb: {  	[sflag:s31] =	ssyncset.done $0x0  }
0xbc: {  	s12 =	simm.s32 $0x4C80;
	[sflag:s31] =	ssyncadd.s32 $0xFFFFF000  }
0xbd: {  	[spmem:s2] =	stream.indirect.scatter.add.f32 [tilespmem:s16], [sflag:$0xA], $0x20, s12, s14, $0xb8;
	[tilespmem:$0x11F00] =	vst v63  }
0xbe: {  	_ =	swait.ge [sflag:s1], $0x1000  }
0xbf: {  	[sflag:s1] =	ssyncset.done $0x0  }
0xc0: {  	s13 =	simm.s32 $0x4D00;
	[sflag:s1] =	ssyncadd.s32 $0xFFFFF000  }
0xc1: {  	[spmem:s2] =	stream.indirect.scatter.add.f32 [tilespmem:s18], [sflag:$0xB], $0x20, s13, s14, $0xb8;
	[tilespmem:$0x11F00] =	vst v63  }
0xc2: {  	_ =	swait.ge [sflag:s0], $0x1000  }
0xc3: {  	[sflag:s0] =	ssyncset.done $0x0  }
0xc4: {  	s3 =	simm.s32 $0x4D80;
	[sflag:s0] =	ssyncadd.s32 $0xFFFFF000  }
0xc5: {  	[spmem:s2] =	stream.indirect.scatter.add.f32 [tilespmem:s20], [sflag:$0xC], $0x20, s3, s14, $0xb8;
	[tilespmem:$0x11F00] =	vst v63  }
0xc6: {  	_ =	swait.ge [sflag:s11], $0x1000  }
0xc7: {  	[sflag:s11] =	ssyncset.done $0x0  }
0xc8: {  	s12 =	simm.s32 $0x4E00;
	[sflag:s11] =	ssyncadd.s32 $0xFFFFF000  }
0xc9: {  	[spmem:s2] =	stream.indirect.scatter.add.f32 [tilespmem:s22], [sflag:$0xD], $0x20, s12, s14, $0xb8;
	[tilespmem:$0x11F00] =	vst v63  }
0xca: {  	_ =	swait.ge [sflag:s17], $0x1000  }
0xcb: {  	[sflag:s17] =	ssyncset.done $0x0  }
0xcc: {  	s13 =	simm.s32 $0x4E80;
	[sflag:s17] =	ssyncadd.s32 $0xFFFFF000  }
0xcd: {  	[spmem:s2] =	stream.indirect.scatter.add.f32 [tilespmem:s24], [sflag:$0xE], $0x20, s13, s14, $0xb8;
	[tilespmem:$0x11F00] =	vst v63  }
0xce: {  	_ =	swait.ge [sflag:s19], $0x1000  }
0xcf: {  	[sflag:s19] =	ssyncset.done $0x0  }
0xd0: {  	s3 =	simm.s32 $0x4F00;
	[sflag:s19] =	ssyncadd.s32 $0xFFFFF000  }
0xd1: {  	[spmem:s2] =	stream.indirect.scatter.add.f32 [tilespmem:s26], [sflag:$0xF], $0x20, s3, s14, $0xb8;
	[tilespmem:$0x11F00] =	vst v63  }
0xd2: {  	_ =	swait.ge [sflag:s21], $0x1000  }
0xd3: {  	[sflag:s21] =	ssyncset.done $0x0  }
0xd4: {  	s12 =	simm.s32 $0x4F80;
	[sflag:s21] =	ssyncadd.s32 $0xFFFFF000  }
0xd5: {  	[spmem:s2] =	stream.indirect.scatter.add.f32 [tilespmem:s29], [sflag:$0x10], $0x20, s12, s14, $0xb8;
	[tilespmem:$0x11F00] =	vst v63  }
0xd6: {  	_ =	swait.ge [sflag:s23], $0x1000  }
0xd7: {  	[sflag:s23] =	ssyncset.done $0x0  }
0xd8: {  	[sflag:s23] =	ssyncadd.s32 $0xFFFFF000  }
0xd9: {  	_ =	swait.ge [sflag:s25], $0x1000  }
0xda: {  	[sflag:s25] =	ssyncset.done $0x0  }
0xdb: {  	[sflag:s25] =	ssyncadd.s32 $0xFFFFF000  }
0xdc: {  	_ =	swait.ge [sflag:s28], $0x1000  }
0xdd: {  	[sflag:s28] =	ssyncset.done $0x0  }
0xde: {  	[sflag:s28] =	ssyncadd.s32 $0xFFFFF000  }
0xdf: {  	_ =	swait.ge [sflag:s5], $0x1000  }
0xe0: {  	[sflag:s5] =	ssyncset.done $0x0  }
0xe1: {  	[sflag:s5] =	ssyncadd.s32 $0xFFFFF000  }
0xe2: {  	_ =	swait.ge [sflag:s6], $0x1000  }
0xe3: {  	[sflag:s6] =	ssyncset.done $0x0  }
0xe4: {  	[sflag:s6] =	ssyncadd.s32 $0xFFFFF000  }
0xe5: {  	_ =	swait.ge [sflag:s7], $0x1000  }
0xe6: {  	[sflag:s7] =	ssyncset.done $0x0  }
0xe7: {  	[sflag:s7] =	ssyncadd.s32 $0xFFFFF000  }
0xe8: {  	_ =	swait.ge [sflag:s8], $0x1000  }
0xe9: {  	[sflag:s8] =	ssyncset.done $0x0  }
0xea: {  	[sflag:s8] =	ssyncadd.s32 $0xFFFFF000  }
0xeb: {  	_ =	swait.ge [sflag:s9], $0x1000  }
0xec: {  	[sflag:s9] =	ssyncset.done $0x0  }
0xed: {  	[sflag:s9] =	ssyncadd.s32 $0xFFFFF000  }
0xee: {  	[bflag:$0x0] =	sbarrier.arrive $0xFFFF  }
0xef: {  	s13 =	rddreg [dreg:$0x6]  }
0xf0: {  	s12 =	rddreg [dreg:$0x8]  }
0xf1: {  	s3 =	rddreg [dreg:$0x9]  }
0xf2: {  	[hbm:s13], [sflag:s3] =	dma.local [spmem:s12], $0x9E0  }
0xf3: {  	s13 =	simm.s32 $0x11  }
0xf4: {  	_ =	swait.ge [sflag:s13], $0x9E0  }
0xf5: {  	s10 =	rddreg [dreg:$0xa]  }
0xf6: {  	s12 =	rddreg [dreg:$0x7];
	s3 =	sadd.s32 $0x1, s10  }
0xf7: {  	p0 =	sne.s32 s3, s12  }
.Ltmp1:
0xf8: {  	_ = 	snop;
	(pc) =	sbr.rel @p0 .LBB2_1-.Ltmp1, $3  }
0xf9: {  	_ =	sdelay $0x1  }
0xfa: {  	[sflag:s13] =	ssyncset.done $0x0  }
0xfb: {  	[sflag:s13] =	ssyncadd.s32 $0xFFFFF620;
	[dreg:$0xa] =	wrdreg s3  }
0xfc: {  	_ =	sfence.sel $0x180000  }
0xfd: {  	[bflag:$0x0] =	sbarrier.arrive $0xFFFF  }
0xfe: {  	_ =	strace $0x9000004A  }
0xff: {  	s0 =	stileid.u32;
	[bflag:$0x2] =	sbarrier.arrive $0xFFFF  }
0x100: {  	p0 =	sne.s32 s0, $0x0;
	s0 =	rddreg [dreg:$0x2]  }
0x101: {  	s0 =	sadd.s32 @!p0 $0x100000, s0  }
0x102: {  	[sflag:s0] =	ssyncadd.tile.s32 @!p0 $0x1;
	_ =	shalt  }
.Lfunc_end2:
_tile_overlayer_lowered:
.L_overlay_start_2:
0x103: {  	(tag) =	ssettag $0x2  }
0x104: {  	s0 =	rddreg [dreg:$0x0];
	s2 =	stileid.u32  }
0x105: {  	s1 =	rddreg [dreg:$0x1];
	p0 =	sne.s32 s2, $0x0  }
0x106: {  	s3 =	rddreg [dreg:$0x2];
	[bflag:$0x3] =	sbarrier.arrive $0xFFFF;
	s2 =	simm.s32 @!p0 $0x1C11  }
0x107: {  	[timem:s3], [sflag:s2] =	dma.local @!p0 [hbm:s0], s1  }
0x108: {  	s0 =	simm.s32 @!p0 $0x11  }
0x109: {  	_ =	swait.ge @!p0 [sflag:s0], s1  }
0x10a: {  	s1 =	ssub.s32 @!p0 $0x0, s1;
	[sflag:s0] =	ssyncset.done @!p0 $0x0  }
0x10b: {  	[sflag:s0] =	ssyncadd.s32 @!p0 s1  }
0x10c: {  	[bflag:$0x3] =	sbarrier.arrive $0xFFFF  }
0x10d: {  	_ =	shalt  }

// kernel: kernel.7.cloned.1.call-start
scs
__scs_entry_jumppad:
0x0: {  	(pc) =	sbr.rel $0x88, $3  }
0x1: {  	(tag) =	ssettag $0x0;
	lr =	simm.s32 $0x1  }
0x2: {  	[smem:$0x3F96] =	sst lr;
	_ =	strace $0xD0000000  }
0x3: {  	_ = 	snop  }
0x4: {  	_ = 	snop  }
0x5: {  	_ = 	snop  }
0x6: {  	_ = 	snop  }
0x7: {  	_ = 	snop  }
__scs_overlays_trampoline_lowered:
0x8: {  	[smem:$0x3FA5] =	sst s0  }
0x9: {  	[smem:$0x3FA6] =	sst s1  }
0xa: {  	[smem:$0x3FA7] =	sst s2  }
0xb: {  	[smem:$0x3FA8] =	sst s3  }
0xc: {  	[smem:$0x3FA9] =	sst s4  }
0xd: {  	[smem:$0x3FAA] =	sst s5  }
0xe: {  	[smem:$0x3FAB] =	sst s6  }
0xf: {  	[smem:$0x3FAC] =	sst s7  }
0x10: {  	[smem:$0x3FAD] =	sst s8  }
0x11: {  	[smem:$0x3FAE] =	sst s9;
	s0 =	simm.s32 @!p0 $0x0  }
0x12: {  	s1 =	sld [smem:$0x3F94];
	s0 =	simm.s32 @p0 $0x1  }
0x13: {  	[smem:$0x3FAF] =	sst s0;
	s0 =	simm.s32 @!p1 $0x0  }
0x14: {  	s2 =	sld [smem:$0x3F93];
	s0 =	simm.s32 @p1 $0x1  }
0x15: {  	[smem:$0x3FB0] =	sst s0;
	s0 =	simm.s32 @!p2 $0x0  }
0x16: {  	s3 =	sld [smem:$0x3FDB];
	s0 =	simm.s32 @p2 $0x1  }
0x17: {  	s4 =	simm.s32 $0x1BF5;
	[smem:$0x3FB2] =	sst s0  }
0x18: {  	s0 =	sld [smem:$0x3F95];
	_ =	swait.ge [sflag:s4], $0x0  }
0x19: {  	s7 =	sld [smem:$0x3F96]  }
0x1a: {  	s8 =	sadd.s32 $0xFFFFE003, lr  }
0x1b: {  	s9 =	sadd.s32 $0xFFFFFEF7, lr;
	s5 =	simm.s32 $0xFFFFFFFF;
	p2 =	slt.u32 s8, $0xFFFFF086  }
0x1c: {  	p1 =	slt.u32 s9, $0xF7A;
	s5 =	simm.s32 @!p2 $0x0  }
0x1d: {  	s5 =	simm.s32 @p1 $0x1;
	p0 =	seq.s32 s7, s2  }
0x1e: {  	s7 =	smul.u32 @!p0 $0xF7A, s2;
	p2 =	seq.s32 @!p0 s5, $0x0  }
0x1f: {  	s9 =	smul.u32 $0xF7A, s1;
	s8 =	simm.s32 @!p0 $0x1BF5;
	p2 =	por !p2, p0  }
0x20: {  	[sflag:s8] =	ssyncset.s32 @!p0 $0xFFFFF086;
	s6 =	sadd.s32 @!p0 s3, s7;
	s7 =	simm.s32 @!p0 $0x108  }
0x21: {  	s3 =	sadd.s32 s3, s9;
	s6 =	sadd.s32 @!p0 $0x88, s6;
	s7 =	simm.s32 @p2 $0x1082  }
0x22: {  	[simem:s7], [sflag:s8] =	dma.local @!p0 [hbm:s6], $0xF7A  }
0x23: {  	s9 =	sor.u32 $0xD0000000, s2;
	s6 =	simm.s32 $0x108;
	_ =	swait.ge @!p0 [sflag:s8], $0x0  }
0x24: {  	s3 =	sadd.s32 $0x88, s3;
	s6 =	simm.s32 @!p1 $0x1082;
	[sflag:s4] =	ssyncset.s32 $0xFFFFF086  }
0x25: {  	[simem:s6], [sflag:s4] =	dma.local [hbm:s3], $0xF7A  }
0x26: {  	[smem:$0x3F96] =	sst s1;
	(tag) =	ssettag s2;
	_ =	strace s9  }
0x27: {  	s1 =	sld [smem:$0x3FA6]  }
0x28: {  	s2 =	sld [smem:$0x3FA7]  }
0x29: {  	s4 =	sld [smem:$0x3FA9]  }
0x2a: {  	p0 =	seq.s32 s5, $0x0;
	s5 =	sld [smem:$0x3FAA]  }
0x2b: {  	s6 =	sld [smem:$0x3FAB]  }
0x2c: {  	s7 =	sld [smem:$0x3FAC]  }
0x2d: {  	s3 =	simm.s32 $0x108;
	s8 =	sld [smem:$0x3FAD]  }
0x2e: {  	s3 =	simm.s32 @!p0 $0x1082;
	s9 =	sld [smem:$0x3FAE]  }
0x2f: {  	lr =	sadd.s32 s0, s3;
	s0 =	sld [smem:$0x3FA5]  }
0x30: {  	s3 =	sld [smem:$0x3FA8]  }
0x31: {  	[smem:$0x3FB1] =	sst s10  }
0x32: {  	s10 =	sld [smem:$0x3FAF];
	_ =	sdelay $0x3  }
0x33: {  	p0 =	seq.s32 s10, $0x1;
	s10 =	sld [smem:$0x3FB1];
	_ =	sdelay $0x3  }
0x34: {  	[smem:$0x3FB1] =	sst s10  }
0x35: {  	s10 =	sld [smem:$0x3FB0];
	_ =	sdelay $0x3  }
0x36: {  	p1 =	seq.s32 s10, $0x1;
	s10 =	sld [smem:$0x3FB1];
	_ =	sdelay $0x3  }
0x37: {  	[smem:$0x3FB1] =	sst s10  }
0x38: {  	s10 =	sld [smem:$0x3FB2]  }
0x39: {  	_ = 	snop;
	(pc) =	sbr.ind lr, $3  }
0x3a: {  	_ = 	snop  }
0x3b: {  	_ = 	snop  }
0x3c: {  	p2 =	seq.s32 s10, $0x1;
	s10 =	sld [smem:$0x3FB1]  }
0x3d: {  	_ =	shalt  }
0x3e: {  	_ =	shalt  }
0x3f: {  	_ =	shalt  }
0x40: {  	_ =	shalt  }
0x41: {  	_ =	shalt  }
0x42: {  	_ =	shalt  }
0x43: {  	_ =	shalt  }
0x44: {  	_ =	shalt  }
0x45: {  	_ =	shalt  }
0x46: {  	_ =	shalt  }
0x47: {  	_ =	shalt  }
0x48: {  	_ =	shalt  }
0x49: {  	_ =	shalt  }
0x4a: {  	_ =	shalt  }
0x4b: {  	_ =	shalt  }
0x4c: {  	_ =	shalt  }
0x4d: {  	_ =	shalt  }
0x4e: {  	_ =	shalt  }
0x4f: {  	_ =	shalt  }
0x50: {  	_ =	shalt  }
0x51: {  	_ =	shalt  }
0x52: {  	_ =	shalt  }
0x53: {  	_ =	shalt  }
0x54: {  	_ =	shalt  }
0x55: {  	_ =	shalt  }
0x56: {  	_ =	shalt  }
0x57: {  	_ =	shalt  }
0x58: {  	_ =	shalt  }
0x59: {  	_ =	shalt  }
0x5a: {  	_ =	shalt  }
0x5b: {  	_ =	shalt  }
0x5c: {  	_ =	shalt  }
0x5d: {  	_ =	shalt  }
0x5e: {  	_ =	shalt  }
0x5f: {  	_ =	shalt  }
0x60: {  	_ =	shalt  }
0x61: {  	_ =	shalt  }
0x62: {  	_ =	shalt  }
0x63: {  	_ =	shalt  }
0x64: {  	_ =	shalt  }
0x65: {  	_ =	shalt  }
0x66: {  	_ =	shalt  }
0x67: {  	_ =	shalt  }
0x68: {  	_ =	shalt  }
0x69: {  	_ =	shalt  }
0x6a: {  	_ =	shalt  }
0x6b: {  	_ =	shalt  }
0x6c: {  	_ =	shalt  }
0x6d: {  	_ =	shalt  }
0x6e: {  	_ =	shalt  }
0x6f: {  	_ =	shalt  }
0x70: {  	_ =	shalt  }
0x71: {  	_ =	shalt  }
0x72: {  	_ =	shalt  }
0x73: {  	_ =	shalt  }
0x74: {  	_ =	shalt  }
0x75: {  	_ =	shalt  }
0x76: {  	_ =	shalt  }
0x77: {  	_ =	shalt  }
0x78: {  	_ =	shalt  }
0x79: {  	_ =	shalt  }
0x7a: {  	_ =	shalt  }
0x7b: {  	_ =	shalt  }
0x7c: {  	_ =	shalt  }
0x7d: {  	_ =	shalt  }
0x7e: {  	_ =	shalt  }
0x7f: {  	_ =	shalt  }
0x80: {  	_ =	shalt  }
0x81: {  	_ =	shalt  }
0x82: {  	_ =	shalt  }
0x83: {  	_ =	shalt  }
0x84: {  	_ =	shalt  }
0x85: {  	_ =	shalt  }
0x86: {  	_ =	shalt  }
0x87: {  	_ =	shalt  }
.Lfunc_end0:
.L_simem_size_0:
called_computation_lowered:
.L_overlay_start_0:
0x88: {  	s2 =	sld [smem:$0x3FD9]  }
0x89: {  	s3 =	sld [smem:$0x3FFE];
	_ =	sdelay $0x1  }
0x8a: {  	s1 =	srdreg.scid  }
0x8b: {  	s0 =	sand.u32 $0x1, s1  }
0x8c: {  	s16 =	sshll.u32 s0, $0xA;
	s2 =	sadd.s32 s3, s2  }
0x8d: {  	s2 =	sadd.s32 s2, s16  }
0x8e: {  	[smem:$0x3FBD] =	sst s2  }
0x8f: {  	_ = 	snop  }
0x90: {  	(tm) =	ssettm $0x1  }
0x91: {  	s17 =	sld [smem:$0x3FFB];
	_ =	sdelay $0x3  }
0x92: {  	_ =	strace s17  }
0x93: {  	s2 =	sld [smem:$0x3FFC];
	_ =	sdelay $0x3  }
0x94: {  	_ =	strace s2  }
0x95: {  	s2 =	sld [smem:$0x3FFD];
	_ =	sdelay $0x3  }
0x96: {  	_ =	strace s2  }
0x97: {  	_ =	strace $0x8FFFFFFF  }
0x98: {  	s18 =	sld [smem:$0x3FDB];
	_ =	sdelay $0x1  }
0x99: {  	s19 =	simm.s32 $_scs_section_size  }
0x9a: {  	s4 =	simm.s32 $_size__tile_overlayer_lowered;
	s5 =	simm.s32 $_tile_overlayer_lowered  }
0x9b: {  	s22 =	simm.s32 $0x1BFF;
	s21 =	sshll.u32 s5, $0x1;
	s2 =	sadd.s32 s19, s18  }
0x9c: {  	s6 =	simm.s32 $0x0;
	s20 =	sshll.u32 s4, $0x1;
	s4 =	sadd.s32 s21, s2  }
0x9d: {  	[timem:s6], [sflag:s22] =	dma.local [hbm:s4], s20  }
0x9e: {  	_ =	swait.ge [sflag:s22], s20  }
0x9f: {  	s3 =	ssub.s32 $0x0, s20;
	[sflag:s22] =	ssyncset.done $0x0  }
0xa0: {  	[sflag:s22] =	ssyncadd.s32 s3;
	_ =	sdelay $0x1  }
0xa1: {  	s23 =	simm.s32 $0x1B8B  }
0xa2: {  	_ =	swait.ge [sflag:s23], $0x1  }
0xa3: {  	[sflag:s23] =	ssyncset.done $0x0  }
0xa4: {  	s25 =	simm.s32 $0x1B8E;
	s24 =	sld [smem:$0x3FFE];
	[sflag:s23] =	ssyncadd.s32 $0xFFFFFFFF  }
0xa5: {  	s26 =	simm.s32 $execute0_lowered;
	[smem:$0x3FD2] =	sst s25  }
0xa6: {  	s4 =	sshll.u32 s26, $0x1;
	_ =	strace $0x80000046;
	[dreg:$0x1] =	wrdreg $0xFFFFFFFF  }
0xa7: {  	s28 =	simm.s32 $_size_execute0_lowered;
	s2 =	sadd.s32 s2, s4;
	[dreg:$0x0] =	wrdreg $0x0  }
0xa8: {  	s4 =	sshll.u32 s28, $0x1;
	[dreg:$0x2] =	wrdreg s2  }
0xa9: {  	[dreg:$0x3] =	wrdreg s4  }
0xaa: {  	[dreg:$0x4] =	wrdreg $0xC0  }
0xab: {  	_ =	task [dreg:s6], $0x5FFFF  }
0xac: {  	[dreg:$0x1] =	wrdreg $0xFFFFFFFF  }
0xad: {  	[dreg:$0x0] =	wrdreg $0x60  }
0xae: {  	[dreg:$0x2] =	wrdreg s24  }
0xaf: {  	[dreg:$0x3] =	wrdreg $0x30000  }
0xb0: {  	[dreg:$0x4] =	wrdreg $0x9  }
0xb1: {  	_ =	task.clear_ibuf [dreg:s6], $0x5FFFF;
	_ =	strace $0x90000046  }
0xb2: {  	s29 =	simm.s32 $0x9;
	_ =	strace $0x80000048  }
0xb3: {  	_ =	swait.ge [sflag:s29], $0x1  }
0xb4: {  	[sflag:s29] =	ssyncadd.s32 $0xFFFFFFFF  }
0xb5: {  	_ =	strace $0x90000048  }
0xb6: {  	_ =	sfence  }
0xb7: {  	s30 =	sld [smem:$0x0];
	_ =	sdelay $0x2  }
0xb8: {  	s31 =	sshll.u32 s1, $0xD;
	s1 =	sshrl.u32 s1, $0x2  }
0xb9: {  	s3 =	sand.u32 $0x4000, s31;
	s1 =	sadd.s32 s1, s30  }
0xba: {  	s0 =	sor.u32 s3, s0;
	s1 =	sshll.u32 s1, $0x11  }
0xbb: {  	s0 =	sor.u32 s1, s0  }
0xbc: {  	s0 =	sadd.s32 $0x8F2B, s0  }
0xbd: {  	[sflag:s0] =	ssyncadd.remote.s32 $0x1  }
0xbe: {  	_ =	sfence.sel $0xFFFF  }
0xbf: {  	[dreg:$0x0] =	wrdreg $0xFFFFFFFF;
	(pc) =	sbr.abs _section_cstart, $3  }
0xc0: {  	[dreg:$0x1] =	wrdreg $0xFFFFFFFF  }
0xc1: {  	_ =	task.clear_ibuf [dreg:s6], $0x2FFFF;
	_ =	strace $0x9FFFFFFF  }
0xc2: {  	(tm) =	ssettm $0x7FFFFFFF  }
0xc3: {  	_ =	shalt  }
tec
execute0_lowered:
.L_overlay_start_1:
0x0: {  	(tag) =	ssettag $0x1  }
0x1: {  	s4 =	rddreg [dreg:$0x0]  }
0x2: {  	s2 =	rddreg [dreg:$0x1];
	s3 =	srdreg.scid  }
0x3: {  	s0 =	rddreg [dreg:$0x2];
	s1 =	stileid.u32;
	s12 =	simm.s32 $0x2800  }
0x4: {  	s13 =	simm.s32 $0x0;
	s5 =	sand.u32 $0x1, s3;
	s3 =	simm.s32 $0x0  }
0x5: {  	s6 =	smul.u32 $0x2780, s1;
	s31 =	sshll.u32 s1, $0x6;
	s7 =	sshll.u32 s5, $0x4  }
0x6: {  	[smem:$0x7FF] =	sst s3;
	s8 =	smul.u32 $0x27800, s5;
	s5 =	ssub.s32 $0x2, s5  }
0x7: {  	s7 =	sor.u32 s1, s7;
	_ =	strace $0x80000047;
	s9 =	sshrl.u32 s6, $0x3  }
0x8: {  	s10 =	sshrl.u32 s5, $0x1;
	s11 =	sadd.s32 s6, s2;
	s7 =	smul.u32 $0x2800, s7  }
0x9: {  	s9 =	sadd.s32 s9, s4;
	s8 =	sadd.s32 s6, s8;
	s10 =	ssub.s32 s5, s10  }
0xa: {  	s8 =	sshrl.u32 s8, $0x3;
	s5 =	sadd.s32 $0x15800, s9;
	s7 =	sshrl.u32 s7, $0x3  }
0xb: {  	s9 =	sor.u32 $0x1C01, s31;
	s8 =	sadd.s32 s8, s4;
	s4 =	sadd.s32 s4, s7  }
0xc: {  	s6 =	sadd.s32 $0x1A800, s8;
	s7 =	smax.u32 s10, $0x1;
	s8 =	simm.s32 $0x1  }
0xd: {  	v0 =	vimm.f32 $1.000000000e+00;
	s10 =	sshrl.u32 s11, $0x3;
	s11 =	simm.s32 $0x80;
	s4 =	sadd.s32 $0xB800, s4  }
.LBB2_1:
0xe: {  	[tilespmem:s3], [sflag:$0x1] =	stream.linear.gather [hbm4b:s4+s3], $0x2800, $0x38;
	[tilespmem:$0x5780] =	vst v63  }
0xf: {  	_ =	swait.ge [sflag:s8], $0x2800  }
0x10: {  	[sflag:s8] =	ssyncset.done $0x0  }
0x11: {  	s14 =	simm.s32 $0x40;
	s15 =	simm.s32 $0x0;
	[sflag:s8] =	ssyncadd.s32 $0xFFFFD800  }
.LBB2_2:
0x12: {  	p0 =	sne.s32 s14, $0x1FC0;
	[tilespmem:s15+$0x2800] =	vst v0;
	s15 =	smov.u32 s14;
	s14 =	sadd.s32 $0x40, s14  }
.Ltmp0:
0x13: {  	(pc) =	sbr.rel @p0 .LBB2_2-.Ltmp0, $2  }
0x14: {  	_ =	sdelay $0x2  }
0x15: {  	s15 =	sshra.s32 s15, $0x2  }
0x16: {  	[tilespmem:s15+$0x2800] =	vst v0  }
0x17: {  	[spmem:s10], [sflag:s9] =	dma.local [hbm:s5], $0x4F0  }
0x18: {  	_ =	swait.ge [sflag:s8], $0x4F0  }
0x19: {  	[sflag:s8] =	ssyncset.done $0x0  }
0x1a: {  	[sflag:s8] =	ssyncadd.s32 $0xFFFFFB10  }
0x1b: {  	s14 =	simm.s32 $0x0;
	[bflag:$0x0] =	sbarrier.arrive $0xFFFF  }
0x1c: {  	[spmem:s2] =	stream.indirect.scatter.add.f32 [tilespmem:s12], [sflag:$0x1], $0x10, s14, s11, $0xb8;
	[tilespmem:$0x5780] =	vst v63  }
0x1d: {  	_ =	swait.ge [sflag:s8], $0x800  }
0x1e: {  	s14 =	simm.s32 $0x200;
	[sflag:s8] =	ssyncset.done $0x0  }
.LBB2_4:
0x1f: {  	s15 =	sshra.s32 s14, $0x2;
	[sflag:s8] =	ssyncadd.s32 $0xFFFFF800;
	p0 =	sne.s32 s14, $0x9E00  }
0x20: {  	[spmem:s2] =	stream.indirect.scatter.add.f32 [tilespmem:s12], [sflag:$0x1], $0x10, s15, s11, $0xb8;
	[tilespmem:$0x5780] =	vst v63  }
.Ltmp1:
0x21: {  	_ = 	snop;
	(pc) =	sbr.rel @p0 .LBB2_4-.Ltmp1, $4  }
0x22: {  	_ = 	snop  }
0x23: {  	s14 =	sadd.s32 $0x200, s14  }
0x24: {  	_ =	swait.ge [sflag:s8], $0x800  }
0x25: {  	[sflag:s8] =	ssyncset.done $0x0  }
0x26: {  	s13 =	sadd.s32 $0x1, s13  }
0x27: {  	[sflag:s8] =	ssyncadd.s32 $0xFFFFF800;
	p0 =	sne.s32 s13, s7  }
.Ltmp2:
0x28: {  	[bflag:$0x0] =	sbarrier.arrive $0xFFFF;
	(pc) =	sbr.rel @p0 .LBB2_1-.Ltmp2, $4  }
0x29: {  	[hbm:s6], [sflag:s9] =	dma.local [spmem:s10], $0x4F0  }
0x2a: {  	_ =	swait.ge [sflag:s8], $0x4F0  }
0x2b: {  	[sflag:s8] =	ssyncset.done $0x0  }
0x2c: {  	[sflag:s8] =	ssyncadd.s32 $0xFFFFFB10  }
0x2d: {  	_ =	sfence.sel $0x180000  }
0x2e: {  	[bflag:$0x0] =	sbarrier.arrive $0xFFFF  }
0x2f: {  	p0 =	sne.s32 s1, $0x0;
	_ =	strace $0x90000047  }
0x30: {  	s0 =	sadd.s32 @!p0 $0x100000, s0;
	[bflag:$0x2] =	sbarrier.arrive $0xFFFF  }
0x31: {  	[sflag:s0] =	ssyncadd.tile.s32 @!p0 $0x1;
	_ =	shalt  }
.Lfunc_end2:
_tile_overlayer_lowered:
.L_overlay_start_2:
0x32: {  	(tag) =	ssettag $0x2  }
0x33: {  	s0 =	rddreg [dreg:$0x0];
	s2 =	stileid.u32  }
0x34: {  	s1 =	rddreg [dreg:$0x1];
	p0 =	sne.s32 s2, $0x0  }
0x35: {  	s3 =	rddreg [dreg:$0x2];
	[bflag:$0x3] =	sbarrier.arrive $0xFFFF;
	s2 =	simm.s32 @!p0 $0x1C01  }
0x36: {  	[timem:s3], [sflag:s2] =	dma.local @!p0 [hbm:s0], s1  }
0x37: {  	s0 =	simm.s32 @!p0 $0x1  }
0x38: {  	_ =	swait.ge @!p0 [sflag:s0], s1  }
0x39: {  	s1 =	ssub.s32 @!p0 $0x0, s1;
	[sflag:s0] =	ssyncset.done @!p0 $0x0  }
0x3a: {  	[sflag:s0] =	ssyncadd.s32 @!p0 s1  }
0x3b: {  	[bflag:$0x3] =	sbarrier.arrive $0xFFFF  }
0x3c: {  	_ =	shalt  }

</sc_bundles>
